<compile_context>
chip_gen: v7x
topology: tpu7x:2x2x1
jax: 0.10.2.dev20260603
libtpu: 0.0.44.dev20260713+nightly
codegen_flags: <defaults>
</compile_context>

<pallas_src>
import functools

import jax
import jax.numpy as jnp
from jax import lax
from jax.experimental import pallas as pl
from jax.experimental.pallas import tpu as pltpu
from jax.experimental.pallas import tpu_sc as plsc

NUM_KNOTS = 10
LOG_DEPTH_MIN = -3.0
LOG_DEPTH_MAX = 5.0
REF_IDX = 3
INV_H = (NUM_KNOTS - 1) / (LOG_DEPTH_MAX - LOG_DEPTH_MIN)

NC, NS, L = 2, 16, 16
NW = NC * NS

N_TOTAL = 16 * 512 * 512
PER_W = N_TOTAL // NW
CHUNK = 16384
NCHUNK = PER_W // CHUNK
UNROLL = 16


def _spline_body(ld_hbm, ky_hbm, out_hbm,
                 ky_v, y2_v, dy_v, b_v, inb, outb,
                 sem_ky, sem_in0, sem_in1, sem_out0, sem_out1):
    wid = lax.axis_index("s") * NC + lax.axis_index("c")
    base = wid * PER_W

    sem_in = (sem_in0, sem_in1)
    sem_out = (sem_out0, sem_out1)

    def start_in(i, b):
        return pltpu.async_copy(
            ld_hbm.at[pl.ds(base + i * CHUNK, CHUNK)], inb.at[b], sem_in[b])

    def start_out(i, b):
        return pltpu.async_copy(
            outb.at[b], out_hbm.at[pl.ds(base + i * CHUNK, CHUNK)], sem_out[b])

    h_in0 = start_in(0, 0)
    h_in1 = start_in(1, 1)

    pltpu.sync_copy(ky_hbm, ky_v.at[pl.ds(0, NUM_KNOTS)])
    ky = ky_v[...]
    lane = lax.iota(jnp.int32, 16)
    y2 = jnp.where(lane == REF_IDX, 0.0, ky)
    y2_v[...] = y2
    y2_next = plsc.load_gather(y2_v, [jnp.minimum(lane + 1, 15)])
    dy = jnp.where(lane >= NUM_KNOTS - 1, 0.0,
                   jnp.maximum(y2_next - y2, 0.0))
    dy_v[...] = dy
    b_v[...] = y2 - lane.astype(jnp.float32) * dy

    u_hi = jnp.float32(8.999999)

    def compute(b):
        @plsc.parallel_loop(0, CHUNK, step=L, unroll=UNROLL)
        def body(off):
            v = inb[b, pl.ds(off, L)]
            u = v * INV_H + (-LOG_DEPTH_MIN * INV_H)
            u = jnp.minimum(jnp.maximum(u, 0.0), u_hi)
            idx = u.astype(jnp.int32)
            bi = plsc.load_gather(b_v, [idx])
            ai = plsc.load_gather(dy_v, [idx])
            res = bi + u * ai
            oob = (v < LOG_DEPTH_MIN) | (v > LOG_DEPTH_MAX)
            outb[b, pl.ds(off, L)] = jnp.where(oob, v, res)

    h_in = [None] * NCHUNK
    h_out = [None] * NCHUNK
    h_in[0], h_in[1] = h_in0, h_in1
    for i in range(NCHUNK):
        b = i % 2
        h_in[i].wait()
        if i >= 2:
            h_out[i - 2].wait()
        compute(b)
        h_out[i] = start_out(i, b)
        if i + 2 < NCHUNK:
            h_in[i + 2] = start_in(i + 2, b)
    h_out[NCHUNK - 2].wait()
    h_out[NCHUNK - 1].wait()


@functools.partial(jax.jit, static_argnames=())
def kernel(log_depth, knots_y):
    ld_flat = log_depth.reshape(-1)
    mesh = plsc.VectorSubcoreMesh(core_axis_name="c", subcore_axis_name="s")
    run = functools.partial(
        pl.kernel,
        out_type=jax.ShapeDtypeStruct((N_TOTAL,), jnp.float32),
        mesh=mesh,
        compiler_params=pltpu.CompilerParams(
            needs_layout_passes=False,
            disable_bounds_checks=True,
            disable_semaphore_checks=True),
        scratch_types=[
            pltpu.VMEM((16,), jnp.float32),
            pltpu.VMEM((16,), jnp.float32),
            pltpu.VMEM((16,), jnp.float32),
            pltpu.VMEM((16,), jnp.float32),
            pltpu.VMEM((2, CHUNK), jnp.float32),
            pltpu.VMEM((2, CHUNK), jnp.float32),
            pltpu.SemaphoreType.DMA,
            pltpu.SemaphoreType.DMA,
            pltpu.SemaphoreType.DMA,
            pltpu.SemaphoreType.DMA,
            pltpu.SemaphoreType.DMA,
        ],
    )(_spline_body)
    out = run(ld_flat, knots_y)
    return out.reshape(log_depth.shape)

# --- scband reference (transcript-rebuilt; emitter-appended) ---
"""Pipeline reference for scband-monotonic-cubic-spline-31860067401781 (READ-ONLY COPY).

The authoritative reference and input builder live on the scoring server;
editing this copy changes nothing except your own understanding.
"""

import jax, jax.numpy as jnp
import numpy as np

NUM_KNOTS = 10
LOG_DEPTH_MIN = -3.0
LOG_DEPTH_MAX = 5.0
REFERENCE_LOG_DEPTH = 0.0


def setup_inputs(seed: int = 0) -> dict:
    key = jax.random.key(seed)
    log_depth = jax.random.normal(key, (16, 512, 512), dtype=jnp.float32)
    # learned parameter knots_y, initialized like the torch module:
    # knots_y_init = knots_x clone; ref knot not snapped since min dist (0.333) >= 0.1
    knots_y = jnp.linspace(LOG_DEPTH_MIN, LOG_DEPTH_MAX, NUM_KNOTS).astype(jnp.float32)
    return {"log_depth": log_depth, "knots_y": knots_y}


def _forward(log_depth, knots_y):
    knots_x = jnp.linspace(LOG_DEPTH_MIN, LOG_DEPTH_MAX, NUM_KNOTS).astype(knots_y.dtype)
    # freeze reference point: overwrite value (no-grad in torch via .data assignment)
    ref_idx = jnp.argmin(jnp.abs(knots_x - REFERENCE_LOG_DEPTH))
    delta = jax.lax.stop_gradient(knots_y[ref_idx] - REFERENCE_LOG_DEPTH)
    knots_y = knots_y - delta * jax.nn.one_hot(ref_idx, NUM_KNOTS, dtype=knots_y.dtype)

    ld_c = jnp.clip(log_depth, LOG_DEPTH_MIN, LOG_DEPTH_MAX)
    # exact-knot matches (torch.isclose with rtol=1e-5 default, atol=1e-6)
    close = jnp.stack([jnp.isclose(ld_c, knots_x[i], rtol=1e-5, atol=1e-6) for i in range(NUM_KNOTS)], axis=0)
    result = jnp.zeros_like(ld_c)
    for i in range(NUM_KNOTS):
        result = jnp.where(close[i], knots_y[i], result)
    mask_interp = ~jnp.any(close, axis=0)

    indices = jnp.searchsorted(knots_x, ld_c, side='right')
    indices = jnp.clip(indices - 1, 0, NUM_KNOTS - 2)
    x0 = knots_x[indices]
    x1 = knots_x[indices + 1]
    y0 = knots_y[indices]
    y1 = knots_y[indices + 1]
    y1_clamped = jnp.where(y1 < y0, y0, y1)
    t = (ld_c - x0) / (x1 - x0 + 1e-8)
    t = jnp.clip(t, 0.0, 1.0)
    interp = y0 + t * (y1_clamped - y0)
    result = jnp.where(mask_interp, interp, result)

    result = jnp.where(log_depth < LOG_DEPTH_MIN, log_depth, result)
    result = jnp.where(log_depth > LOG_DEPTH_MAX, log_depth, result)
    return result


def reference(log_depth, knots_y):
    return _forward(log_depth, knots_y)

if __name__ == "__main__":
    import jax
    _d = setup_inputs()
    print(jax.jit(kernel)(*tuple(_d.values())))

</pallas_src>

<mosaic_0001>
#map = affine_map<(d0, d1) -> (0)>
module attributes {stable_mosaic.version = 14 : i64} {
  func.func @_spline_body(%arg0: i32, %arg1: i32, %arg2: memref<4194304xf32, #tpu.memory_space<hbm>>, %arg3: memref<10xf32, #tpu.memory_space<hbm>>, %arg4: memref<4194304xf32, #tpu.memory_space<hbm>>, %arg5: memref<16xf32, #tpu.memory_space<vmem>>, %arg6: memref<16xf32, #tpu.memory_space<vmem>>, %arg7: memref<16xf32, #tpu.memory_space<vmem>>, %arg8: memref<16xf32, #tpu.memory_space<vmem>>, %arg9: memref<2x16384xf32, #tpu.memory_space<vmem>>, %arg10: memref<2x16384xf32, #tpu.memory_space<vmem>>, %arg11: memref<!tpu.dma_semaphore, #tpu.memory_space<semaphore_mem>>, %arg12: memref<!tpu.dma_semaphore, #tpu.memory_space<semaphore_mem>>, %arg13: memref<!tpu.dma_semaphore, #tpu.memory_space<semaphore_mem>>, %arg14: memref<!tpu.dma_semaphore, #tpu.memory_space<semaphore_mem>>, %arg15: memref<!tpu.dma_semaphore, #tpu.memory_space<semaphore_mem>>) attributes {dimension_semantics = [#tpu.dimension_semantics<core_parallel>, #tpu.dimension_semantics<subcore_parallel>], iteration_bounds = array<i64: 2, 16>, scalar_prefetch = 0 : i64, scratch_operands = 11 : i64, tpu.core_type = #tpu.core_type<sc_vector_subcore>, window_params = [{transform_indices = #map}, {transform_indices = #map}, {transform_indices = #map}]} {
    %mul3A = arith.constant 2 : i32
    %mul3A_0 = arith.muli %arg1, %mul3A : i32
    %add3A = arith.addi %mul3A_0, %arg0 : i32
    %mul3A_1 = arith.constant 131072 : i32
    %mul3A_2 = arith.muli %add3A, %mul3A_1 : i32
    %add3A_3 = arith.constant 0 : i32
    %add3A_4 = arith.addi %mul3A_2, %add3A_3 : i32
    %dma_start3A = arith.constant 0 : i32
    %dma_start3A_5 = arith.constant 0 : i32
    %dma_start3A_6 = tpu.memref_slice %arg9[%dma_start3A, %dma_start3A_5] : memref<2x16384xf32, #tpu.memory_space<vmem>> -> memref<1x16384xf32, #tpu.memory_space<vmem>>
    %dma_start3A_7 = tpu.memref_squeeze %dma_start3A_6 : memref<1x16384xf32, #tpu.memory_space<vmem>> -> memref<16384xf32, #tpu.memory_space<vmem>>
    %dma_start3A_8 = tpu.memref_slice %arg2[%add3A_4] : memref<4194304xf32, #tpu.memory_space<hbm>> -> memref<16384xf32, #tpu.memory_space<hbm>>
    %dma_start3A_9 = arith.constant 0 : i32
    %dma_start3A_10 = tpu.memref_slice %arg9[%dma_start3A, %dma_start3A_9] : memref<2x16384xf32, #tpu.memory_space<vmem>> -> memref<1x16384xf32, #tpu.memory_space<vmem>>
    %dma_start3A_11 = tpu.memref_squeeze %dma_start3A_10 : memref<1x16384xf32, #tpu.memory_space<vmem>> -> memref<16384xf32, #tpu.memory_space<vmem>>
    %dma_start3A_12 = tpu.memref_slice %arg2[%add3A_4] : memref<4194304xf32, #tpu.memory_space<hbm>> -> memref<16384xf32, #tpu.memory_space<hbm>>
    tpu.enqueue_dma source(%dma_start3A_12 : memref<16384xf32, #tpu.memory_space<hbm>>) target(%dma_start3A_11 : memref<16384xf32, #tpu.memory_space<vmem>>) target_semaphore(%arg12 : memref<!tpu.dma_semaphore, #tpu.memory_space<semaphore_mem>>)
    %add3A_13 = arith.constant 16384 : i32
    %add3A_14 = arith.addi %mul3A_2, %add3A_13 : i32
    %dma_start3A_15 = arith.constant 1 : i32
    %dma_start3A_16 = arith.constant 0 : i32
    %dma_start3A_17 = tpu.memref_slice %arg9[%dma_start3A_15, %dma_start3A_16] : memref<2x16384xf32, #tpu.memory_space<vmem>> -> memref<1x16384xf32, #tpu.memory_space<vmem>>
    %dma_start3A_18 = tpu.memref_squeeze %dma_start3A_17 : memref<1x16384xf32, #tpu.memory_space<vmem>> -> memref<16384xf32, #tpu.memory_space<vmem>>
    %dma_start3A_19 = tpu.memref_slice %arg2[%add3A_14] : memref<4194304xf32, #tpu.memory_space<hbm>> -> memref<16384xf32, #tpu.memory_space<hbm>>
    %dma_start3A_20 = arith.constant 0 : i32
    %dma_start3A_21 = tpu.memref_slice %arg9[%dma_start3A_15, %dma_start3A_20] : memref<2x16384xf32, #tpu.memory_space<vmem>> -> memref<1x16384xf32, #tpu.memory_space<vmem>>
    %dma_start3A_22 = tpu.memref_squeeze %dma_start3A_21 : memref<1x16384xf32, #tpu.memory_space<vmem>> -> memref<16384xf32, #tpu.memory_space<vmem>>
    %dma_start3A_23 = tpu.memref_slice %arg2[%add3A_14] : memref<4194304xf32, #tpu.memory_space<hbm>> -> memref<16384xf32, #tpu.memory_space<hbm>>
    tpu.enqueue_dma source(%dma_start3A_23 : memref<16384xf32, #tpu.memory_space<hbm>>) target(%dma_start3A_22 : memref<16384xf32, #tpu.memory_space<vmem>>) target_semaphore(%arg13 : memref<!tpu.dma_semaphore, #tpu.memory_space<semaphore_mem>>)
    "tpu.region"() ({
      %run_scoped3A = tpu.sem_alloc : memref<!tpu.dma_semaphore, #tpu.memory_space<semaphore_mem>>
      %dma_start3A_374 = arith.constant 0 : i32
      %dma_start3A_375 = tpu.memref_slice %arg5[%dma_start3A_374] : memref<16xf32, #tpu.memory_space<vmem>> -> memref<10xf32, #tpu.memory_space<vmem>>
      %dma_start3A_376 = arith.constant 0 : i32
      %dma_start3A_377 = tpu.memref_slice %arg5[%dma_start3A_376] : memref<16xf32, #tpu.memory_space<vmem>> -> memref<10xf32, #tpu.memory_space<vmem>>
      tpu.enqueue_dma source(%arg3 : memref<10xf32, #tpu.memory_space<hbm>>) target(%dma_start3A_377 : memref<10xf32, #tpu.memory_space<vmem>>) target_semaphore(%run_scoped3A : memref<!tpu.dma_semaphore, #tpu.memory_space<semaphore_mem>>)
      %dma_wait3A_378 = arith.constant 0 : i32
      %dma_wait3A_379 = tpu.memref_slice %arg5[%dma_wait3A_378] : memref<16xf32, #tpu.memory_space<vmem>> -> memref<10xf32, #tpu.memory_space<vmem>>
      %dma_wait3A_380 = arith.constant 0 : i32
      %dma_wait3A_381 = tpu.memref_slice %arg5[%dma_wait3A_380] : memref<16xf32, #tpu.memory_space<vmem>> -> memref<10xf32, #tpu.memory_space<vmem>>
      tpu.wait_dma2 semaphore(%run_scoped3A : memref<!tpu.dma_semaphore, #tpu.memory_space<semaphore_mem>>) src(%arg3 : memref<10xf32, #tpu.memory_space<hbm>>) dst(%dma_wait3A_381 : memref<10xf32, #tpu.memory_space<vmem>>)
      tpu.yield
    }) : () -> ()
    %get3A = arith.constant 0 : index
    %get3A_24 = tpu.vector_load %arg5[%get3A] {strides = array<i32>} : memref<16xf32, #tpu.memory_space<vmem>>, vector<16xf32>,
    %iota3A = tpu.iota {dimensions = array<i32: 0>} : vector<16xi32>
    %eq3A = arith.constant 3 : i32
    %eq3A_25 = vector.broadcast %eq3A : i32 to vector<16xi32>
    %eq3A_26 = arith.cmpi eq, %iota3A, %eq3A_25 : vector<16xi32>
    %jit3A = arith.constant 0.000000e+00 : f32
    %broadcast_in_dim3A = vector.broadcast %jit3A : f32 to vector<16xf32>
    %select_n3A = arith.select %eq3A_26, %broadcast_in_dim3A, %get3A_24 : vector<16xi1>, vector<16xf32>
    %swap3A = arith.constant 0 : index
    %swap3A_27 = tpu.vector_load %arg6[%swap3A] {strides = array<i32>} : memref<16xf32, #tpu.memory_space<vmem>>, vector<16xf32>,
    tpu.vector_store %arg6[%swap3A], %select_n3A {strides = array<i32>} : memref<16xf32, #tpu.memory_space<vmem>>, vector<16xf32>,
    %add3A_28 = arith.constant 1 : i32
    %add3A_29 = vector.broadcast %add3A_28 : i32 to vector<16xi32>
    %add3A_30 = arith.addi %iota3A, %add3A_29 : vector<16xi32>
    %min3A = arith.constant 15 : i32
    %min3A_31 = vector.broadcast %min3A : i32 to vector<16xi32>
    %min3A_32 = arith.minsi %add3A_30, %min3A_31 : vector<16xi32>
    %gather3A = tpu.vector_load_idx %arg6[%min3A_32] : memref<16xf32, #tpu.memory_space<vmem>>[vector<16xi32>], vector<16xf32>,
    %ge3A = arith.constant 9 : i32
    %ge3A_33 = vector.broadcast %ge3A : i32 to vector<16xi32>
    %ge3A_34 = arith.cmpi sge, %iota3A, %ge3A_33 : vector<16xi32>
    %sub3A = arith.subf %gather3A, %select_n3A : vector<16xf32>
    %max3A = arith.constant 0.000000e+00 : f32
    %max3A_35 = vector.broadcast %max3A : f32 to vector<16xf32>
    %max3A_36 = arith.maximumf %sub3A, %max3A_35 : vector<16xf32>
    %jit3A_37 = arith.constant 0.000000e+00 : f32
    %broadcast_in_dim3A_38 = vector.broadcast %jit3A_37 : f32 to vector<16xf32>
    %select_n3A_39 = arith.select %ge3A_34, %broadcast_in_dim3A_38, %max3A_36 : vector<16xi1>, vector<16xf32>
    %swap3A_40 = arith.constant 0 : index
    %swap3A_41 = tpu.vector_load %arg7[%swap3A_40] {strides = array<i32>} : memref<16xf32, #tpu.memory_space<vmem>>, vector<16xf32>,
    tpu.vector_store %arg7[%swap3A_40], %select_n3A_39 {strides = array<i32>} : memref<16xf32, #tpu.memory_space<vmem>>, vector<16xf32>,
    %convert_element_type3A = arith.sitofp %iota3A : vector<16xi32> to vector<16xf32>
    %mul3A_42 = arith.mulf %convert_element_type3A, %select_n3A_39 : vector<16xf32>
    %sub3A_43 = arith.subf %select_n3A, %mul3A_42 : vector<16xf32>
    %swap3A_44 = arith.constant 0 : index
    %swap3A_45 = tpu.vector_load %arg8[%swap3A_44] {strides = array<i32>} : memref<16xf32, #tpu.memory_space<vmem>>, vector<16xf32>,
    tpu.vector_store %arg8[%swap3A_44], %sub3A_43 {strides = array<i32>} : memref<16xf32, #tpu.memory_space<vmem>>, vector<16xf32>,
    %dma_wait3A = arith.constant 0 : i32
    %dma_wait3A_46 = arith.constant 0 : i32
    %dma_wait3A_47 = tpu.memref_slice %arg9[%dma_wait3A, %dma_wait3A_46] : memref<2x16384xf32, #tpu.memory_space<vmem>> -> memref<1x16384xf32, #tpu.memory_space<vmem>>
    %dma_wait3A_48 = tpu.memref_squeeze %dma_wait3A_47 : memref<1x16384xf32, #tpu.memory_space<vmem>> -> memref<16384xf32, #tpu.memory_space<vmem>>
    %dma_wait3A_49 = tpu.memref_slice %arg2[%add3A_4] : memref<4194304xf32, #tpu.memory_space<hbm>> -> memref<16384xf32, #tpu.memory_space<hbm>>
    %dma_wait3A_50 = arith.constant 0 : i32
    %dma_wait3A_51 = tpu.memref_slice %arg9[%dma_wait3A, %dma_wait3A_50] : memref<2x16384xf32, #tpu.memory_space<vmem>> -> memref<1x16384xf32, #tpu.memory_space<vmem>>
    %dma_wait3A_52 = tpu.memref_squeeze %dma_wait3A_51 : memref<1x16384xf32, #tpu.memory_space<vmem>> -> memref<16384xf32, #tpu.memory_space<vmem>>
    %dma_wait3A_53 = tpu.memref_slice %arg2[%add3A_4] : memref<4194304xf32, #tpu.memory_space<hbm>> -> memref<16384xf32, #tpu.memory_space<hbm>>
    tpu.wait_dma2 semaphore(%arg12 : memref<!tpu.dma_semaphore, #tpu.memory_space<semaphore_mem>>) src(%dma_wait3A_53 : memref<16384xf32, #tpu.memory_space<hbm>>) dst(%dma_wait3A_52 : memref<16384xf32, #tpu.memory_space<vmem>>)
    %parallel_loop3A = arith.constant 0 : i32
    %parallel_loop3A_54 = arith.constant 16384 : i32
    %parallel_loop3A_55 = arith.constant 16 : i32
    %parallel_loop3A_56 = arith.constant 8.99999904 : f32
    scf.for %parallel_loop3A_374 = %parallel_loop3A to %parallel_loop3A_54 step %parallel_loop3A_55  : i32 {
      %parallel_loop3A_375 = arith.constant 0 : i32
      %parallel_loop3A_376 = arith.index_cast %parallel_loop3A_375 : i32 to index
      %parallel_loop3A_377 = arith.index_cast %parallel_loop3A_374 : i32 to index
      %parallel_loop3A_378 = tpu.vector_load %arg9[%parallel_loop3A_376, %parallel_loop3A_377] {strides = array<i32>} : memref<2x16384xf32, #tpu.memory_space<vmem>>, vector<16xf32>,
      %parallel_loop3A_379 = arith.constant 1.125000e+00 : f32
      %parallel_loop3A_380 = vector.broadcast %parallel_loop3A_379 : f32 to vector<16xf32>
      %parallel_loop3A_381 = arith.mulf %parallel_loop3A_378, %parallel_loop3A_380 : vector<16xf32>
      %parallel_loop3A_382 = arith.constant 3.375000e+00 : f32
      %parallel_loop3A_383 = vector.broadcast %parallel_loop3A_382 : f32 to vector<16xf32>
      %parallel_loop3A_384 = arith.addf %parallel_loop3A_381, %parallel_loop3A_383 : vector<16xf32>
      %parallel_loop3A_385 = arith.constant 0.000000e+00 : f32
      %parallel_loop3A_386 = vector.broadcast %parallel_loop3A_385 : f32 to vector<16xf32>
      %parallel_loop3A_387 = arith.maximumf %parallel_loop3A_384, %parallel_loop3A_386 : vector<16xf32>
      %parallel_loop3A_388 = vector.broadcast %parallel_loop3A_56 : f32 to vector<16xf32>
      %parallel_loop3A_389 = arith.minimumf %parallel_loop3A_387, %parallel_loop3A_388 : vector<16xf32>
      %parallel_loop3A_390 = arith.fptosi %parallel_loop3A_389 : vector<16xf32> to vector<16xi32>
      %parallel_loop3A_391 = tpu.vector_load_idx %arg8[%parallel_loop3A_390] : memref<16xf32, #tpu.memory_space<vmem>>[vector<16xi32>], vector<16xf32>,
      %parallel_loop3A_392 = tpu.vector_load_idx %arg7[%parallel_loop3A_390] : memref<16xf32, #tpu.memory_space<vmem>>[vector<16xi32>], vector<16xf32>,
      %parallel_loop3A_393 = arith.mulf %parallel_loop3A_389, %parallel_loop3A_392 : vector<16xf32>
      %parallel_loop3A_394 = arith.addf %parallel_loop3A_391, %parallel_loop3A_393 : vector<16xf32>
      %parallel_loop3A_395 = arith.constant -3.000000e+00 : f32
      %parallel_loop3A_396 = vector.broadcast %parallel_loop3A_395 : f32 to vector<16xf32>
      %parallel_loop3A_397 = arith.cmpf olt, %parallel_loop3A_378, %parallel_loop3A_396 : vector<16xf32>
      %parallel_loop3A_398 = arith.constant 5.000000e+00 : f32
      %parallel_loop3A_399 = vector.broadcast %parallel_loop3A_398 : f32 to vector<16xf32>
      %parallel_loop3A_400 = arith.cmpf ogt, %parallel_loop3A_378, %parallel_loop3A_399 : vector<16xf32>
      %parallel_loop3A_401 = arith.ori %parallel_loop3A_397, %parallel_loop3A_400 : vector<16xi1>
      %parallel_loop3A_402 = arith.select %parallel_loop3A_401, %parallel_loop3A_378, %parallel_loop3A_394 : vector<16xi1>, vector<16xf32>
      %parallel_loop3A_403 = arith.constant 0 : i32
      %parallel_loop3A_404 = arith.index_cast %parallel_loop3A_403 : i32 to index
      %parallel_loop3A_405 = arith.index_cast %parallel_loop3A_374 : i32 to index
      %parallel_loop3A_406 = tpu.vector_load %arg10[%parallel_loop3A_404, %parallel_loop3A_405] {strides = array<i32>} : memref<2x16384xf32, #tpu.memory_space<vmem>>, vector<16xf32>,
      tpu.vector_store %arg10[%parallel_loop3A_404, %parallel_loop3A_405], %parallel_loop3A_402 {strides = array<i32>} : memref<2x16384xf32, #tpu.memory_space<vmem>>, vector<16xf32>,
    } {sc.loop_unroll_factor = 16 : i64, sc.parallel_access}
    %add3A_57 = arith.constant 0 : i32
    %add3A_58 = arith.addi %mul3A_2, %add3A_57 : i32
    %dma_start3A_59 = arith.constant 0 : i32
    %dma_start3A_60 = arith.constant 0 : i32
    %dma_start3A_61 = tpu.memref_slice %arg10[%dma_start3A_59, %dma_start3A_60] : memref<2x16384xf32, #tpu.memory_space<vmem>> -> memref<1x16384xf32, #tpu.memory_space<vmem>>
    %dma_start3A_62 = tpu.memref_squeeze %dma_start3A_61 : memref<1x16384xf32, #tpu.memory_space<vmem>> -> memref<16384xf32, #tpu.memory_space<vmem>>
    %dma_start3A_63 = tpu.memref_slice %arg4[%add3A_58] : memref<4194304xf32, #tpu.memory_space<hbm>> -> memref<16384xf32, #tpu.memory_space<hbm>>
    %dma_start3A_64 = tpu.memref_slice %arg4[%add3A_58] : memref<4194304xf32, #tpu.memory_space<hbm>> -> memref<16384xf32, #tpu.memory_space<hbm>>
    %dma_start3A_65 = arith.constant 0 : i32
    %dma_start3A_66 = tpu.memref_slice %arg10[%dma_start3A_59, %dma_start3A_65] : memref<2x16384xf32, #tpu.memory_space<vmem>> -> memref<1x16384xf32, #tpu.memory_space<vmem>>
    %dma_start3A_67 = tpu.memref_squeeze %dma_start3A_66 : memref<1x16384xf32, #tpu.memory_space<vmem>> -> memref<16384xf32, #tpu.memory_space<vmem>>
    tpu.enqueue_dma source(%dma_start3A_67 : memref<16384xf32, #tpu.memory_space<vmem>>) target(%dma_start3A_64 : memref<16384xf32, #tpu.memory_space<hbm>>) target_semaphore(%arg14 : memref<!tpu.dma_semaphore, #tpu.memory_space<semaphore_mem>>)
    %add3A_68 = arith.constant 32768 : i32
    %add3A_69 = arith.addi %mul3A_2, %add3A_68 : i32
    %dma_start3A_70 = arith.constant 0 : i32
    %dma_start3A_71 = arith.constant 0 : i32
    %dma_start3A_72 = tpu.memref_slice %arg9[%dma_start3A_70, %dma_start3A_71] : memref<2x16384xf32, #tpu.memory_space<vmem>> -> memref<1x16384xf32, #tpu.memory_space<vmem>>
    %dma_start3A_73 = tpu.memref_squeeze %dma_start3A_72 : memref<1x16384xf32, #tpu.memory_space<vmem>> -> memref<16384xf32, #tpu.memory_space<vmem>>
    %dma_start3A_74 = tpu.memref_slice %arg2[%add3A_69] : memref<4194304xf32, #tpu.memory_space<hbm>> -> memref<16384xf32, #tpu.memory_space<hbm>>
    %dma_start3A_75 = arith.constant 0 : i32
    %dma_start3A_76 = tpu.memref_slice %arg9[%dma_start3A_70, %dma_start3A_75] : memref<2x16384xf32, #tpu.memory_space<vmem>> -> memref<1x16384xf32, #tpu.memory_space<vmem>>
    %dma_start3A_77 = tpu.memref_squeeze %dma_start3A_76 : memref<1x16384xf32, #tpu.memory_space<vmem>> -> memref<16384xf32, #tpu.memory_space<vmem>>
    %dma_start3A_78 = tpu.memref_slice %arg2[%add3A_69] : memref<4194304xf32, #tpu.memory_space<hbm>> -> memref<16384xf32, #tpu.memory_space<hbm>>
    tpu.enqueue_dma source(%dma_start3A_78 : memref<16384xf32, #tpu.memory_space<hbm>>) target(%dma_start3A_77 : memref<16384xf32, #tpu.memory_space<vmem>>) target_semaphore(%arg12 : memref<!tpu.dma_semaphore, #tpu.memory_space<semaphore_mem>>)
    %dma_wait3A_79 = arith.constant 1 : i32
    %dma_wait3A_80 = arith.constant 0 : i32
    %dma_wait3A_81 = tpu.memref_slice %arg9[%dma_wait3A_79, %dma_wait3A_80] : memref<2x16384xf32, #tpu.memory_space<vmem>> -> memref<1x16384xf32, #tpu.memory_space<vmem>>
    %dma_wait3A_82 = tpu.memref_squeeze %dma_wait3A_81 : memref<1x16384xf32, #tpu.memory_space<vmem>> -> memref<16384xf32, #tpu.memory_space<vmem>>
    %dma_wait3A_83 = tpu.memref_slice %arg2[%add3A_14] : memref<4194304xf32, #tpu.memory_space<hbm>> -> memref<16384xf32, #tpu.memory_space<hbm>>
    %dma_wait3A_84 = arith.constant 0 : i32
    %dma_wait3A_85 = tpu.memref_slice %arg9[%dma_wait3A_79, %dma_wait3A_84] : memref<2x16384xf32, #tpu.memory_space<vmem>> -> memref<1x16384xf32, #tpu.memory_space<vmem>>
    %dma_wait3A_86 = tpu.memref_squeeze %dma_wait3A_85 : memref<1x16384xf32, #tpu.memory_space<vmem>> -> memref<16384xf32, #tpu.memory_space<vmem>>
    %dma_wait3A_87 = tpu.memref_slice %arg2[%add3A_14] : memref<4194304xf32, #tpu.memory_space<hbm>> -> memref<16384xf32, #tpu.memory_space<hbm>>
    tpu.wait_dma2 semaphore(%arg13 : memref<!tpu.dma_semaphore, #tpu.memory_space<semaphore_mem>>) src(%dma_wait3A_87 : memref<16384xf32, #tpu.memory_space<hbm>>) dst(%dma_wait3A_86 : memref<16384xf32, #tpu.memory_space<vmem>>)
    %parallel_loop3A_88 = arith.constant 0 : i32
    %parallel_loop3A_89 = arith.constant 16384 : i32
    %parallel_loop3A_90 = arith.constant 16 : i32
    %parallel_loop3A_91 = arith.constant 8.99999904 : f32
    scf.for %parallel_loop3A_374 = %parallel_loop3A_88 to %parallel_loop3A_89 step %parallel_loop3A_90  : i32 {
      %parallel_loop3A_375 = arith.constant 1 : i32
      %parallel_loop3A_376 = arith.index_cast %parallel_loop3A_375 : i32 to index
      %parallel_loop3A_377 = arith.index_cast %parallel_loop3A_374 : i32 to index
      %parallel_loop3A_378 = tpu.vector_load %arg9[%parallel_loop3A_376, %parallel_loop3A_377] {strides = array<i32>} : memref<2x16384xf32, #tpu.memory_space<vmem>>, vector<16xf32>,
      %parallel_loop3A_379 = arith.constant 1.125000e+00 : f32
      %parallel_loop3A_380 = vector.broadcast %parallel_loop3A_379 : f32 to vector<16xf32>
      %parallel_loop3A_381 = arith.mulf %parallel_loop3A_378, %parallel_loop3A_380 : vector<16xf32>
      %parallel_loop3A_382 = arith.constant 3.375000e+00 : f32
      %parallel_loop3A_383 = vector.broadcast %parallel_loop3A_382 : f32 to vector<16xf32>
      %parallel_loop3A_384 = arith.addf %parallel_loop3A_381, %parallel_loop3A_383 : vector<16xf32>
      %parallel_loop3A_385 = arith.constant 0.000000e+00 : f32
      %parallel_loop3A_386 = vector.broadcast %parallel_loop3A_385 : f32 to vector<16xf32>
      %parallel_loop3A_387 = arith.maximumf %parallel_loop3A_384, %parallel_loop3A_386 : vector<16xf32>
      %parallel_loop3A_388 = vector.broadcast %parallel_loop3A_91 : f32 to vector<16xf32>
      %parallel_loop3A_389 = arith.minimumf %parallel_loop3A_387, %parallel_loop3A_388 : vector<16xf32>
      %parallel_loop3A_390 = arith.fptosi %parallel_loop3A_389 : vector<16xf32> to vector<16xi32>
      %parallel_loop3A_391 = tpu.vector_load_idx %arg8[%parallel_loop3A_390] : memref<16xf32, #tpu.memory_space<vmem>>[vector<16xi32>], vector<16xf32>,
      %parallel_loop3A_392 = tpu.vector_load_idx %arg7[%parallel_loop3A_390] : memref<16xf32, #tpu.memory_space<vmem>>[vector<16xi32>], vector<16xf32>,
      %parallel_loop3A_393 = arith.mulf %parallel_loop3A_389, %parallel_loop3A_392 : vector<16xf32>
      %parallel_loop3A_394 = arith.addf %parallel_loop3A_391, %parallel_loop3A_393 : vector<16xf32>
      %parallel_loop3A_395 = arith.constant -3.000000e+00 : f32
      %parallel_loop3A_396 = vector.broadcast %parallel_loop3A_395 : f32 to vector<16xf32>
      %parallel_loop3A_397 = arith.cmpf olt, %parallel_loop3A_378, %parallel_loop3A_396 : vector<16xf32>
      %parallel_loop3A_398 = arith.constant 5.000000e+00 : f32
      %parallel_loop3A_399 = vector.broadcast %parallel_loop3A_398 : f32 to vector<16xf32>
      %parallel_loop3A_400 = arith.cmpf ogt, %parallel_loop3A_378, %parallel_loop3A_399 : vector<16xf32>
      %parallel_loop3A_401 = arith.ori %parallel_loop3A_397, %parallel_loop3A_400 : vector<16xi1>
      %parallel_loop3A_402 = arith.select %parallel_loop3A_401, %parallel_loop3A_378, %parallel_loop3A_394 : vector<16xi1>, vector<16xf32>
      %parallel_loop3A_403 = arith.constant 1 : i32
      %parallel_loop3A_404 = arith.index_cast %parallel_loop3A_403 : i32 to index
      %parallel_loop3A_405 = arith.index_cast %parallel_loop3A_374 : i32 to index
      %parallel_loop3A_406 = tpu.vector_load %arg10[%parallel_loop3A_404, %parallel_loop3A_405] {strides = array<i32>} : memref<2x16384xf32, #tpu.memory_space<vmem>>, vector<16xf32>,
      tpu.vector_store %arg10[%parallel_loop3A_404, %parallel_loop3A_405], %parallel_loop3A_402 {strides = array<i32>} : memref<2x16384xf32, #tpu.memory_space<vmem>>, vector<16xf32>,
    } {sc.loop_unroll_factor = 16 : i64, sc.parallel_access}
    %add3A_92 = arith.constant 16384 : i32
    %add3A_93 = arith.addi %mul3A_2, %add3A_92 : i32
    %dma_start3A_94 = arith.constant 1 : i32
    %dma_start3A_95 = arith.constant 0 : i32
    %dma_start3A_96 = tpu.memref_slice %arg10[%dma_start3A_94, %dma_start3A_95] : memref<2x16384xf32, #tpu.memory_space<vmem>> -> memref<1x16384xf32, #tpu.memory_space<vmem>>
    %dma_start3A_97 = tpu.memref_squeeze %dma_start3A_96 : memref<1x16384xf32, #tpu.memory_space<vmem>> -> memref<16384xf32, #tpu.memory_space<vmem>>
    %dma_start3A_98 = tpu.memref_slice %arg4[%add3A_93] : memref<4194304xf32, #tpu.memory_space<hbm>> -> memref<16384xf32, #tpu.memory_space<hbm>>
    %dma_start3A_99 = tpu.memref_slice %arg4[%add3A_93] : memref<4194304xf32, #tpu.memory_space<hbm>> -> memref<16384xf32, #tpu.memory_space<hbm>>
    %dma_start3A_100 = arith.constant 0 : i32
    %dma_start3A_101 = tpu.memref_slice %arg10[%dma_start3A_94, %dma_start3A_100] : memref<2x16384xf32, #tpu.memory_space<vmem>> -> memref<1x16384xf32, #tpu.memory_space<vmem>>
    %dma_start3A_102 = tpu.memref_squeeze %dma_start3A_101 : memref<1x16384xf32, #tpu.memory_space<vmem>> -> memref<16384xf32, #tpu.memory_space<vmem>>
    tpu.enqueue_dma source(%dma_start3A_102 : memref<16384xf32, #tpu.memory_space<vmem>>) target(%dma_start3A_99 : memref<16384xf32, #tpu.memory_space<hbm>>) target_semaphore(%arg15 : memref<!tpu.dma_semaphore, #tpu.memory_space<semaphore_mem>>)
    %add3A_103 = arith.constant 49152 : i32
    %add3A_104 = arith.addi %mul3A_2, %add3A_103 : i32
    %dma_start3A_105 = arith.constant 1 : i32
    %dma_start3A_106 = arith.constant 0 : i32
    %dma_start3A_107 = tpu.memref_slice %arg9[%dma_start3A_105, %dma_start3A_106] : memref<2x16384xf32, #tpu.memory_space<vmem>> -> memref<1x16384xf32, #tpu.memory_space<vmem>>
    %dma_start3A_108 = tpu.memref_squeeze %dma_start3A_107 : memref<1x16384xf32, #tpu.memory_space<vmem>> -> memref<16384xf32, #tpu.memory_space<vmem>>
    %dma_start3A_109 = tpu.memref_slice %arg2[%add3A_104] : memref<4194304xf32, #tpu.memory_space<hbm>> -> memref<16384xf32, #tpu.memory_space<hbm>>
    %dma_start3A_110 = arith.constant 0 : i32
    %dma_start3A_111 = tpu.memref_slice %arg9[%dma_start3A_105, %dma_start3A_110] : memref<2x16384xf32, #tpu.memory_space<vmem>> -> memref<1x16384xf32, #tpu.memory_space<vmem>>
    %dma_start3A_112 = tpu.memref_squeeze %dma_start3A_111 : memref<1x16384xf32, #tpu.memory_space<vmem>> -> memref<16384xf32, #tpu.memory_space<vmem>>
    %dma_start3A_113 = tpu.memref_slice %arg2[%add3A_104] : memref<4194304xf32, #tpu.memory_space<hbm>> -> memref<16384xf32, #tpu.memory_space<hbm>>
    tpu.enqueue_dma source(%dma_start3A_113 : memref<16384xf32, #tpu.memory_space<hbm>>) target(%dma_start3A_112 : memref<16384xf32, #tpu.memory_space<vmem>>) target_semaphore(%arg13 : memref<!tpu.dma_semaphore, #tpu.memory_space<semaphore_mem>>)
    %dma_wait3A_114 = arith.constant 0 : i32
    %dma_wait3A_115 = arith.constant 0 : i32
    %dma_wait3A_116 = tpu.memref_slice %arg9[%dma_wait3A_114, %dma_wait3A_115] : memref<2x16384xf32, #tpu.memory_space<vmem>> -> memref<1x16384xf32, #tpu.memory_space<vmem>>
    %dma_wait3A_117 = tpu.memref_squeeze %dma_wait3A_116 : memref<1x16384xf32, #tpu.memory_space<vmem>> -> memref<16384xf32, #tpu.memory_space<vmem>>
    %dma_wait3A_118 = tpu.memref_slice %arg2[%add3A_69] : memref<4194304xf32, #tpu.memory_space<hbm>> -> memref<16384xf32, #tpu.memory_space<hbm>>
    %dma_wait3A_119 = arith.constant 0 : i32
    %dma_wait3A_120 = tpu.memref_slice %arg9[%dma_wait3A_114, %dma_wait3A_119] : memref<2x16384xf32, #tpu.memory_space<vmem>> -> memref<1x16384xf32, #tpu.memory_space<vmem>>
    %dma_wait3A_121 = tpu.memref_squeeze %dma_wait3A_120 : memref<1x16384xf32, #tpu.memory_space<vmem>> -> memref<16384xf32, #tpu.memory_space<vmem>>
    %dma_wait3A_122 = tpu.memref_slice %arg2[%add3A_69] : memref<4194304xf32, #tpu.memory_space<hbm>> -> memref<16384xf32, #tpu.memory_space<hbm>>
    tpu.wait_dma2 semaphore(%arg12 : memref<!tpu.dma_semaphore, #tpu.memory_space<semaphore_mem>>) src(%dma_wait3A_122 : memref<16384xf32, #tpu.memory_space<hbm>>) dst(%dma_wait3A_121 : memref<16384xf32, #tpu.memory_space<vmem>>)
    %dma_wait3A_123 = arith.constant 0 : i32
    %dma_wait3A_124 = arith.constant 0 : i32
    %dma_wait3A_125 = tpu.memref_slice %arg10[%dma_wait3A_123, %dma_wait3A_124] : memref<2x16384xf32, #tpu.memory_space<vmem>> -> memref<1x16384xf32, #tpu.memory_space<vmem>>
    %dma_wait3A_126 = tpu.memref_squeeze %dma_wait3A_125 : memref<1x16384xf32, #tpu.memory_space<vmem>> -> memref<16384xf32, #tpu.memory_space<vmem>>
    %dma_wait3A_127 = tpu.memref_slice %arg4[%add3A_58] : memref<4194304xf32, #tpu.memory_space<hbm>> -> memref<16384xf32, #tpu.memory_space<hbm>>
    %dma_wait3A_128 = tpu.memref_slice %arg4[%add3A_58] : memref<4194304xf32, #tpu.memory_space<hbm>> -> memref<16384xf32, #tpu.memory_space<hbm>>
    %dma_wait3A_129 = arith.constant 0 : i32
    %dma_wait3A_130 = tpu.memref_slice %arg10[%dma_wait3A_123, %dma_wait3A_129] : memref<2x16384xf32, #tpu.memory_space<vmem>> -> memref<1x16384xf32, #tpu.memory_space<vmem>>
    %dma_wait3A_131 = tpu.memref_squeeze %dma_wait3A_130 : memref<1x16384xf32, #tpu.memory_space<vmem>> -> memref<16384xf32, #tpu.memory_space<vmem>>
    tpu.wait_dma2 semaphore(%arg14 : memref<!tpu.dma_semaphore, #tpu.memory_space<semaphore_mem>>) src(%dma_wait3A_131 : memref<16384xf32, #tpu.memory_space<vmem>>) dst(%dma_wait3A_128 : memref<16384xf32, #tpu.memory_space<hbm>>)
    %parallel_loop3A_132 = arith.constant 0 : i32
    %parallel_loop3A_133 = arith.constant 16384 : i32
    %parallel_loop3A_134 = arith.constant 16 : i32
    %parallel_loop3A_135 = arith.constant 8.99999904 : f32
    scf.for %parallel_loop3A_374 = %parallel_loop3A_132 to %parallel_loop3A_133 step %parallel_loop3A_134  : i32 {
      %parallel_loop3A_375 = arith.constant 0 : i32
      %parallel_loop3A_376 = arith.index_cast %parallel_loop3A_375 : i32 to index
      %parallel_loop3A_377 = arith.index_cast %parallel_loop3A_374 : i32 to index
      %parallel_loop3A_378 = tpu.vector_load %arg9[%parallel_loop3A_376, %parallel_loop3A_377] {strides = array<i32>} : memref<2x16384xf32, #tpu.memory_space<vmem>>, vector<16xf32>,
      %parallel_loop3A_379 = arith.constant 1.125000e+00 : f32
      %parallel_loop3A_380 = vector.broadcast %parallel_loop3A_379 : f32 to vector<16xf32>
      %parallel_loop3A_381 = arith.mulf %parallel_loop3A_378, %parallel_loop3A_380 : vector<16xf32>
      %parallel_loop3A_382 = arith.constant 3.375000e+00 : f32
      %parallel_loop3A_383 = vector.broadcast %parallel_loop3A_382 : f32 to vector<16xf32>
      %parallel_loop3A_384 = arith.addf %parallel_loop3A_381, %parallel_loop3A_383 : vector<16xf32>
      %parallel_loop3A_385 = arith.constant 0.000000e+00 : f32
      %parallel_loop3A_386 = vector.broadcast %parallel_loop3A_385 : f32 to vector<16xf32>
      %parallel_loop3A_387 = arith.maximumf %parallel_loop3A_384, %parallel_loop3A_386 : vector<16xf32>
      %parallel_loop3A_388 = vector.broadcast %parallel_loop3A_135 : f32 to vector<16xf32>
      %parallel_loop3A_389 = arith.minimumf %parallel_loop3A_387, %parallel_loop3A_388 : vector<16xf32>
      %parallel_loop3A_390 = arith.fptosi %parallel_loop3A_389 : vector<16xf32> to vector<16xi32>
      %parallel_loop3A_391 = tpu.vector_load_idx %arg8[%parallel_loop3A_390] : memref<16xf32, #tpu.memory_space<vmem>>[vector<16xi32>], vector<16xf32>,
      %parallel_loop3A_392 = tpu.vector_load_idx %arg7[%parallel_loop3A_390] : memref<16xf32, #tpu.memory_space<vmem>>[vector<16xi32>], vector<16xf32>,
      %parallel_loop3A_393 = arith.mulf %parallel_loop3A_389, %parallel_loop3A_392 : vector<16xf32>
      %parallel_loop3A_394 = arith.addf %parallel_loop3A_391, %parallel_loop3A_393 : vector<16xf32>
      %parallel_loop3A_395 = arith.constant -3.000000e+00 : f32
      %parallel_loop3A_396 = vector.broadcast %parallel_loop3A_395 : f32 to vector<16xf32>
      %parallel_loop3A_397 = arith.cmpf olt, %parallel_loop3A_378, %parallel_loop3A_396 : vector<16xf32>
      %parallel_loop3A_398 = arith.constant 5.000000e+00 : f32
      %parallel_loop3A_399 = vector.broadcast %parallel_loop3A_398 : f32 to vector<16xf32>
      %parallel_loop3A_400 = arith.cmpf ogt, %parallel_loop3A_378, %parallel_loop3A_399 : vector<16xf32>
      %parallel_loop3A_401 = arith.ori %parallel_loop3A_397, %parallel_loop3A_400 : vector<16xi1>
      %parallel_loop3A_402 = arith.select %parallel_loop3A_401, %parallel_loop3A_378, %parallel_loop3A_394 : vector<16xi1>, vector<16xf32>
      %parallel_loop3A_403 = arith.constant 0 : i32
      %parallel_loop3A_404 = arith.index_cast %parallel_loop3A_403 : i32 to index
      %parallel_loop3A_405 = arith.index_cast %parallel_loop3A_374 : i32 to index
      %parallel_loop3A_406 = tpu.vector_load %arg10[%parallel_loop3A_404, %parallel_loop3A_405] {strides = array<i32>} : memref<2x16384xf32, #tpu.memory_space<vmem>>, vector<16xf32>,
      tpu.vector_store %arg10[%parallel_loop3A_404, %parallel_loop3A_405], %parallel_loop3A_402 {strides = array<i32>} : memref<2x16384xf32, #tpu.memory_space<vmem>>, vector<16xf32>,
    } {sc.loop_unroll_factor = 16 : i64, sc.parallel_access}
    %add3A_136 = arith.constant 32768 : i32
    %add3A_137 = arith.addi %mul3A_2, %add3A_136 : i32
    %dma_start3A_138 = arith.constant 0 : i32
    %dma_start3A_139 = arith.constant 0 : i32
    %dma_start3A_140 = tpu.memref_slice %arg10[%dma_start3A_138, %dma_start3A_139] : memref<2x16384xf32, #tpu.memory_space<vmem>> -> memref<1x16384xf32, #tpu.memory_space<vmem>>
    %dma_start3A_141 = tpu.memref_squeeze %dma_start3A_140 : memref<1x16384xf32, #tpu.memory_space<vmem>> -> memref<16384xf32, #tpu.memory_space<vmem>>
    %dma_start3A_142 = tpu.memref_slice %arg4[%add3A_137] : memref<4194304xf32, #tpu.memory_space<hbm>> -> memref<16384xf32, #tpu.memory_space<hbm>>
    %dma_start3A_143 = tpu.memref_slice %arg4[%add3A_137] : memref<4194304xf32, #tpu.memory_space<hbm>> -> memref<16384xf32, #tpu.memory_space<hbm>>
    %dma_start3A_144 = arith.constant 0 : i32
    %dma_start3A_145 = tpu.memref_slice %arg10[%dma_start3A_138, %dma_start3A_144] : memref<2x16384xf32, #tpu.memory_space<vmem>> -> memref<1x16384xf32, #tpu.memory_space<vmem>>
    %dma_start3A_146 = tpu.memref_squeeze %dma_start3A_145 : memref<1x16384xf32, #tpu.memory_space<vmem>> -> memref<16384xf32, #tpu.memory_space<vmem>>
    tpu.enqueue_dma source(%dma_start3A_146 : memref<16384xf32, #tpu.memory_space<vmem>>) target(%dma_start3A_143 : memref<16384xf32, #tpu.memory_space<hbm>>) target_semaphore(%arg14 : memref<!tpu.dma_semaphore, #tpu.memory_space<semaphore_mem>>)
    %add3A_147 = arith.constant 65536 : i32
    %add3A_148 = arith.addi %mul3A_2, %add3A_147 : i32
    %dma_start3A_149 = arith.constant 0 : i32
    %dma_start3A_150 = arith.constant 0 : i32
    %dma_start3A_151 = tpu.memref_slice %arg9[%dma_start3A_149, %dma_start3A_150] : memref<2x16384xf32, #tpu.memory_space<vmem>> -> memref<1x16384xf32, #tpu.memory_space<vmem>>
    %dma_start3A_152 = tpu.memref_squeeze %dma_start3A_151 : memref<1x16384xf32, #tpu.memory_space<vmem>> -> memref<16384xf32, #tpu.memory_space<vmem>>
    %dma_start3A_153 = tpu.memref_slice %arg2[%add3A_148] : memref<4194304xf32, #tpu.memory_space<hbm>> -> memref<16384xf32, #tpu.memory_space<hbm>>
    %dma_start3A_154 = arith.constant 0 : i32
    %dma_start3A_155 = tpu.memref_slice %arg9[%dma_start3A_149, %dma_start3A_154] : memref<2x16384xf32, #tpu.memory_space<vmem>> -> memref<1x16384xf32, #tpu.memory_space<vmem>>
    %dma_start3A_156 = tpu.memref_squeeze %dma_start3A_155 : memref<1x16384xf32, #tpu.memory_space<vmem>> -> memref<16384xf32, #tpu.memory_space<vmem>>
    %dma_start3A_157 = tpu.memref_slice %arg2[%add3A_148] : memref<4194304xf32, #tpu.memory_space<hbm>> -> memref<16384xf32, #tpu.memory_space<hbm>>
    tpu.enqueue_dma source(%dma_start3A_157 : memref<16384xf32, #tpu.memory_space<hbm>>) target(%dma_start3A_156 : memref<16384xf32, #tpu.memory_space<vmem>>) target_semaphore(%arg12 : memref<!tpu.dma_semaphore, #tpu.memory_space<semaphore_mem>>)
    %dma_wait3A_158 = arith.constant 1 : i32
    %dma_wait3A_159 = arith.constant 0 : i32
    %dma_wait3A_160 = tpu.memref_slice %arg9[%dma_wait3A_158, %dma_wait3A_159] : memref<2x16384xf32, #tpu.memory_space<vmem>> -> memref<1x16384xf32, #tpu.memory_space<vmem>>
    %dma_wait3A_161 = tpu.memref_squeeze %dma_wait3A_160 : memref<1x16384xf32, #tpu.memory_space<vmem>> -> memref<16384xf32, #tpu.memory_space<vmem>>
    %dma_wait3A_162 = tpu.memref_slice %arg2[%add3A_104] : memref<4194304xf32, #tpu.memory_space<hbm>> -> memref<16384xf32, #tpu.memory_space<hbm>>
    %dma_wait3A_163 = arith.constant 0 : i32
    %dma_wait3A_164 = tpu.memref_slice %arg9[%dma_wait3A_158, %dma_wait3A_163] : memref<2x16384xf32, #tpu.memory_space<vmem>> -> memref<1x16384xf32, #tpu.memory_space<vmem>>
    %dma_wait3A_165 = tpu.memref_squeeze %dma_wait3A_164 : memref<1x16384xf32, #tpu.memory_space<vmem>> -> memref<16384xf32, #tpu.memory_space<vmem>>
    %dma_wait3A_166 = tpu.memref_slice %arg2[%add3A_104] : memref<4194304xf32, #tpu.memory_space<hbm>> -> memref<16384xf32, #tpu.memory_space<hbm>>
    tpu.wait_dma2 semaphore(%arg13 : memref<!tpu.dma_semaphore, #tpu.memory_space<semaphore_mem>>) src(%dma_wait3A_166 : memref<16384xf32, #tpu.memory_space<hbm>>) dst(%dma_wait3A_165 : memref<16384xf32, #tpu.memory_space<vmem>>)
    %dma_wait3A_167 = arith.constant 1 : i32
    %dma_wait3A_168 = arith.constant 0 : i32
    %dma_wait3A_169 = tpu.memref_slice %arg10[%dma_wait3A_167, %dma_wait3A_168] : memref<2x16384xf32, #tpu.memory_space<vmem>> -> memref<1x16384xf32, #tpu.memory_space<vmem>>
    %dma_wait3A_170 = tpu.memref_squeeze %dma_wait3A_169 : memref<1x16384xf32, #tpu.memory_space<vmem>> -> memref<16384xf32, #tpu.memory_space<vmem>>
    %dma_wait3A_171 = tpu.memref_slice %arg4[%add3A_93] : memref<4194304xf32, #tpu.memory_space<hbm>> -> memref<16384xf32, #tpu.memory_space<hbm>>
    %dma_wait3A_172 = tpu.memref_slice %arg4[%add3A_93] : memref<4194304xf32, #tpu.memory_space<hbm>> -> memref<16384xf32, #tpu.memory_space<hbm>>
    %dma_wait3A_173 = arith.constant 0 : i32
    %dma_wait3A_174 = tpu.memref_slice %arg10[%dma_wait3A_167, %dma_wait3A_173] : memref<2x16384xf32, #tpu.memory_space<vmem>> -> memref<1x16384xf32, #tpu.memory_space<vmem>>
    %dma_wait3A_175 = tpu.memref_squeeze %dma_wait3A_174 : memref<1x16384xf32, #tpu.memory_space<vmem>> -> memref<16384xf32, #tpu.memory_space<vmem>>
    tpu.wait_dma2 semaphore(%arg15 : memref<!tpu.dma_semaphore, #tpu.memory_space<semaphore_mem>>) src(%dma_wait3A_175 : memref<16384xf32, #tpu.memory_space<vmem>>) dst(%dma_wait3A_172 : memref<16384xf32, #tpu.memory_space<hbm>>)
    %parallel_loop3A_176 = arith.constant 0 : i32
    %parallel_loop3A_177 = arith.constant 16384 : i32
    %parallel_loop3A_178 = arith.constant 16 : i32
    %parallel_loop3A_179 = arith.constant 8.99999904 : f32
    scf.for %parallel_loop3A_374 = %parallel_loop3A_176 to %parallel_loop3A_177 step %parallel_loop3A_178  : i32 {
      %parallel_loop3A_375 = arith.constant 1 : i32
      %parallel_loop3A_376 = arith.index_cast %parallel_loop3A_375 : i32 to index
      %parallel_loop3A_377 = arith.index_cast %parallel_loop3A_374 : i32 to index
      %parallel_loop3A_378 = tpu.vector_load %arg9[%parallel_loop3A_376, %parallel_loop3A_377] {strides = array<i32>} : memref<2x16384xf32, #tpu.memory_space<vmem>>, vector<16xf32>,
      %parallel_loop3A_379 = arith.constant 1.125000e+00 : f32
      %parallel_loop3A_380 = vector.broadcast %parallel_loop3A_379 : f32 to vector<16xf32>
      %parallel_loop3A_381 = arith.mulf %parallel_loop3A_378, %parallel_loop3A_380 : vector<16xf32>
      %parallel_loop3A_382 = arith.constant 3.375000e+00 : f32
      %parallel_loop3A_383 = vector.broadcast %parallel_loop3A_382 : f32 to vector<16xf32>
      %parallel_loop3A_384 = arith.addf %parallel_loop3A_381, %parallel_loop3A_383 : vector<16xf32>
      %parallel_loop3A_385 = arith.constant 0.000000e+00 : f32
      %parallel_loop3A_386 = vector.broadcast %parallel_loop3A_385 : f32 to vector<16xf32>
      %parallel_loop3A_387 = arith.maximumf %parallel_loop3A_384, %parallel_loop3A_386 : vector<16xf32>
      %parallel_loop3A_388 = vector.broadcast %parallel_loop3A_179 : f32 to vector<16xf32>
      %parallel_loop3A_389 = arith.minimumf %parallel_loop3A_387, %parallel_loop3A_388 : vector<16xf32>
      %parallel_loop3A_390 = arith.fptosi %parallel_loop3A_389 : vector<16xf32> to vector<16xi32>
      %parallel_loop3A_391 = tpu.vector_load_idx %arg8[%parallel_loop3A_390] : memref<16xf32, #tpu.memory_space<vmem>>[vector<16xi32>], vector<16xf32>,
      %parallel_loop3A_392 = tpu.vector_load_idx %arg7[%parallel_loop3A_390] : memref<16xf32, #tpu.memory_space<vmem>>[vector<16xi32>], vector<16xf32>,
      %parallel_loop3A_393 = arith.mulf %parallel_loop3A_389, %parallel_loop3A_392 : vector<16xf32>
      %parallel_loop3A_394 = arith.addf %parallel_loop3A_391, %parallel_loop3A_393 : vector<16xf32>
      %parallel_loop3A_395 = arith.constant -3.000000e+00 : f32
      %parallel_loop3A_396 = vector.broadcast %parallel_loop3A_395 : f32 to vector<16xf32>
      %parallel_loop3A_397 = arith.cmpf olt, %parallel_loop3A_378, %parallel_loop3A_396 : vector<16xf32>
      %parallel_loop3A_398 = arith.constant 5.000000e+00 : f32
      %parallel_loop3A_399 = vector.broadcast %parallel_loop3A_398 : f32 to vector<16xf32>
      %parallel_loop3A_400 = arith.cmpf ogt, %parallel_loop3A_378, %parallel_loop3A_399 : vector<16xf32>
      %parallel_loop3A_401 = arith.ori %parallel_loop3A_397, %parallel_loop3A_400 : vector<16xi1>
      %parallel_loop3A_402 = arith.select %parallel_loop3A_401, %parallel_loop3A_378, %parallel_loop3A_394 : vector<16xi1>, vector<16xf32>
      %parallel_loop3A_403 = arith.constant 1 : i32
      %parallel_loop3A_404 = arith.index_cast %parallel_loop3A_403 : i32 to index
      %parallel_loop3A_405 = arith.index_cast %parallel_loop3A_374 : i32 to index
      %parallel_loop3A_406 = tpu.vector_load %arg10[%parallel_loop3A_404, %parallel_loop3A_405] {strides = array<i32>} : memref<2x16384xf32, #tpu.memory_space<vmem>>, vector<16xf32>,
      tpu.vector_store %arg10[%parallel_loop3A_404, %parallel_loop3A_405], %parallel_loop3A_402 {strides = array<i32>} : memref<2x16384xf32, #tpu.memory_space<vmem>>, vector<16xf32>,
    } {sc.loop_unroll_factor = 16 : i64, sc.parallel_access}
    %add3A_180 = arith.constant 49152 : i32
    %add3A_181 = arith.addi %mul3A_2, %add3A_180 : i32
    %dma_start3A_182 = arith.constant 1 : i32
    %dma_start3A_183 = arith.constant 0 : i32
    %dma_start3A_184 = tpu.memref_slice %arg10[%dma_start3A_182, %dma_start3A_183] : memref<2x16384xf32, #tpu.memory_space<vmem>> -> memref<1x16384xf32, #tpu.memory_space<vmem>>
    %dma_start3A_185 = tpu.memref_squeeze %dma_start3A_184 : memref<1x16384xf32, #tpu.memory_space<vmem>> -> memref<16384xf32, #tpu.memory_space<vmem>>
    %dma_start3A_186 = tpu.memref_slice %arg4[%add3A_181] : memref<4194304xf32, #tpu.memory_space<hbm>> -> memref<16384xf32, #tpu.memory_space<hbm>>
    %dma_start3A_187 = tpu.memref_slice %arg4[%add3A_181] : memref<4194304xf32, #tpu.memory_space<hbm>> -> memref<16384xf32, #tpu.memory_space<hbm>>
    %dma_start3A_188 = arith.constant 0 : i32
    %dma_start3A_189 = tpu.memref_slice %arg10[%dma_start3A_182, %dma_start3A_188] : memref<2x16384xf32, #tpu.memory_space<vmem>> -> memref<1x16384xf32, #tpu.memory_space<vmem>>
    %dma_start3A_190 = tpu.memref_squeeze %dma_start3A_189 : memref<1x16384xf32, #tpu.memory_space<vmem>> -> memref<16384xf32, #tpu.memory_space<vmem>>
    tpu.enqueue_dma source(%dma_start3A_190 : memref<16384xf32, #tpu.memory_space<vmem>>) target(%dma_start3A_187 : memref<16384xf32, #tpu.memory_space<hbm>>) target_semaphore(%arg15 : memref<!tpu.dma_semaphore, #tpu.memory_space<semaphore_mem>>)
    %add3A_191 = arith.constant 81920 : i32
    %add3A_192 = arith.addi %mul3A_2, %add3A_191 : i32
    %dma_start3A_193 = arith.constant 1 : i32
    %dma_start3A_194 = arith.constant 0 : i32
    %dma_start3A_195 = tpu.memref_slice %arg9[%dma_start3A_193, %dma_start3A_194] : memref<2x16384xf32, #tpu.memory_space<vmem>> -> memref<1x16384xf32, #tpu.memory_space<vmem>>
    %dma_start3A_196 = tpu.memref_squeeze %dma_start3A_195 : memref<1x16384xf32, #tpu.memory_space<vmem>> -> memref<16384xf32, #tpu.memory_space<vmem>>
    %dma_start3A_197 = tpu.memref_slice %arg2[%add3A_192] : memref<4194304xf32, #tpu.memory_space<hbm>> -> memref<16384xf32, #tpu.memory_space<hbm>>
    %dma_start3A_198 = arith.constant 0 : i32
    %dma_start3A_199 = tpu.memref_slice %arg9[%dma_start3A_193, %dma_start3A_198] : memref<2x16384xf32, #tpu.memory_space<vmem>> -> memref<1x16384xf32, #tpu.memory_space<vmem>>
    %dma_start3A_200 = tpu.memref_squeeze %dma_start3A_199 : memref<1x16384xf32, #tpu.memory_space<vmem>> -> memref<16384xf32, #tpu.memory_space<vmem>>
    %dma_start3A_201 = tpu.memref_slice %arg2[%add3A_192] : memref<4194304xf32, #tpu.memory_space<hbm>> -> memref<16384xf32, #tpu.memory_space<hbm>>
    tpu.enqueue_dma source(%dma_start3A_201 : memref<16384xf32, #tpu.memory_space<hbm>>) target(%dma_start3A_200 : memref<16384xf32, #tpu.memory_space<vmem>>) target_semaphore(%arg13 : memref<!tpu.dma_semaphore, #tpu.memory_space<semaphore_mem>>)
    %dma_wait3A_202 = arith.constant 0 : i32
    %dma_wait3A_203 = arith.constant 0 : i32
    %dma_wait3A_204 = tpu.memref_slice %arg9[%dma_wait3A_202, %dma_wait3A_203] : memref<2x16384xf32, #tpu.memory_space<vmem>> -> memref<1x16384xf32, #tpu.memory_space<vmem>>
    %dma_wait3A_205 = tpu.memref_squeeze %dma_wait3A_204 : memref<1x16384xf32, #tpu.memory_space<vmem>> -> memref<16384xf32, #tpu.memory_space<vmem>>
    %dma_wait3A_206 = tpu.memref_slice %arg2[%add3A_148] : memref<4194304xf32, #tpu.memory_space<hbm>> -> memref<16384xf32, #tpu.memory_space<hbm>>
    %dma_wait3A_207 = arith.constant 0 : i32
    %dma_wait3A_208 = tpu.memref_slice %arg9[%dma_wait3A_202, %dma_wait3A_207] : memref<2x16384xf32, #tpu.memory_space<vmem>> -> memref<1x16384xf32, #tpu.memory_space<vmem>>
    %dma_wait3A_209 = tpu.memref_squeeze %dma_wait3A_208 : memref<1x16384xf32, #tpu.memory_space<vmem>> -> memref<16384xf32, #tpu.memory_space<vmem>>
    %dma_wait3A_210 = tpu.memref_slice %arg2[%add3A_148] : memref<4194304xf32, #tpu.memory_space<hbm>> -> memref<16384xf32, #tpu.memory_space<hbm>>
    tpu.wait_dma2 semaphore(%arg12 : memref<!tpu.dma_semaphore, #tpu.memory_space<semaphore_mem>>) src(%dma_wait3A_210 : memref<16384xf32, #tpu.memory_space<hbm>>) dst(%dma_wait3A_209 : memref<16384xf32, #tpu.memory_space<vmem>>)
    %dma_wait3A_211 = arith.constant 0 : i32
    %dma_wait3A_212 = arith.constant 0 : i32
    %dma_wait3A_213 = tpu.memref_slice %arg10[%dma_wait3A_211, %dma_wait3A_212] : memref<2x16384xf32, #tpu.memory_space<vmem>> -> memref<1x16384xf32, #tpu.memory_space<vmem>>
    %dma_wait3A_214 = tpu.memref_squeeze %dma_wait3A_213 : memref<1x16384xf32, #tpu.memory_space<vmem>> -> memref<16384xf32, #tpu.memory_space<vmem>>
    %dma_wait3A_215 = tpu.memref_slice %arg4[%add3A_137] : memref<4194304xf32, #tpu.memory_space<hbm>> -> memref<16384xf32, #tpu.memory_space<hbm>>
    %dma_wait3A_216 = tpu.memref_slice %arg4[%add3A_137] : memref<4194304xf32, #tpu.memory_space<hbm>> -> memref<16384xf32, #tpu.memory_space<hbm>>
    %dma_wait3A_217 = arith.constant 0 : i32
    %dma_wait3A_218 = tpu.memref_slice %arg10[%dma_wait3A_211, %dma_wait3A_217] : memref<2x16384xf32, #tpu.memory_space<vmem>> -> memref<1x16384xf32, #tpu.memory_space<vmem>>
    %dma_wait3A_219 = tpu.memref_squeeze %dma_wait3A_218 : memref<1x16384xf32, #tpu.memory_space<vmem>> -> memref<16384xf32, #tpu.memory_space<vmem>>
    tpu.wait_dma2 semaphore(%arg14 : memref<!tpu.dma_semaphore, #tpu.memory_space<semaphore_mem>>) src(%dma_wait3A_219 : memref<16384xf32, #tpu.memory_space<vmem>>) dst(%dma_wait3A_216 : memref<16384xf32, #tpu.memory_space<hbm>>)
    %parallel_loop3A_220 = arith.constant 0 : i32
    %parallel_loop3A_221 = arith.constant 16384 : i32
    %parallel_loop3A_222 = arith.constant 16 : i32
    %parallel_loop3A_223 = arith.constant 8.99999904 : f32
    scf.for %parallel_loop3A_374 = %parallel_loop3A_220 to %parallel_loop3A_221 step %parallel_loop3A_222  : i32 {
      %parallel_loop3A_375 = arith.constant 0 : i32
      %parallel_loop3A_376 = arith.index_cast %parallel_loop3A_375 : i32 to index
      %parallel_loop3A_377 = arith.index_cast %parallel_loop3A_374 : i32 to index
      %parallel_loop3A_378 = tpu.vector_load %arg9[%parallel_loop3A_376, %parallel_loop3A_377] {strides = array<i32>} : memref<2x16384xf32, #tpu.memory_space<vmem>>, vector<16xf32>,
      %parallel_loop3A_379 = arith.constant 1.125000e+00 : f32
      %parallel_loop3A_380 = vector.broadcast %parallel_loop3A_379 : f32 to vector<16xf32>
      %parallel_loop3A_381 = arith.mulf %parallel_loop3A_378, %parallel_loop3A_380 : vector<16xf32>
      %parallel_loop3A_382 = arith.constant 3.375000e+00 : f32
      %parallel_loop3A_383 = vector.broadcast %parallel_loop3A_382 : f32 to vector<16xf32>
      %parallel_loop3A_384 = arith.addf %parallel_loop3A_381, %parallel_loop3A_383 : vector<16xf32>
      %parallel_loop3A_385 = arith.constant 0.000000e+00 : f32
      %parallel_loop3A_386 = vector.broadcast %parallel_loop3A_385 : f32 to vector<16xf32>
      %parallel_loop3A_387 = arith.maximumf %parallel_loop3A_384, %parallel_loop3A_386 : vector<16xf32>
      %parallel_loop3A_388 = vector.broadcast %parallel_loop3A_223 : f32 to vector<16xf32>
      %parallel_loop3A_389 = arith.minimumf %parallel_loop3A_387, %parallel_loop3A_388 : vector<16xf32>
      %parallel_loop3A_390 = arith.fptosi %parallel_loop3A_389 : vector<16xf32> to vector<16xi32>
      %parallel_loop3A_391 = tpu.vector_load_idx %arg8[%parallel_loop3A_390] : memref<16xf32, #tpu.memory_space<vmem>>[vector<16xi32>], vector<16xf32>,
      %parallel_loop3A_392 = tpu.vector_load_idx %arg7[%parallel_loop3A_390] : memref<16xf32, #tpu.memory_space<vmem>>[vector<16xi32>], vector<16xf32>,
      %parallel_loop3A_393 = arith.mulf %parallel_loop3A_389, %parallel_loop3A_392 : vector<16xf32>
      %parallel_loop3A_394 = arith.addf %parallel_loop3A_391, %parallel_loop3A_393 : vector<16xf32>
      %parallel_loop3A_395 = arith.constant -3.000000e+00 : f32
      %parallel_loop3A_396 = vector.broadcast %parallel_loop3A_395 : f32 to vector<16xf32>
      %parallel_loop3A_397 = arith.cmpf olt, %parallel_loop3A_378, %parallel_loop3A_396 : vector<16xf32>
      %parallel_loop3A_398 = arith.constant 5.000000e+00 : f32
      %parallel_loop3A_399 = vector.broadcast %parallel_loop3A_398 : f32 to vector<16xf32>
      %parallel_loop3A_400 = arith.cmpf ogt, %parallel_loop3A_378, %parallel_loop3A_399 : vector<16xf32>
      %parallel_loop3A_401 = arith.ori %parallel_loop3A_397, %parallel_loop3A_400 : vector<16xi1>
      %parallel_loop3A_402 = arith.select %parallel_loop3A_401, %parallel_loop3A_378, %parallel_loop3A_394 : vector<16xi1>, vector<16xf32>
      %parallel_loop3A_403 = arith.constant 0 : i32
      %parallel_loop3A_404 = arith.index_cast %parallel_loop3A_403 : i32 to index
      %parallel_loop3A_405 = arith.index_cast %parallel_loop3A_374 : i32 to index
      %parallel_loop3A_406 = tpu.vector_load %arg10[%parallel_loop3A_404, %parallel_loop3A_405] {strides = array<i32>} : memref<2x16384xf32, #tpu.memory_space<vmem>>, vector<16xf32>,
      tpu.vector_store %arg10[%parallel_loop3A_404, %parallel_loop3A_405], %parallel_loop3A_402 {strides = array<i32>} : memref<2x16384xf32, #tpu.memory_space<vmem>>, vector<16xf32>,
    } {sc.loop_unroll_factor = 16 : i64, sc.parallel_access}
    %add3A_224 = arith.constant 65536 : i32
    %add3A_225 = arith.addi %mul3A_2, %add3A_224 : i32
    %dma_start3A_226 = arith.constant 0 : i32
    %dma_start3A_227 = arith.constant 0 : i32
    %dma_start3A_228 = tpu.memref_slice %arg10[%dma_start3A_226, %dma_start3A_227] : memref<2x16384xf32, #tpu.memory_space<vmem>> -> memref<1x16384xf32, #tpu.memory_space<vmem>>
    %dma_start3A_229 = tpu.memref_squeeze %dma_start3A_228 : memref<1x16384xf32, #tpu.memory_space<vmem>> -> memref<16384xf32, #tpu.memory_space<vmem>>
    %dma_start3A_230 = tpu.memref_slice %arg4[%add3A_225] : memref<4194304xf32, #tpu.memory_space<hbm>> -> memref<16384xf32, #tpu.memory_space<hbm>>
    %dma_start3A_231 = tpu.memref_slice %arg4[%add3A_225] : memref<4194304xf32, #tpu.memory_space<hbm>> -> memref<16384xf32, #tpu.memory_space<hbm>>
    %dma_start3A_232 = arith.constant 0 : i32
    %dma_start3A_233 = tpu.memref_slice %arg10[%dma_start3A_226, %dma_start3A_232] : memref<2x16384xf32, #tpu.memory_space<vmem>> -> memref<1x16384xf32, #tpu.memory_space<vmem>>
    %dma_start3A_234 = tpu.memref_squeeze %dma_start3A_233 : memref<1x16384xf32, #tpu.memory_space<vmem>> -> memref<16384xf32, #tpu.memory_space<vmem>>
    tpu.enqueue_dma source(%dma_start3A_234 : memref<16384xf32, #tpu.memory_space<vmem>>) target(%dma_start3A_231 : memref<16384xf32, #tpu.memory_space<hbm>>) target_semaphore(%arg14 : memref<!tpu.dma_semaphore, #tpu.memory_space<semaphore_mem>>)
    %add3A_235 = arith.constant 98304 : i32
    %add3A_236 = arith.addi %mul3A_2, %add3A_235 : i32
    %dma_start3A_237 = arith.constant 0 : i32
    %dma_start3A_238 = arith.constant 0 : i32
    %dma_start3A_239 = tpu.memref_slice %arg9[%dma_start3A_237, %dma_start3A_238] : memref<2x16384xf32, #tpu.memory_space<vmem>> -> memref<1x16384xf32, #tpu.memory_space<vmem>>
    %dma_start3A_240 = tpu.memref_squeeze %dma_start3A_239 : memref<1x16384xf32, #tpu.memory_space<vmem>> -> memref<16384xf32, #tpu.memory_space<vmem>>
    %dma_start3A_241 = tpu.memref_slice %arg2[%add3A_236] : memref<4194304xf32, #tpu.memory_space<hbm>> -> memref<16384xf32, #tpu.memory_space<hbm>>
    %dma_start3A_242 = arith.constant 0 : i32
    %dma_start3A_243 = tpu.memref_slice %arg9[%dma_start3A_237, %dma_start3A_242] : memref<2x16384xf32, #tpu.memory_space<vmem>> -> memref<1x16384xf32, #tpu.memory_space<vmem>>
    %dma_start3A_244 = tpu.memref_squeeze %dma_start3A_243 : memref<1x16384xf32, #tpu.memory_space<vmem>> -> memref<16384xf32, #tpu.memory_space<vmem>>
    %dma_start3A_245 = tpu.memref_slice %arg2[%add3A_236] : memref<4194304xf32, #tpu.memory_space<hbm>> -> memref<16384xf32, #tpu.memory_space<hbm>>
    tpu.enqueue_dma source(%dma_start3A_245 : memref<16384xf32, #tpu.memory_space<hbm>>) target(%dma_start3A_244 : memref<16384xf32, #tpu.memory_space<vmem>>) target_semaphore(%arg12 : memref<!tpu.dma_semaphore, #tpu.memory_space<semaphore_mem>>)
    %dma_wait3A_246 = arith.constant 1 : i32
    %dma_wait3A_247 = arith.constant 0 : i32
    %dma_wait3A_248 = tpu.memref_slice %arg9[%dma_wait3A_246, %dma_wait3A_247] : memref<2x16384xf32, #tpu.memory_space<vmem>> -> memref<1x16384xf32, #tpu.memory_space<vmem>>
    %dma_wait3A_249 = tpu.memref_squeeze %dma_wait3A_248 : memref<1x16384xf32, #tpu.memory_space<vmem>> -> memref<16384xf32, #tpu.memory_space<vmem>>
    %dma_wait3A_250 = tpu.memref_slice %arg2[%add3A_192] : memref<4194304xf32, #tpu.memory_space<hbm>> -> memref<16384xf32, #tpu.memory_space<hbm>>
    %dma_wait3A_251 = arith.constant 0 : i32
    %dma_wait3A_252 = tpu.memref_slice %arg9[%dma_wait3A_246, %dma_wait3A_251] : memref<2x16384xf32, #tpu.memory_space<vmem>> -> memref<1x16384xf32, #tpu.memory_space<vmem>>
    %dma_wait3A_253 = tpu.memref_squeeze %dma_wait3A_252 : memref<1x16384xf32, #tpu.memory_space<vmem>> -> memref<16384xf32, #tpu.memory_space<vmem>>
    %dma_wait3A_254 = tpu.memref_slice %arg2[%add3A_192] : memref<4194304xf32, #tpu.memory_space<hbm>> -> memref<16384xf32, #tpu.memory_space<hbm>>
    tpu.wait_dma2 semaphore(%arg13 : memref<!tpu.dma_semaphore, #tpu.memory_space<semaphore_mem>>) src(%dma_wait3A_254 : memref<16384xf32, #tpu.memory_space<hbm>>) dst(%dma_wait3A_253 : memref<16384xf32, #tpu.memory_space<vmem>>)
    %dma_wait3A_255 = arith.constant 1 : i32
    %dma_wait3A_256 = arith.constant 0 : i32
    %dma_wait3A_257 = tpu.memref_slice %arg10[%dma_wait3A_255, %dma_wait3A_256] : memref<2x16384xf32, #tpu.memory_space<vmem>> -> memref<1x16384xf32, #tpu.memory_space<vmem>>
    %dma_wait3A_258 = tpu.memref_squeeze %dma_wait3A_257 : memref<1x16384xf32, #tpu.memory_space<vmem>> -> memref<16384xf32, #tpu.memory_space<vmem>>
    %dma_wait3A_259 = tpu.memref_slice %arg4[%add3A_181] : memref<4194304xf32, #tpu.memory_space<hbm>> -> memref<16384xf32, #tpu.memory_space<hbm>>
    %dma_wait3A_260 = tpu.memref_slice %arg4[%add3A_181] : memref<4194304xf32, #tpu.memory_space<hbm>> -> memref<16384xf32, #tpu.memory_space<hbm>>
    %dma_wait3A_261 = arith.constant 0 : i32
    %dma_wait3A_262 = tpu.memref_slice %arg10[%dma_wait3A_255, %dma_wait3A_261] : memref<2x16384xf32, #tpu.memory_space<vmem>> -> memref<1x16384xf32, #tpu.memory_space<vmem>>
    %dma_wait3A_263 = tpu.memref_squeeze %dma_wait3A_262 : memref<1x16384xf32, #tpu.memory_space<vmem>> -> memref<16384xf32, #tpu.memory_space<vmem>>
    tpu.wait_dma2 semaphore(%arg15 : memref<!tpu.dma_semaphore, #tpu.memory_space<semaphore_mem>>) src(%dma_wait3A_263 : memref<16384xf32, #tpu.memory_space<vmem>>) dst(%dma_wait3A_260 : memref<16384xf32, #tpu.memory_space<hbm>>)
    %parallel_loop3A_264 = arith.constant 0 : i32
    %parallel_loop3A_265 = arith.constant 16384 : i32
    %parallel_loop3A_266 = arith.constant 16 : i32
    %parallel_loop3A_267 = arith.constant 8.99999904 : f32
    scf.for %parallel_loop3A_374 = %parallel_loop3A_264 to %parallel_loop3A_265 step %parallel_loop3A_266  : i32 {
      %parallel_loop3A_375 = arith.constant 1 : i32
      %parallel_loop3A_376 = arith.index_cast %parallel_loop3A_375 : i32 to index
      %parallel_loop3A_377 = arith.index_cast %parallel_loop3A_374 : i32 to index
      %parallel_loop3A_378 = tpu.vector_load %arg9[%parallel_loop3A_376, %parallel_loop3A_377] {strides = array<i32>} : memref<2x16384xf32, #tpu.memory_space<vmem>>, vector<16xf32>,
      %parallel_loop3A_379 = arith.constant 1.125000e+00 : f32
      %parallel_loop3A_380 = vector.broadcast %parallel_loop3A_379 : f32 to vector<16xf32>
      %parallel_loop3A_381 = arith.mulf %parallel_loop3A_378, %parallel_loop3A_380 : vector<16xf32>
      %parallel_loop3A_382 = arith.constant 3.375000e+00 : f32
      %parallel_loop3A_383 = vector.broadcast %parallel_loop3A_382 : f32 to vector<16xf32>
      %parallel_loop3A_384 = arith.addf %parallel_loop3A_381, %parallel_loop3A_383 : vector<16xf32>
      %parallel_loop3A_385 = arith.constant 0.000000e+00 : f32
      %parallel_loop3A_386 = vector.broadcast %parallel_loop3A_385 : f32 to vector<16xf32>
      %parallel_loop3A_387 = arith.maximumf %parallel_loop3A_384, %parallel_loop3A_386 : vector<16xf32>
      %parallel_loop3A_388 = vector.broadcast %parallel_loop3A_267 : f32 to vector<16xf32>
      %parallel_loop3A_389 = arith.minimumf %parallel_loop3A_387, %parallel_loop3A_388 : vector<16xf32>
      %parallel_loop3A_390 = arith.fptosi %parallel_loop3A_389 : vector<16xf32> to vector<16xi32>
      %parallel_loop3A_391 = tpu.vector_load_idx %arg8[%parallel_loop3A_390] : memref<16xf32, #tpu.memory_space<vmem>>[vector<16xi32>], vector<16xf32>,
      %parallel_loop3A_392 = tpu.vector_load_idx %arg7[%parallel_loop3A_390] : memref<16xf32, #tpu.memory_space<vmem>>[vector<16xi32>], vector<16xf32>,
      %parallel_loop3A_393 = arith.mulf %parallel_loop3A_389, %parallel_loop3A_392 : vector<16xf32>
      %parallel_loop3A_394 = arith.addf %parallel_loop3A_391, %parallel_loop3A_393 : vector<16xf32>
      %parallel_loop3A_395 = arith.constant -3.000000e+00 : f32
      %parallel_loop3A_396 = vector.broadcast %parallel_loop3A_395 : f32 to vector<16xf32>
      %parallel_loop3A_397 = arith.cmpf olt, %parallel_loop3A_378, %parallel_loop3A_396 : vector<16xf32>
      %parallel_loop3A_398 = arith.constant 5.000000e+00 : f32
      %parallel_loop3A_399 = vector.broadcast %parallel_loop3A_398 : f32 to vector<16xf32>
      %parallel_loop3A_400 = arith.cmpf ogt, %parallel_loop3A_378, %parallel_loop3A_399 : vector<16xf32>
      %parallel_loop3A_401 = arith.ori %parallel_loop3A_397, %parallel_loop3A_400 : vector<16xi1>
      %parallel_loop3A_402 = arith.select %parallel_loop3A_401, %parallel_loop3A_378, %parallel_loop3A_394 : vector<16xi1>, vector<16xf32>
      %parallel_loop3A_403 = arith.constant 1 : i32
      %parallel_loop3A_404 = arith.index_cast %parallel_loop3A_403 : i32 to index
      %parallel_loop3A_405 = arith.index_cast %parallel_loop3A_374 : i32 to index
      %parallel_loop3A_406 = tpu.vector_load %arg10[%parallel_loop3A_404, %parallel_loop3A_405] {strides = array<i32>} : memref<2x16384xf32, #tpu.memory_space<vmem>>, vector<16xf32>,
      tpu.vector_store %arg10[%parallel_loop3A_404, %parallel_loop3A_405], %parallel_loop3A_402 {strides = array<i32>} : memref<2x16384xf32, #tpu.memory_space<vmem>>, vector<16xf32>,
    } {sc.loop_unroll_factor = 16 : i64, sc.parallel_access}
    %add3A_268 = arith.constant 81920 : i32
    %add3A_269 = arith.addi %mul3A_2, %add3A_268 : i32
    %dma_start3A_270 = arith.constant 1 : i32
    %dma_start3A_271 = arith.constant 0 : i32
    %dma_start3A_272 = tpu.memref_slice %arg10[%dma_start3A_270, %dma_start3A_271] : memref<2x16384xf32, #tpu.memory_space<vmem>> -> memref<1x16384xf32, #tpu.memory_space<vmem>>
    %dma_start3A_273 = tpu.memref_squeeze %dma_start3A_272 : memref<1x16384xf32, #tpu.memory_space<vmem>> -> memref<16384xf32, #tpu.memory_space<vmem>>
    %dma_start3A_274 = tpu.memref_slice %arg4[%add3A_269] : memref<4194304xf32, #tpu.memory_space<hbm>> -> memref<16384xf32, #tpu.memory_space<hbm>>
    %dma_start3A_275 = tpu.memref_slice %arg4[%add3A_269] : memref<4194304xf32, #tpu.memory_space<hbm>> -> memref<16384xf32, #tpu.memory_space<hbm>>
    %dma_start3A_276 = arith.constant 0 : i32
    %dma_start3A_277 = tpu.memref_slice %arg10[%dma_start3A_270, %dma_start3A_276] : memref<2x16384xf32, #tpu.memory_space<vmem>> -> memref<1x16384xf32, #tpu.memory_space<vmem>>
    %dma_start3A_278 = tpu.memref_squeeze %dma_start3A_277 : memref<1x16384xf32, #tpu.memory_space<vmem>> -> memref<16384xf32, #tpu.memory_space<vmem>>
    tpu.enqueue_dma source(%dma_start3A_278 : memref<16384xf32, #tpu.memory_space<vmem>>) target(%dma_start3A_275 : memref<16384xf32, #tpu.memory_space<hbm>>) target_semaphore(%arg15 : memref<!tpu.dma_semaphore, #tpu.memory_space<semaphore_mem>>)
    %add3A_279 = arith.constant 114688 : i32
    %add3A_280 = arith.addi %mul3A_2, %add3A_279 : i32
    %dma_start3A_281 = arith.constant 1 : i32
    %dma_start3A_282 = arith.constant 0 : i32
    %dma_start3A_283 = tpu.memref_slice %arg9[%dma_start3A_281, %dma_start3A_282] : memref<2x16384xf32, #tpu.memory_space<vmem>> -> memref<1x16384xf32, #tpu.memory_space<vmem>>
    %dma_start3A_284 = tpu.memref_squeeze %dma_start3A_283 : memref<1x16384xf32, #tpu.memory_space<vmem>> -> memref<16384xf32, #tpu.memory_space<vmem>>
    %dma_start3A_285 = tpu.memref_slice %arg2[%add3A_280] : memref<4194304xf32, #tpu.memory_space<hbm>> -> memref<16384xf32, #tpu.memory_space<hbm>>
    %dma_start3A_286 = arith.constant 0 : i32
    %dma_start3A_287 = tpu.memref_slice %arg9[%dma_start3A_281, %dma_start3A_286] : memref<2x16384xf32, #tpu.memory_space<vmem>> -> memref<1x16384xf32, #tpu.memory_space<vmem>>
    %dma_start3A_288 = tpu.memref_squeeze %dma_start3A_287 : memref<1x16384xf32, #tpu.memory_space<vmem>> -> memref<16384xf32, #tpu.memory_space<vmem>>
    %dma_start3A_289 = tpu.memref_slice %arg2[%add3A_280] : memref<4194304xf32, #tpu.memory_space<hbm>> -> memref<16384xf32, #tpu.memory_space<hbm>>
    tpu.enqueue_dma source(%dma_start3A_289 : memref<16384xf32, #tpu.memory_space<hbm>>) target(%dma_start3A_288 : memref<16384xf32, #tpu.memory_space<vmem>>) target_semaphore(%arg13 : memref<!tpu.dma_semaphore, #tpu.memory_space<semaphore_mem>>)
    %dma_wait3A_290 = arith.constant 0 : i32
    %dma_wait3A_291 = arith.constant 0 : i32
    %dma_wait3A_292 = tpu.memref_slice %arg9[%dma_wait3A_290, %dma_wait3A_291] : memref<2x16384xf32, #tpu.memory_space<vmem>> -> memref<1x16384xf32, #tpu.memory_space<vmem>>
    %dma_wait3A_293 = tpu.memref_squeeze %dma_wait3A_292 : memref<1x16384xf32, #tpu.memory_space<vmem>> -> memref<16384xf32, #tpu.memory_space<vmem>>
    %dma_wait3A_294 = tpu.memref_slice %arg2[%add3A_236] : memref<4194304xf32, #tpu.memory_space<hbm>> -> memref<16384xf32, #tpu.memory_space<hbm>>
    %dma_wait3A_295 = arith.constant 0 : i32
    %dma_wait3A_296 = tpu.memref_slice %arg9[%dma_wait3A_290, %dma_wait3A_295] : memref<2x16384xf32, #tpu.memory_space<vmem>> -> memref<1x16384xf32, #tpu.memory_space<vmem>>
    %dma_wait3A_297 = tpu.memref_squeeze %dma_wait3A_296 : memref<1x16384xf32, #tpu.memory_space<vmem>> -> memref<16384xf32, #tpu.memory_space<vmem>>
    %dma_wait3A_298 = tpu.memref_slice %arg2[%add3A_236] : memref<4194304xf32, #tpu.memory_space<hbm>> -> memref<16384xf32, #tpu.memory_space<hbm>>
    tpu.wait_dma2 semaphore(%arg12 : memref<!tpu.dma_semaphore, #tpu.memory_space<semaphore_mem>>) src(%dma_wait3A_298 : memref<16384xf32, #tpu.memory_space<hbm>>) dst(%dma_wait3A_297 : memref<16384xf32, #tpu.memory_space<vmem>>)
    %dma_wait3A_299 = arith.constant 0 : i32
    %dma_wait3A_300 = arith.constant 0 : i32
    %dma_wait3A_301 = tpu.memref_slice %arg10[%dma_wait3A_299, %dma_wait3A_300] : memref<2x16384xf32, #tpu.memory_space<vmem>> -> memref<1x16384xf32, #tpu.memory_space<vmem>>
    %dma_wait3A_302 = tpu.memref_squeeze %dma_wait3A_301 : memref<1x16384xf32, #tpu.memory_space<vmem>> -> memref<16384xf32, #tpu.memory_space<vmem>>
    %dma_wait3A_303 = tpu.memref_slice %arg4[%add3A_225] : memref<4194304xf32, #tpu.memory_space<hbm>> -> memref<16384xf32, #tpu.memory_space<hbm>>
    %dma_wait3A_304 = tpu.memref_slice %arg4[%add3A_225] : memref<4194304xf32, #tpu.memory_space<hbm>> -> memref<16384xf32, #tpu.memory_space<hbm>>
    %dma_wait3A_305 = arith.constant 0 : i32
    %dma_wait3A_306 = tpu.memref_slice %arg10[%dma_wait3A_299, %dma_wait3A_305] : memref<2x16384xf32, #tpu.memory_space<vmem>> -> memref<1x16384xf32, #tpu.memory_space<vmem>>
    %dma_wait3A_307 = tpu.memref_squeeze %dma_wait3A_306 : memref<1x16384xf32, #tpu.memory_space<vmem>> -> memref<16384xf32, #tpu.memory_space<vmem>>
    tpu.wait_dma2 semaphore(%arg14 : memref<!tpu.dma_semaphore, #tpu.memory_space<semaphore_mem>>) src(%dma_wait3A_307 : memref<16384xf32, #tpu.memory_space<vmem>>) dst(%dma_wait3A_304 : memref<16384xf32, #tpu.memory_space<hbm>>)
    %parallel_loop3A_308 = arith.constant 0 : i32
    %parallel_loop3A_309 = arith.constant 16384 : i32
    %parallel_loop3A_310 = arith.constant 16 : i32
    %parallel_loop3A_311 = arith.constant 8.99999904 : f32
    scf.for %parallel_loop3A_374 = %parallel_loop3A_308 to %parallel_loop3A_309 step %parallel_loop3A_310  : i32 {
      %parallel_loop3A_375 = arith.constant 0 : i32
      %parallel_loop3A_376 = arith.index_cast %parallel_loop3A_375 : i32 to index
      %parallel_loop3A_377 = arith.index_cast %parallel_loop3A_374 : i32 to index
      %parallel_loop3A_378 = tpu.vector_load %arg9[%parallel_loop3A_376, %parallel_loop3A_377] {strides = array<i32>} : memref<2x16384xf32, #tpu.memory_space<vmem>>, vector<16xf32>,
      %parallel_loop3A_379 = arith.constant 1.125000e+00 : f32
      %parallel_loop3A_380 = vector.broadcast %parallel_loop3A_379 : f32 to vector<16xf32>
      %parallel_loop3A_381 = arith.mulf %parallel_loop3A_378, %parallel_loop3A_380 : vector<16xf32>
      %parallel_loop3A_382 = arith.constant 3.375000e+00 : f32
      %parallel_loop3A_383 = vector.broadcast %parallel_loop3A_382 : f32 to vector<16xf32>
      %parallel_loop3A_384 = arith.addf %parallel_loop3A_381, %parallel_loop3A_383 : vector<16xf32>
      %parallel_loop3A_385 = arith.constant 0.000000e+00 : f32
      %parallel_loop3A_386 = vector.broadcast %parallel_loop3A_385 : f32 to vector<16xf32>
      %parallel_loop3A_387 = arith.maximumf %parallel_loop3A_384, %parallel_loop3A_386 : vector<16xf32>
      %parallel_loop3A_388 = vector.broadcast %parallel_loop3A_311 : f32 to vector<16xf32>
      %parallel_loop3A_389 = arith.minimumf %parallel_loop3A_387, %parallel_loop3A_388 : vector<16xf32>
      %parallel_loop3A_390 = arith.fptosi %parallel_loop3A_389 : vector<16xf32> to vector<16xi32>
      %parallel_loop3A_391 = tpu.vector_load_idx %arg8[%parallel_loop3A_390] : memref<16xf32, #tpu.memory_space<vmem>>[vector<16xi32>], vector<16xf32>,
      %parallel_loop3A_392 = tpu.vector_load_idx %arg7[%parallel_loop3A_390] : memref<16xf32, #tpu.memory_space<vmem>>[vector<16xi32>], vector<16xf32>,
      %parallel_loop3A_393 = arith.mulf %parallel_loop3A_389, %parallel_loop3A_392 : vector<16xf32>
      %parallel_loop3A_394 = arith.addf %parallel_loop3A_391, %parallel_loop3A_393 : vector<16xf32>
      %parallel_loop3A_395 = arith.constant -3.000000e+00 : f32
      %parallel_loop3A_396 = vector.broadcast %parallel_loop3A_395 : f32 to vector<16xf32>
      %parallel_loop3A_397 = arith.cmpf olt, %parallel_loop3A_378, %parallel_loop3A_396 : vector<16xf32>
      %parallel_loop3A_398 = arith.constant 5.000000e+00 : f32
      %parallel_loop3A_399 = vector.broadcast %parallel_loop3A_398 : f32 to vector<16xf32>
      %parallel_loop3A_400 = arith.cmpf ogt, %parallel_loop3A_378, %parallel_loop3A_399 : vector<16xf32>
      %parallel_loop3A_401 = arith.ori %parallel_loop3A_397, %parallel_loop3A_400 : vector<16xi1>
      %parallel_loop3A_402 = arith.select %parallel_loop3A_401, %parallel_loop3A_378, %parallel_loop3A_394 : vector<16xi1>, vector<16xf32>
      %parallel_loop3A_403 = arith.constant 0 : i32
      %parallel_loop3A_404 = arith.index_cast %parallel_loop3A_403 : i32 to index
      %parallel_loop3A_405 = arith.index_cast %parallel_loop3A_374 : i32 to index
      %parallel_loop3A_406 = tpu.vector_load %arg10[%parallel_loop3A_404, %parallel_loop3A_405] {strides = array<i32>} : memref<2x16384xf32, #tpu.memory_space<vmem>>, vector<16xf32>,
      tpu.vector_store %arg10[%parallel_loop3A_404, %parallel_loop3A_405], %parallel_loop3A_402 {strides = array<i32>} : memref<2x16384xf32, #tpu.memory_space<vmem>>, vector<16xf32>,
    } {sc.loop_unroll_factor = 16 : i64, sc.parallel_access}
    %add3A_312 = arith.constant 98304 : i32
    %add3A_313 = arith.addi %mul3A_2, %add3A_312 : i32
    %dma_start3A_314 = arith.constant 0 : i32
    %dma_start3A_315 = arith.constant 0 : i32
    %dma_start3A_316 = tpu.memref_slice %arg10[%dma_start3A_314, %dma_start3A_315] : memref<2x16384xf32, #tpu.memory_space<vmem>> -> memref<1x16384xf32, #tpu.memory_space<vmem>>
    %dma_start3A_317 = tpu.memref_squeeze %dma_start3A_316 : memref<1x16384xf32, #tpu.memory_space<vmem>> -> memref<16384xf32, #tpu.memory_space<vmem>>
    %dma_start3A_318 = tpu.memref_slice %arg4[%add3A_313] : memref<4194304xf32, #tpu.memory_space<hbm>> -> memref<16384xf32, #tpu.memory_space<hbm>>
    %dma_start3A_319 = tpu.memref_slice %arg4[%add3A_313] : memref<4194304xf32, #tpu.memory_space<hbm>> -> memref<16384xf32, #tpu.memory_space<hbm>>
    %dma_start3A_320 = arith.constant 0 : i32
    %dma_start3A_321 = tpu.memref_slice %arg10[%dma_start3A_314, %dma_start3A_320] : memref<2x16384xf32, #tpu.memory_space<vmem>> -> memref<1x16384xf32, #tpu.memory_space<vmem>>
    %dma_start3A_322 = tpu.memref_squeeze %dma_start3A_321 : memref<1x16384xf32, #tpu.memory_space<vmem>> -> memref<16384xf32, #tpu.memory_space<vmem>>
    tpu.enqueue_dma source(%dma_start3A_322 : memref<16384xf32, #tpu.memory_space<vmem>>) target(%dma_start3A_319 : memref<16384xf32, #tpu.memory_space<hbm>>) target_semaphore(%arg14 : memref<!tpu.dma_semaphore, #tpu.memory_space<semaphore_mem>>)
    %dma_wait3A_323 = arith.constant 1 : i32
    %dma_wait3A_324 = arith.constant 0 : i32
    %dma_wait3A_325 = tpu.memref_slice %arg9[%dma_wait3A_323, %dma_wait3A_324] : memref<2x16384xf32, #tpu.memory_space<vmem>> -> memref<1x16384xf32, #tpu.memory_space<vmem>>
    %dma_wait3A_326 = tpu.memref_squeeze %dma_wait3A_325 : memref<1x16384xf32, #tpu.memory_space<vmem>> -> memref<16384xf32, #tpu.memory_space<vmem>>
    %dma_wait3A_327 = tpu.memref_slice %arg2[%add3A_280] : memref<4194304xf32, #tpu.memory_space<hbm>> -> memref<16384xf32, #tpu.memory_space<hbm>>
    %dma_wait3A_328 = arith.constant 0 : i32
    %dma_wait3A_329 = tpu.memref_slice %arg9[%dma_wait3A_323, %dma_wait3A_328] : memref<2x16384xf32, #tpu.memory_space<vmem>> -> memref<1x16384xf32, #tpu.memory_space<vmem>>
    %dma_wait3A_330 = tpu.memref_squeeze %dma_wait3A_329 : memref<1x16384xf32, #tpu.memory_space<vmem>> -> memref<16384xf32, #tpu.memory_space<vmem>>
    %dma_wait3A_331 = tpu.memref_slice %arg2[%add3A_280] : memref<4194304xf32, #tpu.memory_space<hbm>> -> memref<16384xf32, #tpu.memory_space<hbm>>
    tpu.wait_dma2 semaphore(%arg13 : memref<!tpu.dma_semaphore, #tpu.memory_space<semaphore_mem>>) src(%dma_wait3A_331 : memref<16384xf32, #tpu.memory_space<hbm>>) dst(%dma_wait3A_330 : memref<16384xf32, #tpu.memory_space<vmem>>)
    %dma_wait3A_332 = arith.constant 1 : i32
    %dma_wait3A_333 = arith.constant 0 : i32
    %dma_wait3A_334 = tpu.memref_slice %arg10[%dma_wait3A_332, %dma_wait3A_333] : memref<2x16384xf32, #tpu.memory_space<vmem>> -> memref<1x16384xf32, #tpu.memory_space<vmem>>
    %dma_wait3A_335 = tpu.memref_squeeze %dma_wait3A_334 : memref<1x16384xf32, #tpu.memory_space<vmem>> -> memref<16384xf32, #tpu.memory_space<vmem>>
    %dma_wait3A_336 = tpu.memref_slice %arg4[%add3A_269] : memref<4194304xf32, #tpu.memory_space<hbm>> -> memref<16384xf32, #tpu.memory_space<hbm>>
    %dma_wait3A_337 = tpu.memref_slice %arg4[%add3A_269] : memref<4194304xf32, #tpu.memory_space<hbm>> -> memref<16384xf32, #tpu.memory_space<hbm>>
    %dma_wait3A_338 = arith.constant 0 : i32
    %dma_wait3A_339 = tpu.memref_slice %arg10[%dma_wait3A_332, %dma_wait3A_338] : memref<2x16384xf32, #tpu.memory_space<vmem>> -> memref<1x16384xf32, #tpu.memory_space<vmem>>
    %dma_wait3A_340 = tpu.memref_squeeze %dma_wait3A_339 : memref<1x16384xf32, #tpu.memory_space<vmem>> -> memref<16384xf32, #tpu.memory_space<vmem>>
    tpu.wait_dma2 semaphore(%arg15 : memref<!tpu.dma_semaphore, #tpu.memory_space<semaphore_mem>>) src(%dma_wait3A_340 : memref<16384xf32, #tpu.memory_space<vmem>>) dst(%dma_wait3A_337 : memref<16384xf32, #tpu.memory_space<hbm>>)
    %parallel_loop3A_341 = arith.constant 0 : i32
    %parallel_loop3A_342 = arith.constant 16384 : i32
    %parallel_loop3A_343 = arith.constant 16 : i32
    %parallel_loop3A_344 = arith.constant 8.99999904 : f32
    scf.for %parallel_loop3A_374 = %parallel_loop3A_341 to %parallel_loop3A_342 step %parallel_loop3A_343  : i32 {
      %parallel_loop3A_375 = arith.constant 1 : i32
      %parallel_loop3A_376 = arith.index_cast %parallel_loop3A_375 : i32 to index
      %parallel_loop3A_377 = arith.index_cast %parallel_loop3A_374 : i32 to index
      %parallel_loop3A_378 = tpu.vector_load %arg9[%parallel_loop3A_376, %parallel_loop3A_377] {strides = array<i32>} : memref<2x16384xf32, #tpu.memory_space<vmem>>, vector<16xf32>,
      %parallel_loop3A_379 = arith.constant 1.125000e+00 : f32
      %parallel_loop3A_380 = vector.broadcast %parallel_loop3A_379 : f32 to vector<16xf32>
      %parallel_loop3A_381 = arith.mulf %parallel_loop3A_378, %parallel_loop3A_380 : vector<16xf32>
      %parallel_loop3A_382 = arith.constant 3.375000e+00 : f32
      %parallel_loop3A_383 = vector.broadcast %parallel_loop3A_382 : f32 to vector<16xf32>
      %parallel_loop3A_384 = arith.addf %parallel_loop3A_381, %parallel_loop3A_383 : vector<16xf32>
      %parallel_loop3A_385 = arith.constant 0.000000e+00 : f32
      %parallel_loop3A_386 = vector.broadcast %parallel_loop3A_385 : f32 to vector<16xf32>
      %parallel_loop3A_387 = arith.maximumf %parallel_loop3A_384, %parallel_loop3A_386 : vector<16xf32>
      %parallel_loop3A_388 = vector.broadcast %parallel_loop3A_344 : f32 to vector<16xf32>
      %parallel_loop3A_389 = arith.minimumf %parallel_loop3A_387, %parallel_loop3A_388 : vector<16xf32>
      %parallel_loop3A_390 = arith.fptosi %parallel_loop3A_389 : vector<16xf32> to vector<16xi32>
      %parallel_loop3A_391 = tpu.vector_load_idx %arg8[%parallel_loop3A_390] : memref<16xf32, #tpu.memory_space<vmem>>[vector<16xi32>], vector<16xf32>,
      %parallel_loop3A_392 = tpu.vector_load_idx %arg7[%parallel_loop3A_390] : memref<16xf32, #tpu.memory_space<vmem>>[vector<16xi32>], vector<16xf32>,
      %parallel_loop3A_393 = arith.mulf %parallel_loop3A_389, %parallel_loop3A_392 : vector<16xf32>
      %parallel_loop3A_394 = arith.addf %parallel_loop3A_391, %parallel_loop3A_393 : vector<16xf32>
      %parallel_loop3A_395 = arith.constant -3.000000e+00 : f32
      %parallel_loop3A_396 = vector.broadcast %parallel_loop3A_395 : f32 to vector<16xf32>
      %parallel_loop3A_397 = arith.cmpf olt, %parallel_loop3A_378, %parallel_loop3A_396 : vector<16xf32>
      %parallel_loop3A_398 = arith.constant 5.000000e+00 : f32
      %parallel_loop3A_399 = vector.broadcast %parallel_loop3A_398 : f32 to vector<16xf32>
      %parallel_loop3A_400 = arith.cmpf ogt, %parallel_loop3A_378, %parallel_loop3A_399 : vector<16xf32>
      %parallel_loop3A_401 = arith.ori %parallel_loop3A_397, %parallel_loop3A_400 : vector<16xi1>
      %parallel_loop3A_402 = arith.select %parallel_loop3A_401, %parallel_loop3A_378, %parallel_loop3A_394 : vector<16xi1>, vector<16xf32>
      %parallel_loop3A_403 = arith.constant 1 : i32
      %parallel_loop3A_404 = arith.index_cast %parallel_loop3A_403 : i32 to index
      %parallel_loop3A_405 = arith.index_cast %parallel_loop3A_374 : i32 to index
      %parallel_loop3A_406 = tpu.vector_load %arg10[%parallel_loop3A_404, %parallel_loop3A_405] {strides = array<i32>} : memref<2x16384xf32, #tpu.memory_space<vmem>>, vector<16xf32>,
      tpu.vector_store %arg10[%parallel_loop3A_404, %parallel_loop3A_405], %parallel_loop3A_402 {strides = array<i32>} : memref<2x16384xf32, #tpu.memory_space<vmem>>, vector<16xf32>,
    } {sc.loop_unroll_factor = 16 : i64, sc.parallel_access}
    %add3A_345 = arith.constant 114688 : i32
    %add3A_346 = arith.addi %mul3A_2, %add3A_345 : i32
    %dma_start3A_347 = arith.constant 1 : i32
    %dma_start3A_348 = arith.constant 0 : i32
    %dma_start3A_349 = tpu.memref_slice %arg10[%dma_start3A_347, %dma_start3A_348] : memref<2x16384xf32, #tpu.memory_space<vmem>> -> memref<1x16384xf32, #tpu.memory_space<vmem>>
    %dma_start3A_350 = tpu.memref_squeeze %dma_start3A_349 : memref<1x16384xf32, #tpu.memory_space<vmem>> -> memref<16384xf32, #tpu.memory_space<vmem>>
    %dma_start3A_351 = tpu.memref_slice %arg4[%add3A_346] : memref<4194304xf32, #tpu.memory_space<hbm>> -> memref<16384xf32, #tpu.memory_space<hbm>>
    %dma_start3A_352 = tpu.memref_slice %arg4[%add3A_346] : memref<4194304xf32, #tpu.memory_space<hbm>> -> memref<16384xf32, #tpu.memory_space<hbm>>
    %dma_start3A_353 = arith.constant 0 : i32
    %dma_start3A_354 = tpu.memref_slice %arg10[%dma_start3A_347, %dma_start3A_353] : memref<2x16384xf32, #tpu.memory_space<vmem>> -> memref<1x16384xf32, #tpu.memory_space<vmem>>
    %dma_start3A_355 = tpu.memref_squeeze %dma_start3A_354 : memref<1x16384xf32, #tpu.memory_space<vmem>> -> memref<16384xf32, #tpu.memory_space<vmem>>
    tpu.enqueue_dma source(%dma_start3A_355 : memref<16384xf32, #tpu.memory_space<vmem>>) target(%dma_start3A_352 : memref<16384xf32, #tpu.memory_space<hbm>>) target_semaphore(%arg15 : memref<!tpu.dma_semaphore, #tpu.memory_space<semaphore_mem>>)
    %dma_wait3A_356 = arith.constant 0 : i32
    %dma_wait3A_357 = arith.constant 0 : i32
    %dma_wait3A_358 = tpu.memref_slice %arg10[%dma_wait3A_356, %dma_wait3A_357] : memref<2x16384xf32, #tpu.memory_space<vmem>> -> memref<1x16384xf32, #tpu.memory_space<vmem>>
    %dma_wait3A_359 = tpu.memref_squeeze %dma_wait3A_358 : memref<1x16384xf32, #tpu.memory_space<vmem>> -> memref<16384xf32, #tpu.memory_space<vmem>>
    %dma_wait3A_360 = tpu.memref_slice %arg4[%add3A_313] : memref<4194304xf32, #tpu.memory_space<hbm>> -> memref<16384xf32, #tpu.memory_space<hbm>>
    %dma_wait3A_361 = tpu.memref_slice %arg4[%add3A_313] : memref<4194304xf32, #tpu.memory_space<hbm>> -> memref<16384xf32, #tpu.memory_space<hbm>>
    %dma_wait3A_362 = arith.constant 0 : i32
    %dma_wait3A_363 = tpu.memref_slice %arg10[%dma_wait3A_356, %dma_wait3A_362] : memref<2x16384xf32, #tpu.memory_space<vmem>> -> memref<1x16384xf32, #tpu.memory_space<vmem>>
    %dma_wait3A_364 = tpu.memref_squeeze %dma_wait3A_363 : memref<1x16384xf32, #tpu.memory_space<vmem>> -> memref<16384xf32, #tpu.memory_space<vmem>>
    tpu.wait_dma2 semaphore(%arg14 : memref<!tpu.dma_semaphore, #tpu.memory_space<semaphore_mem>>) src(%dma_wait3A_364 : memref<16384xf32, #tpu.memory_space<vmem>>) dst(%dma_wait3A_361 : memref<16384xf32, #tpu.memory_space<hbm>>)
    %dma_wait3A_365 = arith.constant 1 : i32
    %dma_wait3A_366 = arith.constant 0 : i32
    %dma_wait3A_367 = tpu.memref_slice %arg10[%dma_wait3A_365, %dma_wait3A_366] : memref<2x16384xf32, #tpu.memory_space<vmem>> -> memref<1x16384xf32, #tpu.memory_space<vmem>>
    %dma_wait3A_368 = tpu.memref_squeeze %dma_wait3A_367 : memref<1x16384xf32, #tpu.memory_space<vmem>> -> memref<16384xf32, #tpu.memory_space<vmem>>
    %dma_wait3A_369 = tpu.memref_slice %arg4[%add3A_346] : memref<4194304xf32, #tpu.memory_space<hbm>> -> memref<16384xf32, #tpu.memory_space<hbm>>
    %dma_wait3A_370 = tpu.memref_slice %arg4[%add3A_346] : memref<4194304xf32, #tpu.memory_space<hbm>> -> memref<16384xf32, #tpu.memory_space<hbm>>
    %dma_wait3A_371 = arith.constant 0 : i32
    %dma_wait3A_372 = tpu.memref_slice %arg10[%dma_wait3A_365, %dma_wait3A_371] : memref<2x16384xf32, #tpu.memory_space<vmem>> -> memref<1x16384xf32, #tpu.memory_space<vmem>>
    %dma_wait3A_373 = tpu.memref_squeeze %dma_wait3A_372 : memref<1x16384xf32, #tpu.memory_space<vmem>> -> memref<16384xf32, #tpu.memory_space<vmem>>
    tpu.wait_dma2 semaphore(%arg15 : memref<!tpu.dma_semaphore, #tpu.memory_space<semaphore_mem>>) src(%dma_wait3A_373 : memref<16384xf32, #tpu.memory_space<vmem>>) dst(%dma_wait3A_370 : memref<16384xf32, #tpu.memory_space<hbm>>)
    return
  }
}

</mosaic_0001>

<sc_bundles>
// kernel: kernel.3.cloned.1.call-start
scs
__scs_entry_jumppad:
0x0: {  	(pc) =	sbr.rel $0x88, $3  }
0x1: {  	(tag) =	ssettag $0x0;
	lr =	simm.s32 $0x1  }
0x2: {  	[smem:$0x3F9F] =	sst lr;
	_ =	strace $0xD0000000  }
0x3: {  	_ = 	snop  }
0x4: {  	_ = 	snop  }
0x5: {  	_ = 	snop  }
0x6: {  	_ = 	snop  }
0x7: {  	_ = 	snop  }
__scs_overlays_trampoline_lowered:
0x8: {  	[smem:$0x3FAE] =	sst s0  }
0x9: {  	[smem:$0x3FAF] =	sst s1  }
0xa: {  	[smem:$0x3FB0] =	sst s2  }
0xb: {  	[smem:$0x3FB1] =	sst s3  }
0xc: {  	[smem:$0x3FB2] =	sst s4  }
0xd: {  	[smem:$0x3FB3] =	sst s5  }
0xe: {  	[smem:$0x3FB4] =	sst s6  }
0xf: {  	[smem:$0x3FB5] =	sst s7  }
0x10: {  	[smem:$0x3FB6] =	sst s8  }
0x11: {  	[smem:$0x3FB7] =	sst s9;
	s0 =	simm.s32 @!p0 $0x0  }
0x12: {  	s1 =	sld [smem:$0x3F9D];
	s0 =	simm.s32 @p0 $0x1  }
0x13: {  	[smem:$0x3FB8] =	sst s0;
	s0 =	simm.s32 @!p1 $0x0  }
0x14: {  	s2 =	sld [smem:$0x3F9C];
	s0 =	simm.s32 @p1 $0x1  }
0x15: {  	[smem:$0x3FB9] =	sst s0;
	s0 =	simm.s32 @!p2 $0x0  }
0x16: {  	s3 =	sld [smem:$0x3FDB];
	s0 =	simm.s32 @p2 $0x1  }
0x17: {  	s4 =	simm.s32 $0x1BF5;
	[smem:$0x3FBB] =	sst s0  }
0x18: {  	s0 =	sld [smem:$0x3F9E];
	_ =	swait.ge [sflag:s4], $0x0  }
0x19: {  	s7 =	sld [smem:$0x3F9F]  }
0x1a: {  	s8 =	sadd.s32 $0xFFFFE003, lr  }
0x1b: {  	s9 =	sadd.s32 $0xFFFFFEF7, lr;
	s5 =	simm.s32 $0xFFFFFFFF;
	p2 =	slt.u32 s8, $0xFFFFF086  }
0x1c: {  	p1 =	slt.u32 s9, $0xF7A;
	s5 =	simm.s32 @!p2 $0x0  }
0x1d: {  	s5 =	simm.s32 @p1 $0x1;
	p0 =	seq.s32 s7, s2  }
0x1e: {  	s7 =	smul.u32 @!p0 $0xF7A, s2;
	p2 =	seq.s32 @!p0 s5, $0x0  }
0x1f: {  	s9 =	smul.u32 $0xF7A, s1;
	s8 =	simm.s32 @!p0 $0x1BF5;
	p2 =	por !p2, p0  }
0x20: {  	[sflag:s8] =	ssyncset.s32 @!p0 $0xFFFFF086;
	s6 =	sadd.s32 @!p0 s3, s7;
	s7 =	simm.s32 @!p0 $0x108  }
0x21: {  	s3 =	sadd.s32 s3, s9;
	s6 =	sadd.s32 @!p0 $0x88, s6;
	s7 =	simm.s32 @p2 $0x1082  }
0x22: {  	[simem:s7], [sflag:s8] =	dma.local @!p0 [hbm:s6], $0xF7A  }
0x23: {  	s9 =	sor.u32 $0xD0000000, s2;
	s6 =	simm.s32 $0x108;
	_ =	swait.ge @!p0 [sflag:s8], $0x0  }
0x24: {  	s3 =	sadd.s32 $0x88, s3;
	s6 =	simm.s32 @!p1 $0x1082;
	[sflag:s4] =	ssyncset.s32 $0xFFFFF086  }
0x25: {  	[simem:s6], [sflag:s4] =	dma.local [hbm:s3], $0xF7A  }
0x26: {  	[smem:$0x3F9F] =	sst s1;
	(tag) =	ssettag s2;
	_ =	strace s9  }
0x27: {  	s1 =	sld [smem:$0x3FAF]  }
0x28: {  	s2 =	sld [smem:$0x3FB0]  }
0x29: {  	s4 =	sld [smem:$0x3FB2]  }
0x2a: {  	p0 =	seq.s32 s5, $0x0;
	s5 =	sld [smem:$0x3FB3]  }
0x2b: {  	s6 =	sld [smem:$0x3FB4]  }
0x2c: {  	s7 =	sld [smem:$0x3FB5]  }
0x2d: {  	s3 =	simm.s32 $0x108;
	s8 =	sld [smem:$0x3FB6]  }
0x2e: {  	s3 =	simm.s32 @!p0 $0x1082;
	s9 =	sld [smem:$0x3FB7]  }
0x2f: {  	lr =	sadd.s32 s0, s3;
	s0 =	sld [smem:$0x3FAE]  }
0x30: {  	s3 =	sld [smem:$0x3FB1]  }
0x31: {  	[smem:$0x3FBA] =	sst s10  }
0x32: {  	s10 =	sld [smem:$0x3FB8];
	_ =	sdelay $0x3  }
0x33: {  	p0 =	seq.s32 s10, $0x1;
	s10 =	sld [smem:$0x3FBA];
	_ =	sdelay $0x3  }
0x34: {  	[smem:$0x3FBA] =	sst s10  }
0x35: {  	s10 =	sld [smem:$0x3FB9];
	_ =	sdelay $0x3  }
0x36: {  	p1 =	seq.s32 s10, $0x1;
	s10 =	sld [smem:$0x3FBA];
	_ =	sdelay $0x3  }
0x37: {  	[smem:$0x3FBA] =	sst s10  }
0x38: {  	s10 =	sld [smem:$0x3FBB]  }
0x39: {  	_ = 	snop;
	(pc) =	sbr.ind lr, $3  }
0x3a: {  	_ = 	snop  }
0x3b: {  	_ = 	snop  }
0x3c: {  	p2 =	seq.s32 s10, $0x1;
	s10 =	sld [smem:$0x3FBA]  }
0x3d: {  	_ =	shalt  }
0x3e: {  	_ =	shalt  }
0x3f: {  	_ =	shalt  }
0x40: {  	_ =	shalt  }
0x41: {  	_ =	shalt  }
0x42: {  	_ =	shalt  }
0x43: {  	_ =	shalt  }
0x44: {  	_ =	shalt  }
0x45: {  	_ =	shalt  }
0x46: {  	_ =	shalt  }
0x47: {  	_ =	shalt  }
0x48: {  	_ =	shalt  }
0x49: {  	_ =	shalt  }
0x4a: {  	_ =	shalt  }
0x4b: {  	_ =	shalt  }
0x4c: {  	_ =	shalt  }
0x4d: {  	_ =	shalt  }
0x4e: {  	_ =	shalt  }
0x4f: {  	_ =	shalt  }
0x50: {  	_ =	shalt  }
0x51: {  	_ =	shalt  }
0x52: {  	_ =	shalt  }
0x53: {  	_ =	shalt  }
0x54: {  	_ =	shalt  }
0x55: {  	_ =	shalt  }
0x56: {  	_ =	shalt  }
0x57: {  	_ =	shalt  }
0x58: {  	_ =	shalt  }
0x59: {  	_ =	shalt  }
0x5a: {  	_ =	shalt  }
0x5b: {  	_ =	shalt  }
0x5c: {  	_ =	shalt  }
0x5d: {  	_ =	shalt  }
0x5e: {  	_ =	shalt  }
0x5f: {  	_ =	shalt  }
0x60: {  	_ =	shalt  }
0x61: {  	_ =	shalt  }
0x62: {  	_ =	shalt  }
0x63: {  	_ =	shalt  }
0x64: {  	_ =	shalt  }
0x65: {  	_ =	shalt  }
0x66: {  	_ =	shalt  }
0x67: {  	_ =	shalt  }
0x68: {  	_ =	shalt  }
0x69: {  	_ =	shalt  }
0x6a: {  	_ =	shalt  }
0x6b: {  	_ =	shalt  }
0x6c: {  	_ =	shalt  }
0x6d: {  	_ =	shalt  }
0x6e: {  	_ =	shalt  }
0x6f: {  	_ =	shalt  }
0x70: {  	_ =	shalt  }
0x71: {  	_ =	shalt  }
0x72: {  	_ =	shalt  }
0x73: {  	_ =	shalt  }
0x74: {  	_ =	shalt  }
0x75: {  	_ =	shalt  }
0x76: {  	_ =	shalt  }
0x77: {  	_ =	shalt  }
0x78: {  	_ =	shalt  }
0x79: {  	_ =	shalt  }
0x7a: {  	_ =	shalt  }
0x7b: {  	_ =	shalt  }
0x7c: {  	_ =	shalt  }
0x7d: {  	_ =	shalt  }
0x7e: {  	_ =	shalt  }
0x7f: {  	_ =	shalt  }
0x80: {  	_ =	shalt  }
0x81: {  	_ =	shalt  }
0x82: {  	_ =	shalt  }
0x83: {  	_ =	shalt  }
0x84: {  	_ =	shalt  }
0x85: {  	_ =	shalt  }
0x86: {  	_ =	shalt  }
0x87: {  	_ =	shalt  }
.Lfunc_end0:
.L_simem_size_0:
called_computation_lowered:
.L_overlay_start_0:
0x88: {  	s2 =	sld [smem:$0x3FD9]  }
0x89: {  	s3 =	sld [smem:$0x3FFE];
	_ =	sdelay $0x1  }
0x8a: {  	s1 =	srdreg.scid  }
0x8b: {  	s0 =	sand.u32 $0x1, s1  }
0x8c: {  	s17 =	sshll.u32 s0, $0xA;
	s2 =	sadd.s32 s3, s2  }
0x8d: {  	s2 =	sadd.s32 s2, s17  }
0x8e: {  	[smem:$0x3FC6] =	sst s2  }
0x8f: {  	_ = 	snop  }
0x90: {  	s2 =	sld [smem:$0x3FC8]  }
0x91: {  	s18 =	sld [smem:$0x3FD0];
	(tm) =	ssettm $0x1  }
0x92: {  	s4 =	sld [smem:$0x3FFB];
	_ =	sdelay $0x3  }
0x93: {  	_ =	strace s4  }
0x94: {  	s4 =	sld [smem:$0x3FFC];
	_ =	sdelay $0x3  }
0x95: {  	_ =	strace s4  }
0x96: {  	s4 =	sld [smem:$0x3FFD];
	_ =	sdelay $0x3  }
0x97: {  	_ =	strace s4  }
0x98: {  	_ =	strace $0x8FFFFFFF  }
0x99: {  	s19 =	sld [smem:$0x3FDB];
	_ =	sdelay $0x1  }
0x9a: {  	s5 =	simm.s32 $_scs_section_size  }
0x9b: {  	s6 =	simm.s32 $_size__tile_overlayer_lowered;
	s7 =	simm.s32 $_tile_overlayer_lowered  }
0x9c: {  	s22 =	simm.s32 $0x1BFF;
	s21 =	sshll.u32 s7, $0x1;
	s4 =	sadd.s32 s5, s19  }
0x9d: {  	s8 =	simm.s32 $0x0;
	s20 =	sshll.u32 s6, $0x1;
	s6 =	sadd.s32 s21, s4  }
0x9e: {  	[timem:s8], [sflag:s22] =	dma.local [hbm:s6], s20  }
0x9f: {  	_ =	swait.ge [sflag:s22], s20  }
0xa0: {  	s5 =	ssub.s32 $0x0, s20;
	[sflag:s22] =	ssyncset.done $0x0  }
0xa1: {  	[sflag:s22] =	ssyncadd.s32 s5;
	_ =	sdelay $0x1  }
0xa2: {  	s23 =	simm.s32 $0x1B8B  }
0xa3: {  	_ =	swait.ge [sflag:s23], $0x1  }
0xa4: {  	[sflag:s23] =	ssyncset.done $0x0  }
0xa5: {  	s25 =	simm.s32 $0x1B8E;
	s24 =	sld [smem:$0x3FFE];
	[sflag:s23] =	ssyncadd.s32 $0xFFFFFFFF  }
0xa6: {  	s26 =	simm.s32 $execute0_lowered;
	[smem:$0x3FD2] =	sst s25  }
0xa7: {  	s6 =	sshll.u32 s26, $0x1;
	_ =	strace $0x80000046;
	[dreg:$0x1] =	wrdreg $0xFFFFFFFF  }
0xa8: {  	s28 =	simm.s32 $_size_execute0_lowered;
	s4 =	sadd.s32 s4, s6;
	[dreg:$0x0] =	wrdreg $0x0  }
0xa9: {  	s6 =	sshll.u32 s28, $0x1;
	[dreg:$0x2] =	wrdreg s4  }
0xaa: {  	[dreg:$0x3] =	wrdreg s6  }
0xab: {  	[dreg:$0x4] =	wrdreg $0xC0  }
0xac: {  	_ =	task [dreg:s8], $0x5FFFF  }
0xad: {  	[dreg:$0x1] =	wrdreg $0xFFFFFFFF  }
0xae: {  	[dreg:$0x0] =	wrdreg $0x60  }
0xaf: {  	[dreg:$0x2] =	wrdreg s18  }
0xb0: {  	[dreg:$0x3] =	wrdreg s2  }
0xb1: {  	[dreg:$0x4] =	wrdreg s24  }
0xb2: {  	[dreg:$0x5] =	wrdreg $0x9  }
0xb3: {  	_ =	task.clear_ibuf [dreg:s8], $0x6FFFF;
	_ =	strace $0x90000046  }
0xb4: {  	s29 =	simm.s32 $0x9;
	_ =	strace $0x80000048  }
0xb5: {  	_ =	swait.ge [sflag:s29], $0x1  }
0xb6: {  	[sflag:s29] =	ssyncadd.s32 $0xFFFFFFFF  }
0xb7: {  	_ =	strace $0x90000048  }
0xb8: {  	_ =	sfence  }
0xb9: {  	s30 =	sld [smem:$0x0];
	_ =	sdelay $0x2  }
0xba: {  	s31 =	sshll.u32 s1, $0xD;
	s1 =	sshrl.u32 s1, $0x2  }
0xbb: {  	s3 =	sand.u32 $0x4000, s31;
	s1 =	sadd.s32 s1, s30  }
0xbc: {  	s0 =	sor.u32 s3, s0;
	s1 =	sshll.u32 s1, $0x11  }
0xbd: {  	s0 =	sor.u32 s1, s0  }
0xbe: {  	s0 =	sadd.s32 $0x8F2B, s0  }
0xbf: {  	[sflag:s0] =	ssyncadd.remote.s32 $0x1  }
0xc0: {  	_ =	sfence.sel $0xFFFF  }
0xc1: {  	[dreg:$0x0] =	wrdreg $0xFFFFFFFF;
	(pc) =	sbr.abs _section_cstart, $3  }
0xc2: {  	[dreg:$0x1] =	wrdreg $0xFFFFFFFF  }
0xc3: {  	_ =	task.clear_ibuf [dreg:s8], $0x2FFFF;
	_ =	strace $0x9FFFFFFF  }
0xc4: {  	(tm) =	ssettm $0x7FFFFFFF  }
0xc5: {  	_ =	shalt  }
tec
execute0_lowered:
.L_overlay_start_1:
0x0: {  	(tag) =	ssettag $0x1  }
0x1: {  	s0 =	rddreg [dreg:$0x0]  }
0x2: {  	s1 =	rddreg [dreg:$0x2];
	s2 =	srdreg.scid;
	v0 =	vimm.f32 $-1.500000000e+01;
	vm0 =	vcmask $0x300  }
0x3: {  	s3 =	simm.s32 $0x0;
	s4 =	stileid.u32;
	s21 =	simm.s32 $0x5;
	v0 =	vsel vm0, $0x80000000, v0;
	vm0 =	vcmask $0x704  }
0x4: {  	s22 =	simm.s32 $0x80;
	s23 =	simm.s32 $0x1;
	s24 =	simm.s32 $0x180;
	v0 =	vsel vm0, $0xBF800000, v0;
	vm0 =	vcmask $0xB08  }
0x5: {  	s25 =	simm.s32 $0x100;
	s26 =	simm.s32 $0x2;
	s28 =	simm.s32 $0x3;
	v0 =	vsel vm0, $0xC0000000, v0;
	vm0 =	vcmask $0xF0C  }
0x6: {  	v1 =	vimm.s32 $0xFFEDCBA9;
	s29 =	simm.s32 $0x4;
	s30 =	simm.s32 $0x0;
	s2 =	sand.u32 $0x1, s2;
	v0 =	vsel vm0, $0xC0400000, v0;
	vm0 =	vcmask $0x1310  }
0x7: {  	[smem:$0x7FF] =	sst s3;
	s4 =	sshll.u32 s4, $0xF;
	s5 =	sshll.u32 s2, $0xE;
	v0 =	vsel vm0, $0xC0800000, v0;
	vm0 =	vcmask $0x1714  }
0x8: {  	v2 =	vimm.s32 $0x87654321;
	s1 =	sadd.s32 $0x400, s1;
	s2 =	ssub.s32 $0x2, s2;
	s15 =	sor.u32 s5, s4;
	v0 =	vsel vm0, $0xC0A00000, v0;
	vm0 =	vcmask $0x1B18  }
0x9: {  	v1 =	vunpack.c.l.s4.s8 v1;
	_ =	strace $0x80000047;
	s31 =	sshrl.u32 s2, $0x1;
	s8 =	sor.u32 $0x800, s15;
	v0 =	vsel vm0, $0xC0C00000, v0;
	vm0 =	vcmask $0x1F1C  }
0xa: {  	v2 =	vunpack.c.l.s4.s8 v2;
	s2 =	ssub.s32 s2, s31;
	s4 =	sadd.s32 s0, s15;
	s6 =	sadd.s32 s1, s15;
	v0 =	vsel vm0, $0xC0E00000, v0;
	vm0 =	vcmask $0x2320  }
0xb: {  	v1 =	vunpack.c.0.s8.s32 v1;
	s10 =	sor.u32 $0x1000, s15;
	s12 =	sor.u32 $0x1800, s15;
	s14 =	sor.u32 $0x2000, s15;
	v0 =	vsel vm0, $0xC1000000, v0;
	vm0 =	vcmask $0x2724  }
0xc: {  	v2 =	vunpack.c.0.s8.s32 v2;
	s16 =	sor.u32 $0x2800, s15;
	s18 =	sor.u32 $0x3000, s15;
	s19 =	sor.u32 $0x3800, s15;
	v0 =	vsel vm0, $0xC1100000, v0;
	vm0 =	vcmask $0x2B28  }
0xd: {  	s5 =	sadd.s32 s0, s8;
	s7 =	sadd.s32 s0, s10;
	s8 =	sadd.s32 s1, s8;
	v0 =	vsel vm0, $0xC1200000, v0;
	vm0 =	vcmask $0x2F2C  }
0xe: {  	s9 =	sadd.s32 s0, s12;
	s10 =	sadd.s32 s1, s10;
	s11 =	sadd.s32 s0, s14;
	v1 =	vcombine.low v2, v1;
	v0 =	vsel vm0, $0xC1300000, v0;
	vm0 =	vcmask $0x3330  }
0xf: {  	s12 =	sadd.s32 s1, s12;
	s13 =	sadd.s32 s0, s16;
	s14 =	sadd.s32 s1, s14;
	v2 =	vsel vm0, $0xC1400000, v0;
	vm0 =	vcmask $0x3734  }
0x10: {  	vm1 =	vcmask $0x3B38;
	s15 =	sadd.s32 s0, s18;
	s16 =	sadd.s32 s1, s16;
	s17 =	sadd.s32 s0, s19;
	v1 =	vand.u32 $0xF, v1;
	v2 =	vsel vm0, $0xC1500000, v2  }
0x11: {  	s18 =	sadd.s32 s1, s18;
	s19 =	sadd.s32 s1, s19;
	s20 =	smax.u32 s2, $0x1;
	v0 =	vlaneseq.u32;
	vm0 =	vmmov $0x1ff;
	v2 =	vsel vm1, $0xC1600000, v2  }
.LBB2_1:
0x12: {  	s0 =	simm.s32 $0x200  }
0x13: {  	s1 =	simm.s32 $0x10;
	s31 =	sadd.s32 $0x0, s4;
	s2 =	simm.s32 $0x300  }
.LBB2_2:
0x14: {  	[tilespmem:s0], [sflag:$0x1] =	stream.linear.gather [hbm4b:s31+s3], $0x80, $0x38;
	[tilespmem:$0x10200] =	vst v63  }
0x15: {  	s31 =	smov.u32 s1;
	s0 =	smov.u32 s2;
	p0 =	sne.s32 s1, $0x7F0  }
.Ltmp0:
0x16: {  	s1 =	sadd.s32 $0x10, s1;
	(pc) =	sbr.rel @p0 .LBB2_2-.Ltmp0, $2  }
0x17: {  	_ =	sdelay $0x2  }
0x18: {  	s2 =	sadd.s32 $0x100, s2;
	s31 =	sadd.s32 s31, s4  }
0x19: {  	[tilespmem:s0], [sflag:$0x1] =	stream.linear.gather [hbm4b:s31+s3], $0x80, $0x38;
	[tilespmem:$0x10200] =	vst v63  }
0x1a: {  	s0 =	simm.s32 $0x280  }
0x1b: {  	s1 =	simm.s32 $0x10;
	s31 =	sadd.s32 $0x0, s5;
	s2 =	simm.s32 $0x380  }
.LBB2_4:
0x1c: {  	[tilespmem:s0], [sflag:$0x2] =	stream.linear.gather [hbm4b:s31+s3], $0x80, $0x38;
	[tilespmem:$0x10200] =	vst v63  }
0x1d: {  	s31 =	smov.u32 s1;
	s0 =	smov.u32 s2;
	p0 =	sne.s32 s1, $0x7F0  }
.Ltmp1:
0x1e: {  	s1 =	sadd.s32 $0x10, s1;
	(pc) =	sbr.rel @p0 .LBB2_4-.Ltmp1, $2  }
0x1f: {  	_ =	sdelay $0x2  }
0x20: {  	s2 =	sadd.s32 $0x100, s2;
	s31 =	sadd.s32 s31, s5  }
0x21: {  	[tilespmem:s0], [sflag:$0x2] =	stream.linear.gather [hbm4b:s31+s3], $0x80, $0x38;
	[tilespmem:$0x10200] =	vst v63  }
0x22: {  	s1 =	rddreg [dreg:$0x1]  }
0x23: {  	[tilespmem:s3], [sflag:$0x5] =	stream.linear.gather [hbm4b:s1+s3], $0xA, $0x38;
	[tilespmem:$0x10200] =	vst v63  }
0x24: {  	_ =	swait.ge [sflag:s21], $0xA  }
0x25: {  	[sflag:s21] =	ssyncset.done $0x0  }
0x26: {  	[sflag:s21] =	ssyncadd.s32 $0xFFFFFFF6  }
0x27: {  	v3 =	vld [tilespmem:$0x0];
	_ =	sdelay $0x3  }
0x28: {  	vm1 =	veq.s32 v0, $0x3  }
0x29: {  	v3 =	vsel vm1, $0x0, v3  }
0x2a: {  	[tilespmem:$0x80] =	vst v3  }
0x2b: {  	v4 =	vld.idx.msk [tilespmem:v1+s22+$0x0], $0xffff;
	_ =	sdelay $0x4  }
0x2c: {  	v4 =	vsub.f32 v4, v3;
	_ =	sdelay $0x1  }
0x2d: {  	v4 =	vmax.f32 v4, $0.0e+00  }
0x2e: {  	v4 =	vnsel vm0, $0x0, v4  }
0x2f: {  	v5 =	vmul.f32 v2, v4;
	_ =	sdelay $0x1  }
0x30: {  	v3 =	vadd.f32 v5, v3  }
0x31: {  	[tilespmem:$0x100] =	vst v4  }
0x32: {  	[tilespmem:$0x180] =	vst v3  }
0x33: {  	_ =	swait.ge [sflag:s23], $0x4000  }
0x34: {  	[sflag:s23] =	ssyncset.done $0x0  }
0x35: {  	s2 =	simm.s32 $0x300;
	[sflag:s23] =	ssyncadd.s32 $0xFFFFC000  }
0x36: {  	v3 =	vld [tilespmem:s2+$0xFFFFFF10]  }
0x37: {  	v14 =	vld [tilespmem:s2+$0x20]  }
0x38: {  	v16 =	vld [tilespmem:s2+$0xFFFFFF40]  }
0x39: {  	v7 =	vld [tilespmem:s2+$0x0]  }
0x3a: {  	v6 =	vld [tilespmem:s2+$0xFFFFFF00]  }
0x3b: {  	v5 =	vld [tilespmem:s2+$0xFFFFFF30]  }
0x3c: {  	v4 =	vld [tilespmem:s2+$0xFFFFFF20]  }
0x3d: {  	v12 =	vld [tilespmem:s2+$0x30]  }
0x3e: {  	v11 =	vld [tilespmem:s2+$0xFFFFFF70]  }
0x3f: {  	v18 =	vld [tilespmem:s2+$0x50]  }
0x40: {  	v27 =	vld [tilespmem:s2+$0xFFFFFF50];
	v8 =	vmul.f32 $1.125000000e+00, v3;
	vm2 =	vlt.f32 v14, $-3.000000000e+00  }
0x41: {  	v30 =	vld [tilespmem:s2+$0x60];
	vm3 =	vgt.f32 v14, $5.000000000e+00;
	v9 =	vmul.f32 $1.125000000e+00, v7;
	v10 =	vmul.f32 $1.125000000e+00, v6  }
0x42: {  	vm1 =	vlt.f32 v3, $-3.000000000e+00;
	v15 =	vmul.f32 $1.125000000e+00, v5;
	v17 =	vmul.f32 $1.125000000e+00, v14  }
0x43: {  	vm4 =	vlt.f32 v6, $-3.000000000e+00;
	v22 =	vmul.f32 $1.125000000e+00, v4;
	v19 =	vmul.f32 $1.125000000e+00, v12  }
0x44: {  	vm6 =	vgt.f32 v16, $5.000000000e+00;
	v24 =	vmul.f32 $1.125000000e+00, v18;
	vm7 =	vlt.f32 v18, $-3.000000000e+00  }
0x45: {  	vm8 =	vgt.f32 v18, $5.000000000e+00;
	v57 =	vmul.f32 $1.125000000e+00, v27;
	vm9 =	vgt.f32 v27, $5.000000000e+00  }
0x46: {  	v36 =	vmul.f32 $1.125000000e+00, v30;
	vm12 =	vlt.f32 v16, $-3.000000000e+00;
	vm10 =	vlt.f32 v11, $-3.000000000e+00  }
0x47: {  	vm11 =	vgt.f32 v6, $5.000000000e+00;
	vm15 =	vlt.f32 v5, $-3.000000000e+00;
	vm5 =	vmor vm2, vm3  }
0x48: {  	vm2 =	vlt.f32 v7, $-3.000000000e+00;
	vm3 =	vgt.f32 v7, $5.000000000e+00;
	vm8 =	vmor vm7, vm8  }
0x49: {  	vm7 =	vlt.f32 v27, $-3.000000000e+00;
	vm6 =	vmor vm12, vm6;
	v8 =	vadd.f32 $3.375000000e+00, v8  }
0x4a: {  	v13 =	vld [tilespmem:s2+$0x10];
	vm4 =	vmor vm4, vm11;
	v21 =	vadd.f32 $3.375000000e+00, v9;
	v9 =	vadd.f32 $3.375000000e+00, v10  }
0x4b: {  	v10 =	vmul.f32 $1.125000000e+00, v16;
	v17 =	vadd.f32 $3.375000000e+00, v17;
	v20 =	vadd.f32 $3.375000000e+00, v15  }
0x4c: {  	v15 =	vmul.f32 $1.125000000e+00, v11;
	v25 =	vadd.f32 $3.375000000e+00, v19;
	v24 =	vadd.f32 $3.375000000e+00, v24  }
0x4d: {  	vm7 =	vmor vm7, vm9;
	v36 =	vadd.f32 $3.375000000e+00, v36;
	v22 =	vadd.f32 $3.375000000e+00, v22  }
0x4e: {  	vm3 =	vmor vm2, vm3;
	v8 =	vmax.f32 v8, $0.0e+00;
	v23 =	vmax.f32 v9, $0.0e+00  }
0x4f: {  	v9 =	vmul.f32 $1.125000000e+00, v13;
	v17 =	vmax.f32 v17, $0.0e+00;
	v10 =	vadd.f32 $3.375000000e+00, v10  }
0x50: {  	v26 =	vadd.f32 $3.375000000e+00, v15;
	v20 =	vmax.f32 v20, $0.0e+00;
	v24 =	vmax.f32 v24, $0.0e+00  }
0x51: {  	v36 =	vmax.f32 v36, $0.0e+00;
	v21 =	vmax.f32 v21, $0.0e+00;
	v25 =	vmax.f32 v25, $0.0e+00  }
0x52: {  	v8 =	vmin.f32 v8, $8.999999040e+00;
	v17 =	vmin.f32 v17, $8.999999040e+00;
	v24 =	vmin.f32 v24, $8.999999040e+00  }
0x53: {  	v36 =	vmin.f32 v36, $8.999999040e+00;
	v23 =	vmin.f32 v23, $8.999999040e+00;
	v19 =	vtrunc.f32 v17  }
0x54: {  	v15 =	vld [tilespmem:s2+$0x40];
	v9 =	vadd.f32 $3.375000000e+00, v9;
	v32 =	vtrunc.f32 v24;
	v40 =	vtrunc.f32 v36  }
0x55: {  	v10 =	vmax.f32 v10, $0.0e+00;
	v28 =	vcvt.f32.s32 v19;
	v19 =	vld [tilespmem:s2+$0xFFFFFF60];
	v32 =	vcvt.f32.s32 v32  }
0x56: {  	v45 =	vtrunc.f32 v23;
	v29 =	vmin.f32 v10, $8.999999040e+00;
	v9 =	vmax.f32 v9, $0.0e+00  }
0x57: {  	v31 =	vtrunc.f32 v29;
	v33 =	vmin.f32 v9, $8.999999040e+00;
	v9 =	vmin.f32 v20, $8.999999040e+00  }
0x58: {  	v10 =	vld [tilespmem:s2+$0x70];
	v20 =	vmax.f32 v26, $0.0e+00;
	v26 =	vcvt.f32.s32 v31;
	v31 =	vadd.f32 $3.375000000e+00, v57  }
0x59: {  	v46 =	vmin.f32 v21, $8.999999040e+00;
	v40 =	vcvt.f32.s32 v40;
	v35 =	vmul.f32 $1.125000000e+00, v15  }
0x5a: {  	v21 =	vcvt.f32.s32 v45;
	v31 =	vmax.f32 v31, $0.0e+00;
	v34 =	vmul.f32 $1.125000000e+00, v19  }
0x5b: {  	v59 =	vtrunc.f32 v33;
	v35 =	vadd.f32 $3.375000000e+00, v35;
	v31 =	vmin.f32 v31, $8.999999040e+00;
	v41 =	vld.idx.msk [tilespmem:v32+s25+$0x0], $0xffff  }
0x5c: {  	v45 =	vcvt.f32.s32 v59;
	v38 =	vld.idx.msk [tilespmem:v28+s25+$0x0], $0xffff;
	v39 =	vtrunc.f32 v31;
	v34 =	vadd.f32 $3.375000000e+00, v34  }
0x5d: {  	v37 =	vmul.f32 $1.125000000e+00, v10;
	v35 =	vmax.f32 v35, $0.0e+00;
	v32 =	vld.idx.msk [tilespmem:v32+s24+$0x0], $0xffff;
	v39 =	vcvt.f32.s32 v39  }
0x5e: {  	v25 =	vmin.f32 v25, $8.999999040e+00;
	v28 =	vld.idx.msk [tilespmem:v28+s24+$0x0], $0xffff;
	v35 =	vmin.f32 v35, $8.999999040e+00;
	v34 =	vmax.f32 v34, $0.0e+00  }
0x5f: {  	v37 =	vadd.f32 $3.375000000e+00, v37;
	v43 =	vld.idx.msk [tilespmem:v26+s25+$0x0], $0xffff;
	v58 =	vtrunc.f32 v35;
	v34 =	vmin.f32 v34, $8.999999040e+00  }
0x60: {  	v20 =	vmin.f32 v20, $8.999999040e+00;
	v62 =	vld.idx.msk [tilespmem:v40+s24+$0x0], $0xffff;
	v42 =	vtrunc.f32 v34;
	v24 =	vmul.f32 v24, v41  }
0x61: {  	v26 =	vld.idx.msk [tilespmem:v26+s24+$0x0], $0xffff;
	v37 =	vmax.f32 v37, $0.0e+00;
	v17 =	vmul.f32 v17, v38;
	v38 =	vcvt.f32.s32 v58  }
0x62: {  	v37 =	vmin.f32 v37, $8.999999040e+00;
	v58 =	vld.idx.msk [tilespmem:v45+s25+$0x0], $0xffff;
	v42 =	vcvt.f32.s32 v42;
	v24 =	vadd.f32 v24, v32  }
0x63: {  	v61 =	vtrunc.f32 v20;
	v44 =	vtrunc.f32 v37;
	v60 =	vld.idx.msk [tilespmem:v39+s25+$0x0], $0xffff;
	v17 =	vadd.f32 v17, v28  }
0x64: {  	v44 =	vcvt.f32.s32 v44;
	v29 =	vmul.f32 v29, v43;
	v39 =	vld.idx.msk [tilespmem:v39+s24+$0x0], $0xffff;
	v24 =	vsel vm8, v18, v24  }
0x65: {  	v18 =	vld.idx.msk [tilespmem:v40+s25+$0x0], $0xffff;
	v52 =	vsel vm5, v14, v17;
	v14 =	vtrunc.f32 v25;
	v17 =	vmax.f32 v22, $0.0e+00  }
0x66: {  	v43 =	vcvt.f32.s32 v61;
	v54 =	vcvt.f32.s32 v14;
	v14 =	vmin.f32 v17, $8.999999040e+00;
	v17 =	vld.idx.msk [tilespmem:v21+s24+$0x0], $0xffff  }
0x67: {  	v63 =	vtrunc.f32 v46;
	v56 =	vtrunc.f32 v8;
	v26 =	vadd.f32 v29, v26;
	v49 =	vld.idx.msk [tilespmem:v38+s25+$0x0], $0xffff  }
0x68: {  	v57 =	vcvt.f32.s32 v56;
	vm13 =	vlt.f32 v15, $-3.000000000e+00;
	vm14 =	vgt.f32 v15, $5.000000000e+00;
	v48 =	vld.idx.msk [tilespmem:v42+s24+$0x0], $0xffff  }
0x69: {  	v47 =	vtrunc.f32 v9;
	v16 =	vsel vm6, v16, v26;
	v22 =	vmul.f32 v31, v60;
	v26 =	vld.idx.msk [tilespmem:v42+s25+$0x0], $0xffff  }
0x6a: {  	s31 =	simm.s32 $0x8300;
	v32 =	vcvt.f32.s32 v47;
	v40 =	vcvt.f32.s32 v63;
	vm5 =	vlt.f32 v30, $-3.000000000e+00;
	v60 =	vld.idx.msk [tilespmem:v38+s24+$0x0], $0xffff  }
0x6b: {  	vm8 =	vgt.f32 v13, $5.000000000e+00;
	[tilespmem:s31+$0x50] =	vst v24;
	vm6 =	vgt.f32 v30, $5.000000000e+00;
	v24 =	vld.idx.msk [tilespmem:v44+s25+$0x0], $0xffff;
	v22 =	vadd.f32 v22, v39  }
0x6c: {  	v33 =	vmul.f32 v33, v58;
	vm5 =	vmor vm5, vm6;
	v63 =	vld.idx.msk [tilespmem:v43+s24+$0x0], $0xffff;
	v18 =	vmul.f32 v36, v18  }
0x6d: {  	vm6 =	vlt.f32 v19, $-3.000000000e+00;
	v22 =	vsel vm7, v27, v22;
	v27 =	vld.idx.msk [tilespmem:v45+s24+$0x0], $0xffff;
	vm7 =	vgt.f32 v19, $5.000000000e+00  }
0x6e: {  	v28 =	vadd.f32 v18, v62;
	v61 =	vld.idx.msk [tilespmem:v54+s25+$0x0], $0xffff;
	vm7 =	vmor vm6, vm7;
	vm6 =	vlt.f32 v13, $-3.000000000e+00  }
0x6f: {  	v55 =	vtrunc.f32 v14;
	v62 =	vld.idx.msk [tilespmem:v43+s25+$0x0], $0xffff;
	v26 =	vmul.f32 v34, v26;
	vm8 =	vmor vm6, vm8  }
0x70: {  	[tilespmem:s31+$0xFFFFFF50] =	vst v22;
	v22 =	vld.idx.msk [tilespmem:v21+s25+$0x0], $0xffff;
	v28 =	vsel vm5, v30, v28;
	vm5 =	vlt.f32 v12, $-3.000000000e+00;
	vm6 =	vgt.f32 v12, $5.000000000e+00  }
0x71: {  	v59 =	vld.idx.msk [tilespmem:v54+s24+$0x0], $0xffff;
	vm5 =	vmor vm5, vm6;
	v26 =	vadd.f32 v26, v48;
	vm6 =	vgt.f32 v11, $5.000000000e+00  }
0x72: {  	v53 =	vld.idx.msk [tilespmem:v44+s24+$0x0], $0xffff;
	v29 =	vcvt.f32.s32 v55;
	[tilespmem:s31+$0xFFFFFF40] =	vst v16;
	v35 =	vmul.f32 v35, v49;
	vm6 =	vmor vm10, vm6  }
0x73: {  	v18 =	vld.idx.msk [tilespmem:v32+s24+$0x0], $0xffff;
	v27 =	vadd.f32 v33, v27;
	v16 =	vsel vm7, v19, v26;
	v25 =	vmul.f32 v25, v61  }
0x74: {  	vm7 =	vmor vm13, vm14;
	v26 =	vld.idx.msk [tilespmem:v40+s25+$0x0], $0xffff;
	v20 =	vmul.f32 v20, v62;
	[tilespmem:s31+$0xFFFFFF60] =	vst v16;
	v16 =	vmul.f32 v37, v24  }
0x75: {  	v22 =	vmul.f32 v23, v22;
	v21 =	vsel vm8, v13, v27;
	v27 =	vadd.f32 v35, v60;
	v13 =	vld.idx.msk [tilespmem:v32+s25+$0x0], $0xffff  }
0x76: {  	[tilespmem:s31+$0x20] =	vst v52;
	vm8 =	vgt.f32 v5, $5.000000000e+00;
	v25 =	vadd.f32 v25, v59;
	v23 =	vadd.f32 v20, v63;
	v20 =	vld.idx.msk [tilespmem:v40+s24+$0x0], $0xffff  }
0x77: {  	[tilespmem:s31+$0x60] =	vst v28;
	vm2 =	vmor vm15, vm8;
	vm8 =	vgt.f32 v4, $5.000000000e+00;
	v24 =	vsel vm7, v15, v27;
	v15 =	vld.idx.msk [tilespmem:v57+s25+$0x0], $0xffff  }
0x78: {  	[tilespmem:s31+$0x10] =	vst v21;
	v21 =	vadd.f32 v16, v53;
	v16 =	vld.idx.msk [tilespmem:v29+s25+$0x0], $0xffff;
	vm7 =	vlt.f32 v4, $-3.000000000e+00;
	v25 =	vsel vm5, v12, v25  }
0x79: {  	v19 =	vld.idx.msk [tilespmem:v57+s24+$0x0], $0xffff;
	[tilespmem:s31+$0x40] =	vst v24;
	vm5 =	vmor vm7, vm8;
	vm7 =	vlt.f32 v10, $-3.000000000e+00;
	vm8 =	vgt.f32 v10, $5.000000000e+00  }
0x7a: {  	s0 =	simm.s32 $0x0;
	s1 =	simm.s32 $0x8300;
	s2 =	simm.s32 $0x500;
	v12 =	vld.idx.msk [tilespmem:v29+s24+$0x0], $0xffff;
	[tilespmem:s31+$0x30] =	vst v25;
	v24 =	vsel vm6, v11, v23;
	v11 =	vmul.f32 v46, v26;
	vm6 =	vmor vm7, vm8  }
.LBB2_6:
0x7b: {  	v23 =	vld [tilespmem:s2+$0xFFFFFF10];
	s0 =	sadd.s32 $0x100, s0;
	v22 =	vadd.f32 v22, v17;
	[tilespmem:s31+$0xFFFFFF70] =	vst v24;
	v10 =	vsel vm6, v10, v21;
	s1 =	sadd.s32 $0x200, s1  }
0x7c: {  	v8 =	vmul.f32 v8, v15;
	v9 =	vmul.f32 v9, v13;
	v17 =	vld [tilespmem:s2+$0x20];
	p0 =	slt.u32 s0, $0x3F00;
	[tilespmem:s31+$0x70] =	vst v10  }
0x7d: {  	v10 =	vmul.f32 v14, v16;
	v11 =	vadd.f32 v11, v20;
	v15 =	vld [tilespmem:s2+$0xFFFFFF40];
	v6 =	vsel vm4, v6, v22  }
0x7e: {  	v8 =	vadd.f32 v8, v19;
	vm4 =	vgt.f32 v3, $5.000000000e+00;
	v9 =	vadd.f32 v9, v18;
	v13 =	vld [tilespmem:s2+$0x0];
	[tilespmem:s31+$0xFFFFFF00] =	vst v6  }
0x7f: {  	vm1 =	vmor vm1, vm4;
	v10 =	vadd.f32 v10, v12;
	v7 =	vsel vm3, v7, v11;
	v6 =	vld [tilespmem:s2+$0xFFFFFF00]  }
0x80: {  	v8 =	vsel vm1, v3, v8;
	v9 =	vsel vm2, v5, v9;
	v11 =	vmul.f32 $1.125000000e+00, v23;
	v5 =	vld [tilespmem:s2+$0xFFFFFF30];
	[tilespmem:s31+$0x0] =	vst v7;
	v3 =	vmovc v23  }
0x81: {  	v10 =	vsel vm5, v4, v10;
	vm2 =	vlt.f32 v17, $-3.000000000e+00;
	vm3 =	vgt.f32 v17, $5.000000000e+00;
	[tilespmem:s31+$0xFFFFFF10] =	vst v8;
	v4 =	vld [tilespmem:s2+$0xFFFFFF20]  }
0x82: {  	vm1 =	vlt.f32 v3, $-3.000000000e+00;
	v8 =	vadd.f32 $3.375000000e+00, v11;
	vm5 =	vmor vm2, vm3;
	v12 =	vld [tilespmem:s2+$0x30];
	[tilespmem:s31+$0xFFFFFF30] =	vst v9  }
0x83: {  	v11 =	vld [tilespmem:s2+$0xFFFFFF70];
	v9 =	vmul.f32 $1.125000000e+00, v13;
	vm2 =	vlt.f32 v13, $-3.000000000e+00;
	vm3 =	vgt.f32 v13, $5.000000000e+00;
	[tilespmem:s31+$0xFFFFFF20] =	vst v10;
	v7 =	vmovc v13;
	s31 =	smov.u32 s1  }
0x84: {  	v10 =	vmul.f32 $1.125000000e+00, v6;
	vm4 =	vlt.f32 v6, $-3.000000000e+00;
	v8 =	vmax.f32 v8, $0.0e+00;
	v13 =	vld [tilespmem:s2+$0x10]  }
0x85: {  	v16 =	vmul.f32 $1.125000000e+00, v5;
	v18 =	vadd.f32 $3.375000000e+00, v9;
	v9 =	vmul.f32 $1.125000000e+00, v17;
	v14 =	vld [tilespmem:s2+$0x50]  }
0x86: {  	v8 =	vmin.f32 v8, $8.999999040e+00;
	v10 =	vadd.f32 $3.375000000e+00, v10;
	v27 =	vmul.f32 $1.125000000e+00, v4  }
0x87: {  	v19 =	vmul.f32 $1.125000000e+00, v15;
	v9 =	vadd.f32 $3.375000000e+00, v9;
	v20 =	vmul.f32 $1.125000000e+00, v12  }
0x88: {  	vm6 =	vgt.f32 v15, $5.000000000e+00;
	v16 =	vadd.f32 $3.375000000e+00, v16;
	v21 =	vmul.f32 $1.125000000e+00, v11  }
0x89: {  	v22 =	vmax.f32 v10, $0.0e+00;
	v10 =	vmul.f32 $1.125000000e+00, v13;
	v9 =	vmax.f32 v9, $0.0e+00  }
0x8a: {  	v19 =	vadd.f32 $3.375000000e+00, v19;
	v28 =	vadd.f32 $3.375000000e+00, v20;
	v20 =	vmul.f32 $1.125000000e+00, v14  }
0x8b: {  	v23 =	vadd.f32 $3.375000000e+00, v21;
	v26 =	vmin.f32 v9, $8.999999040e+00;
	v10 =	vadd.f32 $3.375000000e+00, v10  }
0x8c: {  	v9 =	vmax.f32 v16, $0.0e+00;
	v21 =	vtrunc.f32 v26;
	v16 =	vld [tilespmem:s2+$0x40];
	v20 =	vadd.f32 $3.375000000e+00, v20  }
0x8d: {  	v24 =	vmax.f32 v19, $0.0e+00;
	vm7 =	vlt.f32 v14, $-3.000000000e+00;
	v29 =	vcvt.f32.s32 v21;
	v25 =	vld [tilespmem:s2+$0xFFFFFF50]  }
0x8e: {  	vm8 =	vgt.f32 v14, $5.000000000e+00;
	v10 =	vmax.f32 v10, $0.0e+00;
	v19 =	vld [tilespmem:s2+$0xFFFFFF60];
	v20 =	vmax.f32 v20, $0.0e+00  }
0x8f: {  	v30 =	vmin.f32 v24, $8.999999040e+00;
	vm8 =	vmor vm7, vm8;
	v31 =	vmin.f32 v20, $8.999999040e+00;
	v24 =	vld [tilespmem:s2+$0x60]  }
0x90: {  	v21 =	vmin.f32 v10, $8.999999040e+00;
	v20 =	vtrunc.f32 v30;
	v32 =	vtrunc.f32 v31;
	v10 =	vld [tilespmem:s2+$0x70]  }
0x91: {  	v9 =	vmin.f32 v9, $8.999999040e+00;
	v23 =	vmax.f32 v23, $0.0e+00;
	v32 =	vcvt.f32.s32 v32  }
0x92: {  	v33 =	vcvt.f32.s32 v20;
	v20 =	vmul.f32 $1.125000000e+00, v25;
	vm7 =	vlt.f32 v25, $-3.000000000e+00  }
0x93: {  	v35 =	vmul.f32 $1.125000000e+00, v16;
	vm9 =	vgt.f32 v25, $5.000000000e+00;
	v34 =	vmul.f32 $1.125000000e+00, v19  }
0x94: {  	vm7 =	vmor vm7, vm9;
	v36 =	vadd.f32 $3.375000000e+00, v20;
	v37 =	vmul.f32 $1.125000000e+00, v24  }
0x95: {  	v20 =	vmin.f32 v23, $8.999999040e+00;
	v34 =	vadd.f32 $3.375000000e+00, v34;
	v23 =	vmul.f32 $1.125000000e+00, v10  }
0x96: {  	v35 =	vadd.f32 $3.375000000e+00, v35;
	v36 =	vmax.f32 v36, $0.0e+00;
	v38 =	vld.idx.msk [tilespmem:v29+s25+$0x0], $0xffff;
	v37 =	vadd.f32 $3.375000000e+00, v37  }
0x97: {  	v36 =	vmin.f32 v36, $8.999999040e+00;
	v34 =	vmax.f32 v34, $0.0e+00;
	v39 =	vld.idx.msk [tilespmem:v32+s24+$0x0], $0xffff;
	v23 =	vadd.f32 $3.375000000e+00, v23  }
0x98: {  	v35 =	vmax.f32 v35, $0.0e+00;
	v40 =	vtrunc.f32 v36;
	v32 =	vld.idx.msk [tilespmem:v32+s25+$0x0], $0xffff;
	v37 =	vmax.f32 v37, $0.0e+00  }
0x99: {  	v35 =	vmin.f32 v35, $8.999999040e+00;
	v34 =	vmin.f32 v34, $8.999999040e+00;
	v37 =	vmin.f32 v37, $8.999999040e+00  }
0x9a: {  	v40 =	vcvt.f32.s32 v40;
	v23 =	vmax.f32 v23, $0.0e+00;
	v41 =	vtrunc.f32 v37  }
0x9b: {  	v22 =	vmin.f32 v22, $8.999999040e+00;
	v43 =	vtrunc.f32 v34;
	v42 =	vld.idx.msk [tilespmem:v33+s25+$0x0], $0xffff;
	v41 =	vcvt.f32.s32 v41  }
0x9c: {  	v44 =	vtrunc.f32 v35;
	v38 =	vmul.f32 v26, v38;
	v26 =	vmin.f32 v23, $8.999999040e+00  }
0x9d: {  	v18 =	vmax.f32 v18, $0.0e+00;
	v43 =	vcvt.f32.s32 v43;
	v45 =	vtrunc.f32 v26;
	v29 =	vld.idx.msk [tilespmem:v29+s24+$0x0], $0xffff  }
0x9e: {  	v46 =	vtrunc.f32 v22;
	v44 =	vcvt.f32.s32 v44;
	v23 =	vmin.f32 v18, $8.999999040e+00  }
0x9f: {  	v46 =	vcvt.f32.s32 v46;
	v18 =	vadd.f32 $3.375000000e+00, v27;
	v27 =	vld.idx.msk [tilespmem:v33+s24+$0x0], $0xffff;
	v33 =	vcvt.f32.s32 v45  }
0xa0: {  	v28 =	vmax.f32 v28, $0.0e+00;
	v47 =	vtrunc.f32 v21;
	v31 =	vmul.f32 v31, v32;
	v45 =	vld.idx.msk [tilespmem:v40+s25+$0x0], $0xffff  }
0xa1: {  	vm9 =	vlt.f32 v15, $-3.000000000e+00;
	v32 =	vtrunc.f32 v9;
	v30 =	vmul.f32 v30, v42;
	v40 =	vld.idx.msk [tilespmem:v40+s24+$0x0], $0xffff  }
0xa2: {  	v47 =	vcvt.f32.s32 v47;
	v31 =	vadd.f32 v31, v39;
	v42 =	vtrunc.f32 v20;
	v39 =	vld.idx.msk [tilespmem:v41+s24+$0x0], $0xffff  }
0xa3: {  	vm6 =	vmor vm9, vm6;
	v32 =	vcvt.f32.s32 v32;
	v29 =	vadd.f32 v38, v29;
	v48 =	vld.idx.msk [tilespmem:v43+s24+$0x0], $0xffff  }
0xa4: {  	v28 =	vmin.f32 v28, $8.999999040e+00;
	v14 =	vsel vm8, v14, v31;
	v38 =	vcvt.f32.s32 v42;
	v31 =	vld.idx.msk [tilespmem:v41+s25+$0x0], $0xffff  }
0xa5: {  	v41 =	vtrunc.f32 v23;
	v17 =	vsel vm5, v17, v29;
	v29 =	vtrunc.f32 v28;
	[tilespmem:s1+$0x50] =	vst v14;
	v42 =	vld.idx.msk [tilespmem:v33+s24+$0x0], $0xffff  }
0xa6: {  	v14 =	vmax.f32 v18, $0.0e+00;
	v41 =	vcvt.f32.s32 v41;
	v29 =	vcvt.f32.s32 v29;
	[tilespmem:s1+$0x20] =	vst v17;
	v49 =	vld.idx.msk [tilespmem:v44+s25+$0x0], $0xffff  }
0xa7: {  	v18 =	vadd.f32 v30, v27;
	v27 =	vmul.f32 v36, v45;
	v14 =	vmin.f32 v14, $8.999999040e+00;
	v17 =	vld.idx.msk [tilespmem:v46+s24+$0x0], $0xffff  }
0xa8: {  	vm5 =	vlt.f32 v24, $-3.000000000e+00;
	v30 =	vtrunc.f32 v8;
	v36 =	vtrunc.f32 v14;
	v45 =	vld.idx.msk [tilespmem:v47+s24+$0x0], $0xffff  }
0xa9: {  	v15 =	vsel vm6, v15, v18;
	v27 =	vadd.f32 v27, v40;
	v36 =	vcvt.f32.s32 v36;
	v40 =	vld.idx.msk [tilespmem:v43+s25+$0x0], $0xffff  }
0xaa: {  	v30 =	vcvt.f32.s32 v30;
	vm6 =	vgt.f32 v24, $5.000000000e+00;
	v31 =	vmul.f32 v37, v31;
	[tilespmem:s1+$0xFFFFFF40] =	vst v15;
	v15 =	vld.idx.msk [tilespmem:v47+s25+$0x0], $0xffff  }
0xab: {  	vm5 =	vmor vm5, vm6;
	v25 =	vsel vm7, v25, v27;
	vm7 =	vlt.f32 v16, $-3.000000000e+00;
	v18 =	vld.idx.msk [tilespmem:v32+s24+$0x0], $0xffff  }
0xac: {  	vm8 =	vgt.f32 v19, $5.000000000e+00;
	vm6 =	vlt.f32 v19, $-3.000000000e+00;
	v27 =	vadd.f32 v31, v39;
	[tilespmem:s1+$0xFFFFFF50] =	vst v25;
	v25 =	vld.idx.msk [tilespmem:v29+s24+$0x0], $0xffff  }
0xad: {  	vm9 =	vmor vm6, vm8;
	vm6 =	vlt.f32 v13, $-3.000000000e+00;
	vm8 =	vgt.f32 v13, $5.000000000e+00;
	v31 =	vld.idx.msk [tilespmem:v44+s24+$0x0], $0xffff  }
0xae: {  	vm8 =	vmor vm6, vm8;
	vm6 =	vlt.f32 v12, $-3.000000000e+00;
	v24 =	vsel vm5, v24, v27;
	v27 =	vld.idx.msk [tilespmem:v33+s25+$0x0], $0xffff  }
0xaf: {  	vm5 =	vgt.f32 v12, $5.000000000e+00;
	v33 =	vmul.f32 v34, v40;
	v34 =	vmul.f32 v35, v49;
	v29 =	vld.idx.msk [tilespmem:v29+s25+$0x0], $0xffff;
	[tilespmem:s1+$0x60] =	vst v24  }
0xb0: {  	vm10 =	vlt.f32 v11, $-3.000000000e+00;
	vm5 =	vmor vm6, vm5;
	v15 =	vmul.f32 v21, v15;
	v24 =	vld.idx.msk [tilespmem:v38+s24+$0x0], $0xffff  }
0xb1: {  	vm11 =	vgt.f32 v6, $5.000000000e+00;
	vm6 =	vgt.f32 v11, $5.000000000e+00;
	v21 =	vadd.f32 v33, v48;
	v33 =	vld.idx.msk [tilespmem:v38+s25+$0x0], $0xffff  }
0xb2: {  	vm6 =	vmor vm10, vm6;
	vm10 =	vgt.f32 v16, $5.000000000e+00;
	v15 =	vadd.f32 v15, v45;
	v35 =	vld.idx.msk [tilespmem:v41+s25+$0x0], $0xffff  }
0xb3: {  	vm4 =	vmor vm4, vm11;
	vm7 =	vmor vm7, vm10;
	v21 =	vsel vm9, v19, v21;
	v37 =	vld.idx.msk [tilespmem:v46+s25+$0x0], $0xffff  }
0xb4: {  	vm9 =	vlt.f32 v5, $-3.000000000e+00;
	v15 =	vsel vm8, v13, v15;
	v19 =	vld.idx.msk [tilespmem:v30+s24+$0x0], $0xffff;
	[tilespmem:s1+$0xFFFFFF60] =	vst v21;
	v21 =	vadd.f32 v34, v31  }
0xb5: {  	vm3 =	vmor vm2, vm3;
	vm8 =	vgt.f32 v5, $5.000000000e+00;
	v28 =	vmul.f32 v28, v29;
	v13 =	vld.idx.msk [tilespmem:v32+s25+$0x0], $0xffff;
	[tilespmem:s1+$0x10] =	vst v15  }
0xb6: {  	v26 =	vmul.f32 v26, v27;
	vm2 =	vmor vm9, vm8;
	v15 =	vld.idx.msk [tilespmem:v30+s25+$0x0], $0xffff;
	v21 =	vsel vm7, v16, v21  }
.Ltmp2:
0xb7: {  	vm7 =	vlt.f32 v4, $-3.000000000e+00;
	v27 =	vmul.f32 v20, v33;
	v25 =	vadd.f32 v28, v25;
	v16 =	vld.idx.msk [tilespmem:v36+s25+$0x0], $0xffff;
	[tilespmem:s1+$0x40] =	vst v21;
	(pc) =	sbr.rel @p0 .LBB2_6-.Ltmp2, $4  }
0xb8: {  	vm8 =	vgt.f32 v4, $5.000000000e+00;
	v21 =	vadd.f32 v26, v42;
	v20 =	vld.idx.msk [tilespmem:v41+s24+$0x0], $0xffff  }
0xb9: {  	v22 =	vmul.f32 v22, v37;
	v24 =	vadd.f32 v27, v24;
	v25 =	vsel vm5, v12, v25  }
0xba: {  	vm5 =	vmor vm7, vm8;
	vm7 =	vlt.f32 v10, $-3.000000000e+00;
	vm8 =	vgt.f32 v10, $5.000000000e+00;
	v12 =	vld.idx.msk [tilespmem:v36+s24+$0x0], $0xffff;
	[tilespmem:s1+$0x30] =	vst v25  }
0xbb: {  	s2 =	sadd.s32 $0x200, s2;
	v24 =	vsel vm6, v11, v24;
	v11 =	vmul.f32 v23, v35;
	vm6 =	vmor vm7, vm8  }
0xbc: {  	v17 =	vadd.f32 v22, v17;
	v10 =	vsel vm6, v10, v21;
	v8 =	vmul.f32 v8, v15  }
0xbd: {  	[tilespmem:s31+$0xFFFFFF70] =	vst v24;
	v9 =	vmul.f32 v9, v13;
	v61 =	vmul.f32 v14, v16;
	v11 =	vadd.f32 v11, v20  }
0xbe: {  	vm15 =	vgt.f32 v3, $5.000000000e+00;
	[tilespmem:s31+$0x70] =	vst v10;
	v6 =	vsel vm4, v6, v17;
	v8 =	vadd.f32 v8, v19  }
0xbf: {  	vm1 =	vmor vm1, vm15;
	v62 =	vadd.f32 v9, v18;
	[tilespmem:s31+$0xFFFFFF00] =	vst v6;
	v7 =	vsel vm3, v7, v11  }
0xc0: {  	v63 =	vadd.f32 v61, v12;
	v3 =	vsel vm1, v3, v8;
	[tilespmem:s31+$0x0] =	vst v7  }
0xc1: {  	v5 =	vsel vm2, v5, v62;
	[tilespmem:s31+$0xFFFFFF10] =	vst v3  }
0xc2: {  	s0 =	simm.s32 $0x8200;
	v3 =	vsel vm5, v4, v63;
	[tilespmem:s31+$0xFFFFFF30] =	vst v5  }
0xc3: {  	s1 =	simm.s32 $0x10;
	s2 =	simm.s32 $0x8300;
	[tilespmem:s31+$0xFFFFFF20] =	vst v3;
	s31 =	sadd.s32 $0x0, s6  }
.LBB2_8:
0xc4: {  	[hbm4b:s31+s3] =	stream.linear.scatter [tilespmem:s0], [sflag:$0x3], $0x80, $0x38;
	[tilespmem:$0x10200] =	vst v63  }
0xc5: {  	s31 =	smov.u32 s1;
	s0 =	smov.u32 s2;
	p0 =	sne.s32 s1, $0x7F0  }
.Ltmp3:
0xc6: {  	s1 =	sadd.s32 $0x10, s1;
	(pc) =	sbr.rel @p0 .LBB2_8-.Ltmp3, $2  }
0xc7: {  	_ =	sdelay $0x2  }
0xc8: {  	s2 =	sadd.s32 $0x100, s2;
	s31 =	sadd.s32 s31, s6  }
0xc9: {  	[hbm4b:s31+s3] =	stream.linear.scatter [tilespmem:s0], [sflag:$0x3], $0x80, $0x38;
	[tilespmem:$0x10200] =	vst v63  }
0xca: {  	s0 =	simm.s32 $0x200  }
0xcb: {  	s1 =	simm.s32 $0x10;
	s31 =	sadd.s32 $0x0, s7;
	s2 =	simm.s32 $0x300  }
.LBB2_10:
0xcc: {  	[tilespmem:s0], [sflag:$0x1] =	stream.linear.gather [hbm4b:s31+s3], $0x80, $0x38;
	[tilespmem:$0x10200] =	vst v63  }
0xcd: {  	s31 =	smov.u32 s1;
	s0 =	smov.u32 s2;
	p0 =	sne.s32 s1, $0x7F0  }
.Ltmp4:
0xce: {  	s1 =	sadd.s32 $0x10, s1;
	(pc) =	sbr.rel @p0 .LBB2_10-.Ltmp4, $2  }
0xcf: {  	_ =	sdelay $0x2  }
0xd0: {  	s2 =	sadd.s32 $0x100, s2;
	s31 =	sadd.s32 s31, s7  }
0xd1: {  	[tilespmem:s0], [sflag:$0x1] =	stream.linear.gather [hbm4b:s31+s3], $0x80, $0x38;
	[tilespmem:$0x10200] =	vst v63  }
0xd2: {  	_ =	swait.ge [sflag:s26], $0x4000  }
0xd3: {  	[sflag:s26] =	ssyncset.done $0x0  }
0xd4: {  	s2 =	simm.s32 $0x380;
	[sflag:s26] =	ssyncadd.s32 $0xFFFFC000  }
0xd5: {  	v3 =	vld [tilespmem:s2+$0xFFFFFF10]  }
0xd6: {  	v14 =	vld [tilespmem:s2+$0x20]  }
0xd7: {  	v16 =	vld [tilespmem:s2+$0xFFFFFF40]  }
0xd8: {  	v7 =	vld [tilespmem:s2+$0x0]  }
0xd9: {  	v6 =	vld [tilespmem:s2+$0xFFFFFF00]  }
0xda: {  	v5 =	vld [tilespmem:s2+$0xFFFFFF30]  }
0xdb: {  	v4 =	vld [tilespmem:s2+$0xFFFFFF20]  }
0xdc: {  	v12 =	vld [tilespmem:s2+$0x30]  }
0xdd: {  	v11 =	vld [tilespmem:s2+$0xFFFFFF70]  }
0xde: {  	v18 =	vld [tilespmem:s2+$0x50]  }
0xdf: {  	v27 =	vld [tilespmem:s2+$0xFFFFFF50];
	v8 =	vmul.f32 $1.125000000e+00, v3;
	vm2 =	vlt.f32 v14, $-3.000000000e+00  }
0xe0: {  	v30 =	vld [tilespmem:s2+$0x60];
	vm3 =	vgt.f32 v14, $5.000000000e+00;
	v9 =	vmul.f32 $1.125000000e+00, v7;
	v10 =	vmul.f32 $1.125000000e+00, v6  }
0xe1: {  	vm1 =	vlt.f32 v3, $-3.000000000e+00;
	v15 =	vmul.f32 $1.125000000e+00, v5;
	v17 =	vmul.f32 $1.125000000e+00, v14  }
0xe2: {  	vm4 =	vlt.f32 v6, $-3.000000000e+00;
	v22 =	vmul.f32 $1.125000000e+00, v4;
	v19 =	vmul.f32 $1.125000000e+00, v12  }
0xe3: {  	vm6 =	vgt.f32 v16, $5.000000000e+00;
	v24 =	vmul.f32 $1.125000000e+00, v18;
	vm7 =	vlt.f32 v18, $-3.000000000e+00  }
0xe4: {  	vm8 =	vgt.f32 v18, $5.000000000e+00;
	v57 =	vmul.f32 $1.125000000e+00, v27;
	vm9 =	vgt.f32 v27, $5.000000000e+00  }
0xe5: {  	v36 =	vmul.f32 $1.125000000e+00, v30;
	vm12 =	vlt.f32 v16, $-3.000000000e+00;
	vm10 =	vlt.f32 v11, $-3.000000000e+00  }
0xe6: {  	vm11 =	vgt.f32 v6, $5.000000000e+00;
	vm15 =	vlt.f32 v5, $-3.000000000e+00;
	vm5 =	vmor vm2, vm3  }
0xe7: {  	vm2 =	vlt.f32 v7, $-3.000000000e+00;
	vm3 =	vgt.f32 v7, $5.000000000e+00;
	vm8 =	vmor vm7, vm8  }
0xe8: {  	vm7 =	vlt.f32 v27, $-3.000000000e+00;
	vm6 =	vmor vm12, vm6;
	v8 =	vadd.f32 $3.375000000e+00, v8  }
0xe9: {  	v13 =	vld [tilespmem:s2+$0x10];
	vm4 =	vmor vm4, vm11;
	v21 =	vadd.f32 $3.375000000e+00, v9;
	v9 =	vadd.f32 $3.375000000e+00, v10  }
0xea: {  	v10 =	vmul.f32 $1.125000000e+00, v16;
	v17 =	vadd.f32 $3.375000000e+00, v17;
	v20 =	vadd.f32 $3.375000000e+00, v15  }
0xeb: {  	v15 =	vmul.f32 $1.125000000e+00, v11;
	v25 =	vadd.f32 $3.375000000e+00, v19;
	v24 =	vadd.f32 $3.375000000e+00, v24  }
0xec: {  	vm7 =	vmor vm7, vm9;
	v36 =	vadd.f32 $3.375000000e+00, v36;
	v22 =	vadd.f32 $3.375000000e+00, v22  }
0xed: {  	vm3 =	vmor vm2, vm3;
	v8 =	vmax.f32 v8, $0.0e+00;
	v23 =	vmax.f32 v9, $0.0e+00  }
0xee: {  	v9 =	vmul.f32 $1.125000000e+00, v13;
	v17 =	vmax.f32 v17, $0.0e+00;
	v10 =	vadd.f32 $3.375000000e+00, v10  }
0xef: {  	v26 =	vadd.f32 $3.375000000e+00, v15;
	v20 =	vmax.f32 v20, $0.0e+00;
	v24 =	vmax.f32 v24, $0.0e+00  }
0xf0: {  	v36 =	vmax.f32 v36, $0.0e+00;
	v21 =	vmax.f32 v21, $0.0e+00;
	v25 =	vmax.f32 v25, $0.0e+00  }
0xf1: {  	v8 =	vmin.f32 v8, $8.999999040e+00;
	v17 =	vmin.f32 v17, $8.999999040e+00;
	v24 =	vmin.f32 v24, $8.999999040e+00  }
0xf2: {  	v36 =	vmin.f32 v36, $8.999999040e+00;
	v23 =	vmin.f32 v23, $8.999999040e+00;
	v19 =	vtrunc.f32 v17  }
0xf3: {  	v15 =	vld [tilespmem:s2+$0x40];
	v9 =	vadd.f32 $3.375000000e+00, v9;
	v32 =	vtrunc.f32 v24;
	v40 =	vtrunc.f32 v36  }
0xf4: {  	v10 =	vmax.f32 v10, $0.0e+00;
	v28 =	vcvt.f32.s32 v19;
	v19 =	vld [tilespmem:s2+$0xFFFFFF60];
	v32 =	vcvt.f32.s32 v32  }
0xf5: {  	v45 =	vtrunc.f32 v23;
	v29 =	vmin.f32 v10, $8.999999040e+00;
	v9 =	vmax.f32 v9, $0.0e+00  }
0xf6: {  	v31 =	vtrunc.f32 v29;
	v33 =	vmin.f32 v9, $8.999999040e+00;
	v9 =	vmin.f32 v20, $8.999999040e+00  }
0xf7: {  	v10 =	vld [tilespmem:s2+$0x70];
	v20 =	vmax.f32 v26, $0.0e+00;
	v26 =	vcvt.f32.s32 v31;
	v31 =	vadd.f32 $3.375000000e+00, v57  }
0xf8: {  	v46 =	vmin.f32 v21, $8.999999040e+00;
	v40 =	vcvt.f32.s32 v40;
	v35 =	vmul.f32 $1.125000000e+00, v15  }
0xf9: {  	v21 =	vcvt.f32.s32 v45;
	v31 =	vmax.f32 v31, $0.0e+00;
	v34 =	vmul.f32 $1.125000000e+00, v19  }
0xfa: {  	v59 =	vtrunc.f32 v33;
	v35 =	vadd.f32 $3.375000000e+00, v35;
	v31 =	vmin.f32 v31, $8.999999040e+00;
	v41 =	vld.idx.msk [tilespmem:v32+s25+$0x0], $0xffff  }
0xfb: {  	v45 =	vcvt.f32.s32 v59;
	v38 =	vld.idx.msk [tilespmem:v28+s25+$0x0], $0xffff;
	v39 =	vtrunc.f32 v31;
	v34 =	vadd.f32 $3.375000000e+00, v34  }
0xfc: {  	v37 =	vmul.f32 $1.125000000e+00, v10;
	v35 =	vmax.f32 v35, $0.0e+00;
	v32 =	vld.idx.msk [tilespmem:v32+s24+$0x0], $0xffff;
	v39 =	vcvt.f32.s32 v39  }
0xfd: {  	v25 =	vmin.f32 v25, $8.999999040e+00;
	v28 =	vld.idx.msk [tilespmem:v28+s24+$0x0], $0xffff;
	v35 =	vmin.f32 v35, $8.999999040e+00;
	v34 =	vmax.f32 v34, $0.0e+00  }
0xfe: {  	v37 =	vadd.f32 $3.375000000e+00, v37;
	v43 =	vld.idx.msk [tilespmem:v26+s25+$0x0], $0xffff;
	v58 =	vtrunc.f32 v35;
	v34 =	vmin.f32 v34, $8.999999040e+00  }
0xff: {  	v20 =	vmin.f32 v20, $8.999999040e+00;
	v62 =	vld.idx.msk [tilespmem:v40+s24+$0x0], $0xffff;
	v42 =	vtrunc.f32 v34;
	v24 =	vmul.f32 v24, v41  }
0x100: {  	v26 =	vld.idx.msk [tilespmem:v26+s24+$0x0], $0xffff;
	v37 =	vmax.f32 v37, $0.0e+00;
	v17 =	vmul.f32 v17, v38;
	v38 =	vcvt.f32.s32 v58  }
0x101: {  	v37 =	vmin.f32 v37, $8.999999040e+00;
	v58 =	vld.idx.msk [tilespmem:v45+s25+$0x0], $0xffff;
	v42 =	vcvt.f32.s32 v42;
	v24 =	vadd.f32 v24, v32  }
0x102: {  	v61 =	vtrunc.f32 v20;
	v44 =	vtrunc.f32 v37;
	v60 =	vld.idx.msk [tilespmem:v39+s25+$0x0], $0xffff;
	v17 =	vadd.f32 v17, v28  }
0x103: {  	v44 =	vcvt.f32.s32 v44;
	v29 =	vmul.f32 v29, v43;
	v39 =	vld.idx.msk [tilespmem:v39+s24+$0x0], $0xffff;
	v24 =	vsel vm8, v18, v24  }
0x104: {  	v18 =	vld.idx.msk [tilespmem:v40+s25+$0x0], $0xffff;
	v52 =	vsel vm5, v14, v17;
	v14 =	vtrunc.f32 v25;
	v17 =	vmax.f32 v22, $0.0e+00  }
0x105: {  	v43 =	vcvt.f32.s32 v61;
	v54 =	vcvt.f32.s32 v14;
	v14 =	vmin.f32 v17, $8.999999040e+00;
	v17 =	vld.idx.msk [tilespmem:v21+s24+$0x0], $0xffff  }
0x106: {  	v63 =	vtrunc.f32 v46;
	v56 =	vtrunc.f32 v8;
	v26 =	vadd.f32 v29, v26;
	v49 =	vld.idx.msk [tilespmem:v38+s25+$0x0], $0xffff  }
0x107: {  	v57 =	vcvt.f32.s32 v56;
	vm13 =	vlt.f32 v15, $-3.000000000e+00;
	vm14 =	vgt.f32 v15, $5.000000000e+00;
	v48 =	vld.idx.msk [tilespmem:v42+s24+$0x0], $0xffff  }
0x108: {  	v47 =	vtrunc.f32 v9;
	v16 =	vsel vm6, v16, v26;
	v22 =	vmul.f32 v31, v60;
	v26 =	vld.idx.msk [tilespmem:v42+s25+$0x0], $0xffff  }
0x109: {  	s31 =	simm.s32 $0x8380;
	v32 =	vcvt.f32.s32 v47;
	v40 =	vcvt.f32.s32 v63;
	vm5 =	vlt.f32 v30, $-3.000000000e+00;
	v60 =	vld.idx.msk [tilespmem:v38+s24+$0x0], $0xffff  }
0x10a: {  	vm8 =	vgt.f32 v13, $5.000000000e+00;
	[tilespmem:s31+$0x50] =	vst v24;
	vm6 =	vgt.f32 v30, $5.000000000e+00;
	v24 =	vld.idx.msk [tilespmem:v44+s25+$0x0], $0xffff;
	v22 =	vadd.f32 v22, v39  }
0x10b: {  	v33 =	vmul.f32 v33, v58;
	vm5 =	vmor vm5, vm6;
	v63 =	vld.idx.msk [tilespmem:v43+s24+$0x0], $0xffff;
	v18 =	vmul.f32 v36, v18  }
0x10c: {  	vm6 =	vlt.f32 v19, $-3.000000000e+00;
	v22 =	vsel vm7, v27, v22;
	v27 =	vld.idx.msk [tilespmem:v45+s24+$0x0], $0xffff;
	vm7 =	vgt.f32 v19, $5.000000000e+00  }
0x10d: {  	v28 =	vadd.f32 v18, v62;
	v61 =	vld.idx.msk [tilespmem:v54+s25+$0x0], $0xffff;
	vm7 =	vmor vm6, vm7;
	vm6 =	vlt.f32 v13, $-3.000000000e+00  }
0x10e: {  	v55 =	vtrunc.f32 v14;
	v62 =	vld.idx.msk [tilespmem:v43+s25+$0x0], $0xffff;
	v26 =	vmul.f32 v34, v26;
	vm8 =	vmor vm6, vm8  }
0x10f: {  	[tilespmem:s31+$0xFFFFFF50] =	vst v22;
	v22 =	vld.idx.msk [tilespmem:v21+s25+$0x0], $0xffff;
	v28 =	vsel vm5, v30, v28;
	vm5 =	vlt.f32 v12, $-3.000000000e+00;
	vm6 =	vgt.f32 v12, $5.000000000e+00  }
0x110: {  	v59 =	vld.idx.msk [tilespmem:v54+s24+$0x0], $0xffff;
	vm5 =	vmor vm5, vm6;
	v26 =	vadd.f32 v26, v48;
	vm6 =	vgt.f32 v11, $5.000000000e+00  }
0x111: {  	v53 =	vld.idx.msk [tilespmem:v44+s24+$0x0], $0xffff;
	v29 =	vcvt.f32.s32 v55;
	[tilespmem:s31+$0xFFFFFF40] =	vst v16;
	v35 =	vmul.f32 v35, v49;
	vm6 =	vmor vm10, vm6  }
0x112: {  	v18 =	vld.idx.msk [tilespmem:v32+s24+$0x0], $0xffff;
	v27 =	vadd.f32 v33, v27;
	v16 =	vsel vm7, v19, v26;
	v25 =	vmul.f32 v25, v61  }
0x113: {  	vm7 =	vmor vm13, vm14;
	v26 =	vld.idx.msk [tilespmem:v40+s25+$0x0], $0xffff;
	v20 =	vmul.f32 v20, v62;
	[tilespmem:s31+$0xFFFFFF60] =	vst v16;
	v16 =	vmul.f32 v37, v24  }
0x114: {  	v22 =	vmul.f32 v23, v22;
	v21 =	vsel vm8, v13, v27;
	v27 =	vadd.f32 v35, v60;
	v13 =	vld.idx.msk [tilespmem:v32+s25+$0x0], $0xffff  }
0x115: {  	[tilespmem:s31+$0x20] =	vst v52;
	vm8 =	vgt.f32 v5, $5.000000000e+00;
	v25 =	vadd.f32 v25, v59;
	v23 =	vadd.f32 v20, v63;
	v20 =	vld.idx.msk [tilespmem:v40+s24+$0x0], $0xffff  }
0x116: {  	[tilespmem:s31+$0x60] =	vst v28;
	vm2 =	vmor vm15, vm8;
	vm8 =	vgt.f32 v4, $5.000000000e+00;
	v24 =	vsel vm7, v15, v27;
	v15 =	vld.idx.msk [tilespmem:v57+s25+$0x0], $0xffff  }
0x117: {  	[tilespmem:s31+$0x10] =	vst v21;
	v21 =	vadd.f32 v16, v53;
	v16 =	vld.idx.msk [tilespmem:v29+s25+$0x0], $0xffff;
	vm7 =	vlt.f32 v4, $-3.000000000e+00;
	v25 =	vsel vm5, v12, v25  }
0x118: {  	v19 =	vld.idx.msk [tilespmem:v57+s24+$0x0], $0xffff;
	[tilespmem:s31+$0x40] =	vst v24;
	vm5 =	vmor vm7, vm8;
	vm7 =	vlt.f32 v10, $-3.000000000e+00;
	vm8 =	vgt.f32 v10, $5.000000000e+00  }
0x119: {  	s0 =	simm.s32 $0x0;
	s1 =	simm.s32 $0x8380;
	s2 =	simm.s32 $0x580;
	v12 =	vld.idx.msk [tilespmem:v29+s24+$0x0], $0xffff;
	[tilespmem:s31+$0x30] =	vst v25;
	v24 =	vsel vm6, v11, v23;
	v11 =	vmul.f32 v46, v26;
	vm6 =	vmor vm7, vm8  }
.LBB2_12:
0x11a: {  	v23 =	vld [tilespmem:s2+$0xFFFFFF10];
	s0 =	sadd.s32 $0x100, s0;
	v22 =	vadd.f32 v22, v17;
	[tilespmem:s31+$0xFFFFFF70] =	vst v24;
	v10 =	vsel vm6, v10, v21;
	s1 =	sadd.s32 $0x200, s1  }
0x11b: {  	v8 =	vmul.f32 v8, v15;
	v9 =	vmul.f32 v9, v13;
	v17 =	vld [tilespmem:s2+$0x20];
	p0 =	slt.u32 s0, $0x3F00;
	[tilespmem:s31+$0x70] =	vst v10  }
0x11c: {  	v10 =	vmul.f32 v14, v16;
	v11 =	vadd.f32 v11, v20;
	v15 =	vld [tilespmem:s2+$0xFFFFFF40];
	v6 =	vsel vm4, v6, v22  }
0x11d: {  	v8 =	vadd.f32 v8, v19;
	vm4 =	vgt.f32 v3, $5.000000000e+00;
	v9 =	vadd.f32 v9, v18;
	v13 =	vld [tilespmem:s2+$0x0];
	[tilespmem:s31+$0xFFFFFF00] =	vst v6  }
0x11e: {  	vm1 =	vmor vm1, vm4;
	v10 =	vadd.f32 v10, v12;
	v7 =	vsel vm3, v7, v11;
	v6 =	vld [tilespmem:s2+$0xFFFFFF00]  }
0x11f: {  	v8 =	vsel vm1, v3, v8;
	v9 =	vsel vm2, v5, v9;
	v11 =	vmul.f32 $1.125000000e+00, v23;
	v5 =	vld [tilespmem:s2+$0xFFFFFF30];
	[tilespmem:s31+$0x0] =	vst v7;
	v3 =	vmovc v23  }
0x120: {  	v10 =	vsel vm5, v4, v10;
	vm2 =	vlt.f32 v17, $-3.000000000e+00;
	vm3 =	vgt.f32 v17, $5.000000000e+00;
	[tilespmem:s31+$0xFFFFFF10] =	vst v8;
	v4 =	vld [tilespmem:s2+$0xFFFFFF20]  }
0x121: {  	vm1 =	vlt.f32 v3, $-3.000000000e+00;
	v8 =	vadd.f32 $3.375000000e+00, v11;
	vm5 =	vmor vm2, vm3;
	v12 =	vld [tilespmem:s2+$0x30];
	[tilespmem:s31+$0xFFFFFF30] =	vst v9  }
0x122: {  	v11 =	vld [tilespmem:s2+$0xFFFFFF70];
	v9 =	vmul.f32 $1.125000000e+00, v13;
	vm2 =	vlt.f32 v13, $-3.000000000e+00;
	vm3 =	vgt.f32 v13, $5.000000000e+00;
	[tilespmem:s31+$0xFFFFFF20] =	vst v10;
	v7 =	vmovc v13;
	s31 =	smov.u32 s1  }
0x123: {  	v10 =	vmul.f32 $1.125000000e+00, v6;
	vm4 =	vlt.f32 v6, $-3.000000000e+00;
	v8 =	vmax.f32 v8, $0.0e+00;
	v13 =	vld [tilespmem:s2+$0x10]  }
0x124: {  	v16 =	vmul.f32 $1.125000000e+00, v5;
	v18 =	vadd.f32 $3.375000000e+00, v9;
	v9 =	vmul.f32 $1.125000000e+00, v17;
	v14 =	vld [tilespmem:s2+$0x50]  }
0x125: {  	v8 =	vmin.f32 v8, $8.999999040e+00;
	v10 =	vadd.f32 $3.375000000e+00, v10;
	v27 =	vmul.f32 $1.125000000e+00, v4  }
0x126: {  	v19 =	vmul.f32 $1.125000000e+00, v15;
	v9 =	vadd.f32 $3.375000000e+00, v9;
	v20 =	vmul.f32 $1.125000000e+00, v12  }
0x127: {  	vm6 =	vgt.f32 v15, $5.000000000e+00;
	v16 =	vadd.f32 $3.375000000e+00, v16;
	v21 =	vmul.f32 $1.125000000e+00, v11  }
0x128: {  	v22 =	vmax.f32 v10, $0.0e+00;
	v10 =	vmul.f32 $1.125000000e+00, v13;
	v9 =	vmax.f32 v9, $0.0e+00  }
0x129: {  	v19 =	vadd.f32 $3.375000000e+00, v19;
	v28 =	vadd.f32 $3.375000000e+00, v20;
	v20 =	vmul.f32 $1.125000000e+00, v14  }
0x12a: {  	v23 =	vadd.f32 $3.375000000e+00, v21;
	v26 =	vmin.f32 v9, $8.999999040e+00;
	v10 =	vadd.f32 $3.375000000e+00, v10  }
0x12b: {  	v9 =	vmax.f32 v16, $0.0e+00;
	v21 =	vtrunc.f32 v26;
	v16 =	vld [tilespmem:s2+$0x40];
	v20 =	vadd.f32 $3.375000000e+00, v20  }
0x12c: {  	v24 =	vmax.f32 v19, $0.0e+00;
	vm7 =	vlt.f32 v14, $-3.000000000e+00;
	v29 =	vcvt.f32.s32 v21;
	v25 =	vld [tilespmem:s2+$0xFFFFFF50]  }
0x12d: {  	vm8 =	vgt.f32 v14, $5.000000000e+00;
	v10 =	vmax.f32 v10, $0.0e+00;
	v19 =	vld [tilespmem:s2+$0xFFFFFF60];
	v20 =	vmax.f32 v20, $0.0e+00  }
0x12e: {  	v30 =	vmin.f32 v24, $8.999999040e+00;
	vm8 =	vmor vm7, vm8;
	v31 =	vmin.f32 v20, $8.999999040e+00;
	v24 =	vld [tilespmem:s2+$0x60]  }
0x12f: {  	v21 =	vmin.f32 v10, $8.999999040e+00;
	v20 =	vtrunc.f32 v30;
	v32 =	vtrunc.f32 v31;
	v10 =	vld [tilespmem:s2+$0x70]  }
0x130: {  	v9 =	vmin.f32 v9, $8.999999040e+00;
	v23 =	vmax.f32 v23, $0.0e+00;
	v32 =	vcvt.f32.s32 v32  }
0x131: {  	v33 =	vcvt.f32.s32 v20;
	v20 =	vmul.f32 $1.125000000e+00, v25;
	vm7 =	vlt.f32 v25, $-3.000000000e+00  }
0x132: {  	v35 =	vmul.f32 $1.125000000e+00, v16;
	vm9 =	vgt.f32 v25, $5.000000000e+00;
	v34 =	vmul.f32 $1.125000000e+00, v19  }
0x133: {  	vm7 =	vmor vm7, vm9;
	v36 =	vadd.f32 $3.375000000e+00, v20;
	v37 =	vmul.f32 $1.125000000e+00, v24  }
0x134: {  	v20 =	vmin.f32 v23, $8.999999040e+00;
	v34 =	vadd.f32 $3.375000000e+00, v34;
	v23 =	vmul.f32 $1.125000000e+00, v10  }
0x135: {  	v35 =	vadd.f32 $3.375000000e+00, v35;
	v36 =	vmax.f32 v36, $0.0e+00;
	v38 =	vld.idx.msk [tilespmem:v29+s25+$0x0], $0xffff;
	v37 =	vadd.f32 $3.375000000e+00, v37  }
0x136: {  	v36 =	vmin.f32 v36, $8.999999040e+00;
	v34 =	vmax.f32 v34, $0.0e+00;
	v39 =	vld.idx.msk [tilespmem:v32+s24+$0x0], $0xffff;
	v23 =	vadd.f32 $3.375000000e+00, v23  }
0x137: {  	v35 =	vmax.f32 v35, $0.0e+00;
	v40 =	vtrunc.f32 v36;
	v32 =	vld.idx.msk [tilespmem:v32+s25+$0x0], $0xffff;
	v37 =	vmax.f32 v37, $0.0e+00  }
0x138: {  	v35 =	vmin.f32 v35, $8.999999040e+00;
	v34 =	vmin.f32 v34, $8.999999040e+00;
	v37 =	vmin.f32 v37, $8.999999040e+00  }
0x139: {  	v40 =	vcvt.f32.s32 v40;
	v23 =	vmax.f32 v23, $0.0e+00;
	v41 =	vtrunc.f32 v37  }
0x13a: {  	v22 =	vmin.f32 v22, $8.999999040e+00;
	v43 =	vtrunc.f32 v34;
	v42 =	vld.idx.msk [tilespmem:v33+s25+$0x0], $0xffff;
	v41 =	vcvt.f32.s32 v41  }
0x13b: {  	v44 =	vtrunc.f32 v35;
	v38 =	vmul.f32 v26, v38;
	v26 =	vmin.f32 v23, $8.999999040e+00  }
0x13c: {  	v18 =	vmax.f32 v18, $0.0e+00;
	v43 =	vcvt.f32.s32 v43;
	v45 =	vtrunc.f32 v26;
	v29 =	vld.idx.msk [tilespmem:v29+s24+$0x0], $0xffff  }
0x13d: {  	v46 =	vtrunc.f32 v22;
	v44 =	vcvt.f32.s32 v44;
	v23 =	vmin.f32 v18, $8.999999040e+00  }
0x13e: {  	v46 =	vcvt.f32.s32 v46;
	v18 =	vadd.f32 $3.375000000e+00, v27;
	v27 =	vld.idx.msk [tilespmem:v33+s24+$0x0], $0xffff;
	v33 =	vcvt.f32.s32 v45  }
0x13f: {  	v28 =	vmax.f32 v28, $0.0e+00;
	v47 =	vtrunc.f32 v21;
	v31 =	vmul.f32 v31, v32;
	v45 =	vld.idx.msk [tilespmem:v40+s25+$0x0], $0xffff  }
0x140: {  	vm9 =	vlt.f32 v15, $-3.000000000e+00;
	v32 =	vtrunc.f32 v9;
	v30 =	vmul.f32 v30, v42;
	v40 =	vld.idx.msk [tilespmem:v40+s24+$0x0], $0xffff  }
0x141: {  	v47 =	vcvt.f32.s32 v47;
	v31 =	vadd.f32 v31, v39;
	v42 =	vtrunc.f32 v20;
	v39 =	vld.idx.msk [tilespmem:v41+s24+$0x0], $0xffff  }
0x142: {  	vm6 =	vmor vm9, vm6;
	v32 =	vcvt.f32.s32 v32;
	v29 =	vadd.f32 v38, v29;
	v48 =	vld.idx.msk [tilespmem:v43+s24+$0x0], $0xffff  }
0x143: {  	v28 =	vmin.f32 v28, $8.999999040e+00;
	v14 =	vsel vm8, v14, v31;
	v38 =	vcvt.f32.s32 v42;
	v31 =	vld.idx.msk [tilespmem:v41+s25+$0x0], $0xffff  }
0x144: {  	v41 =	vtrunc.f32 v23;
	v17 =	vsel vm5, v17, v29;
	v29 =	vtrunc.f32 v28;
	[tilespmem:s1+$0x50] =	vst v14;
	v42 =	vld.idx.msk [tilespmem:v33+s24+$0x0], $0xffff  }
0x145: {  	v14 =	vmax.f32 v18, $0.0e+00;
	v41 =	vcvt.f32.s32 v41;
	v29 =	vcvt.f32.s32 v29;
	[tilespmem:s1+$0x20] =	vst v17;
	v49 =	vld.idx.msk [tilespmem:v44+s25+$0x0], $0xffff  }
0x146: {  	v18 =	vadd.f32 v30, v27;
	v27 =	vmul.f32 v36, v45;
	v14 =	vmin.f32 v14, $8.999999040e+00;
	v17 =	vld.idx.msk [tilespmem:v46+s24+$0x0], $0xffff  }
0x147: {  	vm5 =	vlt.f32 v24, $-3.000000000e+00;
	v30 =	vtrunc.f32 v8;
	v36 =	vtrunc.f32 v14;
	v45 =	vld.idx.msk [tilespmem:v47+s24+$0x0], $0xffff  }
0x148: {  	v15 =	vsel vm6, v15, v18;
	v27 =	vadd.f32 v27, v40;
	v36 =	vcvt.f32.s32 v36;
	v40 =	vld.idx.msk [tilespmem:v43+s25+$0x0], $0xffff  }
0x149: {  	v30 =	vcvt.f32.s32 v30;
	vm6 =	vgt.f32 v24, $5.000000000e+00;
	v31 =	vmul.f32 v37, v31;
	[tilespmem:s1+$0xFFFFFF40] =	vst v15;
	v15 =	vld.idx.msk [tilespmem:v47+s25+$0x0], $0xffff  }
0x14a: {  	vm5 =	vmor vm5, vm6;
	v25 =	vsel vm7, v25, v27;
	vm7 =	vlt.f32 v16, $-3.000000000e+00;
	v18 =	vld.idx.msk [tilespmem:v32+s24+$0x0], $0xffff  }
0x14b: {  	vm8 =	vgt.f32 v19, $5.000000000e+00;
	vm6 =	vlt.f32 v19, $-3.000000000e+00;
	v27 =	vadd.f32 v31, v39;
	[tilespmem:s1+$0xFFFFFF50] =	vst v25;
	v25 =	vld.idx.msk [tilespmem:v29+s24+$0x0], $0xffff  }
0x14c: {  	vm9 =	vmor vm6, vm8;
	vm6 =	vlt.f32 v13, $-3.000000000e+00;
	vm8 =	vgt.f32 v13, $5.000000000e+00;
	v31 =	vld.idx.msk [tilespmem:v44+s24+$0x0], $0xffff  }
0x14d: {  	vm8 =	vmor vm6, vm8;
	vm6 =	vlt.f32 v12, $-3.000000000e+00;
	v24 =	vsel vm5, v24, v27;
	v27 =	vld.idx.msk [tilespmem:v33+s25+$0x0], $0xffff  }
0x14e: {  	vm5 =	vgt.f32 v12, $5.000000000e+00;
	v33 =	vmul.f32 v34, v40;
	v34 =	vmul.f32 v35, v49;
	v29 =	vld.idx.msk [tilespmem:v29+s25+$0x0], $0xffff;
	[tilespmem:s1+$0x60] =	vst v24  }
0x14f: {  	vm10 =	vlt.f32 v11, $-3.000000000e+00;
	vm5 =	vmor vm6, vm5;
	v15 =	vmul.f32 v21, v15;
	v24 =	vld.idx.msk [tilespmem:v38+s24+$0x0], $0xffff  }
0x150: {  	vm11 =	vgt.f32 v6, $5.000000000e+00;
	vm6 =	vgt.f32 v11, $5.000000000e+00;
	v21 =	vadd.f32 v33, v48;
	v33 =	vld.idx.msk [tilespmem:v38+s25+$0x0], $0xffff  }
0x151: {  	vm6 =	vmor vm10, vm6;
	vm10 =	vgt.f32 v16, $5.000000000e+00;
	v15 =	vadd.f32 v15, v45;
	v35 =	vld.idx.msk [tilespmem:v41+s25+$0x0], $0xffff  }
0x152: {  	vm4 =	vmor vm4, vm11;
	vm7 =	vmor vm7, vm10;
	v21 =	vsel vm9, v19, v21;
	v37 =	vld.idx.msk [tilespmem:v46+s25+$0x0], $0xffff  }
0x153: {  	vm9 =	vlt.f32 v5, $-3.000000000e+00;
	v15 =	vsel vm8, v13, v15;
	v19 =	vld.idx.msk [tilespmem:v30+s24+$0x0], $0xffff;
	[tilespmem:s1+$0xFFFFFF60] =	vst v21;
	v21 =	vadd.f32 v34, v31  }
0x154: {  	vm3 =	vmor vm2, vm3;
	vm8 =	vgt.f32 v5, $5.000000000e+00;
	v28 =	vmul.f32 v28, v29;
	v13 =	vld.idx.msk [tilespmem:v32+s25+$0x0], $0xffff;
	[tilespmem:s1+$0x10] =	vst v15  }
0x155: {  	v26 =	vmul.f32 v26, v27;
	vm2 =	vmor vm9, vm8;
	v15 =	vld.idx.msk [tilespmem:v30+s25+$0x0], $0xffff;
	v21 =	vsel vm7, v16, v21  }
.Ltmp5:
0x156: {  	vm7 =	vlt.f32 v4, $-3.000000000e+00;
	v27 =	vmul.f32 v20, v33;
	v25 =	vadd.f32 v28, v25;
	v16 =	vld.idx.msk [tilespmem:v36+s25+$0x0], $0xffff;
	[tilespmem:s1+$0x40] =	vst v21;
	(pc) =	sbr.rel @p0 .LBB2_12-.Ltmp5, $4  }
0x157: {  	vm8 =	vgt.f32 v4, $5.000000000e+00;
	v21 =	vadd.f32 v26, v42;
	v20 =	vld.idx.msk [tilespmem:v41+s24+$0x0], $0xffff  }
0x158: {  	v22 =	vmul.f32 v22, v37;
	v24 =	vadd.f32 v27, v24;
	v25 =	vsel vm5, v12, v25  }
0x159: {  	vm5 =	vmor vm7, vm8;
	vm7 =	vlt.f32 v10, $-3.000000000e+00;
	vm8 =	vgt.f32 v10, $5.000000000e+00;
	v12 =	vld.idx.msk [tilespmem:v36+s24+$0x0], $0xffff;
	[tilespmem:s1+$0x30] =	vst v25  }
0x15a: {  	s2 =	sadd.s32 $0x200, s2;
	v24 =	vsel vm6, v11, v24;
	v11 =	vmul.f32 v23, v35;
	vm6 =	vmor vm7, vm8  }
0x15b: {  	v17 =	vadd.f32 v22, v17;
	v10 =	vsel vm6, v10, v21;
	v8 =	vmul.f32 v8, v15  }
0x15c: {  	[tilespmem:s31+$0xFFFFFF70] =	vst v24;
	v9 =	vmul.f32 v9, v13;
	v61 =	vmul.f32 v14, v16;
	v11 =	vadd.f32 v11, v20  }
0x15d: {  	vm15 =	vgt.f32 v3, $5.000000000e+00;
	[tilespmem:s31+$0x70] =	vst v10;
	v6 =	vsel vm4, v6, v17;
	v8 =	vadd.f32 v8, v19  }
0x15e: {  	vm1 =	vmor vm1, vm15;
	v62 =	vadd.f32 v9, v18;
	[tilespmem:s31+$0xFFFFFF00] =	vst v6;
	v7 =	vsel vm3, v7, v11  }
0x15f: {  	v63 =	vadd.f32 v61, v12;
	v3 =	vsel vm1, v3, v8;
	[tilespmem:s31+$0x0] =	vst v7  }
0x160: {  	v5 =	vsel vm2, v5, v62;
	[tilespmem:s31+$0xFFFFFF10] =	vst v3  }
0x161: {  	s0 =	simm.s32 $0x8280;
	v3 =	vsel vm5, v4, v63;
	[tilespmem:s31+$0xFFFFFF30] =	vst v5  }
0x162: {  	s1 =	simm.s32 $0x10;
	s2 =	simm.s32 $0x8380;
	[tilespmem:s31+$0xFFFFFF20] =	vst v3;
	s31 =	sadd.s32 $0x0, s8  }
.LBB2_14:
0x163: {  	[hbm4b:s31+s3] =	stream.linear.scatter [tilespmem:s0], [sflag:$0x4], $0x80, $0x38;
	[tilespmem:$0x10200] =	vst v63  }
0x164: {  	s31 =	smov.u32 s1;
	s0 =	smov.u32 s2;
	p0 =	sne.s32 s1, $0x7F0  }
.Ltmp6:
0x165: {  	s1 =	sadd.s32 $0x10, s1;
	(pc) =	sbr.rel @p0 .LBB2_14-.Ltmp6, $2  }
0x166: {  	_ =	sdelay $0x2  }
0x167: {  	s2 =	sadd.s32 $0x100, s2;
	s31 =	sadd.s32 s31, s8  }
0x168: {  	[hbm4b:s31+s3] =	stream.linear.scatter [tilespmem:s0], [sflag:$0x4], $0x80, $0x38;
	[tilespmem:$0x10200] =	vst v63  }
0x169: {  	s0 =	simm.s32 $0x280  }
0x16a: {  	s1 =	simm.s32 $0x10;
	s31 =	sadd.s32 $0x0, s9;
	s2 =	simm.s32 $0x380  }
.LBB2_16:
0x16b: {  	[tilespmem:s0], [sflag:$0x2] =	stream.linear.gather [hbm4b:s31+s3], $0x80, $0x38;
	[tilespmem:$0x10200] =	vst v63  }
0x16c: {  	s31 =	smov.u32 s1;
	s0 =	smov.u32 s2;
	p0 =	sne.s32 s1, $0x7F0  }
.Ltmp7:
0x16d: {  	s1 =	sadd.s32 $0x10, s1;
	(pc) =	sbr.rel @p0 .LBB2_16-.Ltmp7, $2  }
0x16e: {  	_ =	sdelay $0x2  }
0x16f: {  	s2 =	sadd.s32 $0x100, s2;
	s31 =	sadd.s32 s31, s9  }
0x170: {  	[tilespmem:s0], [sflag:$0x2] =	stream.linear.gather [hbm4b:s31+s3], $0x80, $0x38;
	[tilespmem:$0x10200] =	vst v63  }
0x171: {  	_ =	swait.ge [sflag:s23], $0x4000  }
0x172: {  	[sflag:s23] =	ssyncset.done $0x0  }
0x173: {  	[sflag:s23] =	ssyncadd.s32 $0xFFFFC000  }
0x174: {  	_ =	swait.ge [sflag:s28], $0x4000  }
0x175: {  	[sflag:s28] =	ssyncset.done $0x0  }
0x176: {  	s2 =	simm.s32 $0x300;
	[sflag:s28] =	ssyncadd.s32 $0xFFFFC000  }
0x177: {  	v3 =	vld [tilespmem:s2+$0xFFFFFF10]  }
0x178: {  	v14 =	vld [tilespmem:s2+$0x20]  }
0x179: {  	v16 =	vld [tilespmem:s2+$0xFFFFFF40]  }
0x17a: {  	v7 =	vld [tilespmem:s2+$0x0]  }
0x17b: {  	v6 =	vld [tilespmem:s2+$0xFFFFFF00]  }
0x17c: {  	v5 =	vld [tilespmem:s2+$0xFFFFFF30]  }
0x17d: {  	v4 =	vld [tilespmem:s2+$0xFFFFFF20]  }
0x17e: {  	v12 =	vld [tilespmem:s2+$0x30]  }
0x17f: {  	v11 =	vld [tilespmem:s2+$0xFFFFFF70]  }
0x180: {  	v18 =	vld [tilespmem:s2+$0x50]  }
0x181: {  	v27 =	vld [tilespmem:s2+$0xFFFFFF50];
	v8 =	vmul.f32 $1.125000000e+00, v3;
	vm2 =	vlt.f32 v14, $-3.000000000e+00  }
0x182: {  	v30 =	vld [tilespmem:s2+$0x60];
	vm3 =	vgt.f32 v14, $5.000000000e+00;
	v9 =	vmul.f32 $1.125000000e+00, v7;
	v10 =	vmul.f32 $1.125000000e+00, v6  }
0x183: {  	vm1 =	vlt.f32 v3, $-3.000000000e+00;
	v15 =	vmul.f32 $1.125000000e+00, v5;
	v17 =	vmul.f32 $1.125000000e+00, v14  }
0x184: {  	vm4 =	vlt.f32 v6, $-3.000000000e+00;
	v22 =	vmul.f32 $1.125000000e+00, v4;
	v19 =	vmul.f32 $1.125000000e+00, v12  }
0x185: {  	vm6 =	vgt.f32 v16, $5.000000000e+00;
	v24 =	vmul.f32 $1.125000000e+00, v18;
	vm7 =	vlt.f32 v18, $-3.000000000e+00  }
0x186: {  	vm8 =	vgt.f32 v18, $5.000000000e+00;
	v57 =	vmul.f32 $1.125000000e+00, v27;
	vm9 =	vgt.f32 v27, $5.000000000e+00  }
0x187: {  	v36 =	vmul.f32 $1.125000000e+00, v30;
	vm12 =	vlt.f32 v16, $-3.000000000e+00;
	vm10 =	vlt.f32 v11, $-3.000000000e+00  }
0x188: {  	vm11 =	vgt.f32 v6, $5.000000000e+00;
	vm15 =	vlt.f32 v5, $-3.000000000e+00;
	vm5 =	vmor vm2, vm3  }
0x189: {  	vm2 =	vlt.f32 v7, $-3.000000000e+00;
	vm3 =	vgt.f32 v7, $5.000000000e+00;
	vm8 =	vmor vm7, vm8  }
0x18a: {  	vm7 =	vlt.f32 v27, $-3.000000000e+00;
	vm6 =	vmor vm12, vm6;
	v8 =	vadd.f32 $3.375000000e+00, v8  }
0x18b: {  	v13 =	vld [tilespmem:s2+$0x10];
	vm4 =	vmor vm4, vm11;
	v21 =	vadd.f32 $3.375000000e+00, v9;
	v9 =	vadd.f32 $3.375000000e+00, v10  }
0x18c: {  	v10 =	vmul.f32 $1.125000000e+00, v16;
	v17 =	vadd.f32 $3.375000000e+00, v17;
	v20 =	vadd.f32 $3.375000000e+00, v15  }
0x18d: {  	v15 =	vmul.f32 $1.125000000e+00, v11;
	v25 =	vadd.f32 $3.375000000e+00, v19;
	v24 =	vadd.f32 $3.375000000e+00, v24  }
0x18e: {  	vm7 =	vmor vm7, vm9;
	v36 =	vadd.f32 $3.375000000e+00, v36;
	v22 =	vadd.f32 $3.375000000e+00, v22  }
0x18f: {  	vm3 =	vmor vm2, vm3;
	v8 =	vmax.f32 v8, $0.0e+00;
	v23 =	vmax.f32 v9, $0.0e+00  }
0x190: {  	v9 =	vmul.f32 $1.125000000e+00, v13;
	v17 =	vmax.f32 v17, $0.0e+00;
	v10 =	vadd.f32 $3.375000000e+00, v10  }
0x191: {  	v26 =	vadd.f32 $3.375000000e+00, v15;
	v20 =	vmax.f32 v20, $0.0e+00;
	v24 =	vmax.f32 v24, $0.0e+00  }
0x192: {  	v36 =	vmax.f32 v36, $0.0e+00;
	v21 =	vmax.f32 v21, $0.0e+00;
	v25 =	vmax.f32 v25, $0.0e+00  }
0x193: {  	v8 =	vmin.f32 v8, $8.999999040e+00;
	v17 =	vmin.f32 v17, $8.999999040e+00;
	v24 =	vmin.f32 v24, $8.999999040e+00  }
0x194: {  	v36 =	vmin.f32 v36, $8.999999040e+00;
	v23 =	vmin.f32 v23, $8.999999040e+00;
	v19 =	vtrunc.f32 v17  }
0x195: {  	v15 =	vld [tilespmem:s2+$0x40];
	v9 =	vadd.f32 $3.375000000e+00, v9;
	v32 =	vtrunc.f32 v24;
	v40 =	vtrunc.f32 v36  }
0x196: {  	v10 =	vmax.f32 v10, $0.0e+00;
	v28 =	vcvt.f32.s32 v19;
	v19 =	vld [tilespmem:s2+$0xFFFFFF60];
	v32 =	vcvt.f32.s32 v32  }
0x197: {  	v45 =	vtrunc.f32 v23;
	v29 =	vmin.f32 v10, $8.999999040e+00;
	v9 =	vmax.f32 v9, $0.0e+00  }
0x198: {  	v31 =	vtrunc.f32 v29;
	v33 =	vmin.f32 v9, $8.999999040e+00;
	v9 =	vmin.f32 v20, $8.999999040e+00  }
0x199: {  	v10 =	vld [tilespmem:s2+$0x70];
	v20 =	vmax.f32 v26, $0.0e+00;
	v26 =	vcvt.f32.s32 v31;
	v31 =	vadd.f32 $3.375000000e+00, v57  }
0x19a: {  	v46 =	vmin.f32 v21, $8.999999040e+00;
	v40 =	vcvt.f32.s32 v40;
	v35 =	vmul.f32 $1.125000000e+00, v15  }
0x19b: {  	v21 =	vcvt.f32.s32 v45;
	v31 =	vmax.f32 v31, $0.0e+00;
	v34 =	vmul.f32 $1.125000000e+00, v19  }
0x19c: {  	v59 =	vtrunc.f32 v33;
	v35 =	vadd.f32 $3.375000000e+00, v35;
	v31 =	vmin.f32 v31, $8.999999040e+00;
	v41 =	vld.idx.msk [tilespmem:v32+s25+$0x0], $0xffff  }
0x19d: {  	v45 =	vcvt.f32.s32 v59;
	v38 =	vld.idx.msk [tilespmem:v28+s25+$0x0], $0xffff;
	v39 =	vtrunc.f32 v31;
	v34 =	vadd.f32 $3.375000000e+00, v34  }
0x19e: {  	v37 =	vmul.f32 $1.125000000e+00, v10;
	v35 =	vmax.f32 v35, $0.0e+00;
	v32 =	vld.idx.msk [tilespmem:v32+s24+$0x0], $0xffff;
	v39 =	vcvt.f32.s32 v39  }
0x19f: {  	v25 =	vmin.f32 v25, $8.999999040e+00;
	v28 =	vld.idx.msk [tilespmem:v28+s24+$0x0], $0xffff;
	v35 =	vmin.f32 v35, $8.999999040e+00;
	v34 =	vmax.f32 v34, $0.0e+00  }
0x1a0: {  	v37 =	vadd.f32 $3.375000000e+00, v37;
	v43 =	vld.idx.msk [tilespmem:v26+s25+$0x0], $0xffff;
	v58 =	vtrunc.f32 v35;
	v34 =	vmin.f32 v34, $8.999999040e+00  }
0x1a1: {  	v20 =	vmin.f32 v20, $8.999999040e+00;
	v62 =	vld.idx.msk [tilespmem:v40+s24+$0x0], $0xffff;
	v42 =	vtrunc.f32 v34;
	v24 =	vmul.f32 v24, v41  }
0x1a2: {  	v26 =	vld.idx.msk [tilespmem:v26+s24+$0x0], $0xffff;
	v37 =	vmax.f32 v37, $0.0e+00;
	v17 =	vmul.f32 v17, v38;
	v38 =	vcvt.f32.s32 v58  }
0x1a3: {  	v37 =	vmin.f32 v37, $8.999999040e+00;
	v58 =	vld.idx.msk [tilespmem:v45+s25+$0x0], $0xffff;
	v42 =	vcvt.f32.s32 v42;
	v24 =	vadd.f32 v24, v32  }
0x1a4: {  	v61 =	vtrunc.f32 v20;
	v44 =	vtrunc.f32 v37;
	v60 =	vld.idx.msk [tilespmem:v39+s25+$0x0], $0xffff;
	v17 =	vadd.f32 v17, v28  }
0x1a5: {  	v44 =	vcvt.f32.s32 v44;
	v29 =	vmul.f32 v29, v43;
	v39 =	vld.idx.msk [tilespmem:v39+s24+$0x0], $0xffff;
	v24 =	vsel vm8, v18, v24  }
0x1a6: {  	v18 =	vld.idx.msk [tilespmem:v40+s25+$0x0], $0xffff;
	v52 =	vsel vm5, v14, v17;
	v14 =	vtrunc.f32 v25;
	v17 =	vmax.f32 v22, $0.0e+00  }
0x1a7: {  	v43 =	vcvt.f32.s32 v61;
	v54 =	vcvt.f32.s32 v14;
	v14 =	vmin.f32 v17, $8.999999040e+00;
	v17 =	vld.idx.msk [tilespmem:v21+s24+$0x0], $0xffff  }
0x1a8: {  	v63 =	vtrunc.f32 v46;
	v56 =	vtrunc.f32 v8;
	v26 =	vadd.f32 v29, v26;
	v49 =	vld.idx.msk [tilespmem:v38+s25+$0x0], $0xffff  }
0x1a9: {  	v57 =	vcvt.f32.s32 v56;
	vm13 =	vlt.f32 v15, $-3.000000000e+00;
	vm14 =	vgt.f32 v15, $5.000000000e+00;
	v48 =	vld.idx.msk [tilespmem:v42+s24+$0x0], $0xffff  }
0x1aa: {  	v47 =	vtrunc.f32 v9;
	v16 =	vsel vm6, v16, v26;
	v22 =	vmul.f32 v31, v60;
	v26 =	vld.idx.msk [tilespmem:v42+s25+$0x0], $0xffff  }
0x1ab: {  	s31 =	simm.s32 $0x8300;
	v32 =	vcvt.f32.s32 v47;
	v40 =	vcvt.f32.s32 v63;
	vm5 =	vlt.f32 v30, $-3.000000000e+00;
	v60 =	vld.idx.msk [tilespmem:v38+s24+$0x0], $0xffff  }
0x1ac: {  	vm8 =	vgt.f32 v13, $5.000000000e+00;
	[tilespmem:s31+$0x50] =	vst v24;
	vm6 =	vgt.f32 v30, $5.000000000e+00;
	v24 =	vld.idx.msk [tilespmem:v44+s25+$0x0], $0xffff;
	v22 =	vadd.f32 v22, v39  }
0x1ad: {  	v33 =	vmul.f32 v33, v58;
	vm5 =	vmor vm5, vm6;
	v63 =	vld.idx.msk [tilespmem:v43+s24+$0x0], $0xffff;
	v18 =	vmul.f32 v36, v18  }
0x1ae: {  	vm6 =	vlt.f32 v19, $-3.000000000e+00;
	v22 =	vsel vm7, v27, v22;
	v27 =	vld.idx.msk [tilespmem:v45+s24+$0x0], $0xffff;
	vm7 =	vgt.f32 v19, $5.000000000e+00  }
0x1af: {  	v28 =	vadd.f32 v18, v62;
	v61 =	vld.idx.msk [tilespmem:v54+s25+$0x0], $0xffff;
	vm7 =	vmor vm6, vm7;
	vm6 =	vlt.f32 v13, $-3.000000000e+00  }
0x1b0: {  	v55 =	vtrunc.f32 v14;
	v62 =	vld.idx.msk [tilespmem:v43+s25+$0x0], $0xffff;
	v26 =	vmul.f32 v34, v26;
	vm8 =	vmor vm6, vm8  }
0x1b1: {  	[tilespmem:s31+$0xFFFFFF50] =	vst v22;
	v22 =	vld.idx.msk [tilespmem:v21+s25+$0x0], $0xffff;
	v28 =	vsel vm5, v30, v28;
	vm5 =	vlt.f32 v12, $-3.000000000e+00;
	vm6 =	vgt.f32 v12, $5.000000000e+00  }
0x1b2: {  	v59 =	vld.idx.msk [tilespmem:v54+s24+$0x0], $0xffff;
	vm5 =	vmor vm5, vm6;
	v26 =	vadd.f32 v26, v48;
	vm6 =	vgt.f32 v11, $5.000000000e+00  }
0x1b3: {  	v53 =	vld.idx.msk [tilespmem:v44+s24+$0x0], $0xffff;
	v29 =	vcvt.f32.s32 v55;
	[tilespmem:s31+$0xFFFFFF40] =	vst v16;
	v35 =	vmul.f32 v35, v49;
	vm6 =	vmor vm10, vm6  }
0x1b4: {  	v18 =	vld.idx.msk [tilespmem:v32+s24+$0x0], $0xffff;
	v27 =	vadd.f32 v33, v27;
	v16 =	vsel vm7, v19, v26;
	v25 =	vmul.f32 v25, v61  }
0x1b5: {  	vm7 =	vmor vm13, vm14;
	v26 =	vld.idx.msk [tilespmem:v40+s25+$0x0], $0xffff;
	v20 =	vmul.f32 v20, v62;
	[tilespmem:s31+$0xFFFFFF60] =	vst v16;
	v16 =	vmul.f32 v37, v24  }
0x1b6: {  	v22 =	vmul.f32 v23, v22;
	v21 =	vsel vm8, v13, v27;
	v27 =	vadd.f32 v35, v60;
	v13 =	vld.idx.msk [tilespmem:v32+s25+$0x0], $0xffff  }
0x1b7: {  	[tilespmem:s31+$0x20] =	vst v52;
	vm8 =	vgt.f32 v5, $5.000000000e+00;
	v25 =	vadd.f32 v25, v59;
	v23 =	vadd.f32 v20, v63;
	v20 =	vld.idx.msk [tilespmem:v40+s24+$0x0], $0xffff  }
0x1b8: {  	[tilespmem:s31+$0x60] =	vst v28;
	vm2 =	vmor vm15, vm8;
	vm8 =	vgt.f32 v4, $5.000000000e+00;
	v24 =	vsel vm7, v15, v27;
	v15 =	vld.idx.msk [tilespmem:v57+s25+$0x0], $0xffff  }
0x1b9: {  	[tilespmem:s31+$0x10] =	vst v21;
	v21 =	vadd.f32 v16, v53;
	v16 =	vld.idx.msk [tilespmem:v29+s25+$0x0], $0xffff;
	vm7 =	vlt.f32 v4, $-3.000000000e+00;
	v25 =	vsel vm5, v12, v25  }
0x1ba: {  	v19 =	vld.idx.msk [tilespmem:v57+s24+$0x0], $0xffff;
	[tilespmem:s31+$0x40] =	vst v24;
	vm5 =	vmor vm7, vm8;
	vm7 =	vlt.f32 v10, $-3.000000000e+00;
	vm8 =	vgt.f32 v10, $5.000000000e+00  }
0x1bb: {  	s0 =	simm.s32 $0x0;
	s1 =	simm.s32 $0x8300;
	s2 =	simm.s32 $0x500;
	v12 =	vld.idx.msk [tilespmem:v29+s24+$0x0], $0xffff;
	[tilespmem:s31+$0x30] =	vst v25;
	v24 =	vsel vm6, v11, v23;
	v11 =	vmul.f32 v46, v26;
	vm6 =	vmor vm7, vm8  }
.LBB2_18:
0x1bc: {  	v23 =	vld [tilespmem:s2+$0xFFFFFF10];
	s0 =	sadd.s32 $0x100, s0;
	v22 =	vadd.f32 v22, v17;
	[tilespmem:s31+$0xFFFFFF70] =	vst v24;
	v10 =	vsel vm6, v10, v21;
	s1 =	sadd.s32 $0x200, s1  }
0x1bd: {  	v8 =	vmul.f32 v8, v15;
	v9 =	vmul.f32 v9, v13;
	v17 =	vld [tilespmem:s2+$0x20];
	p0 =	slt.u32 s0, $0x3F00;
	[tilespmem:s31+$0x70] =	vst v10  }
0x1be: {  	v10 =	vmul.f32 v14, v16;
	v11 =	vadd.f32 v11, v20;
	v15 =	vld [tilespmem:s2+$0xFFFFFF40];
	v6 =	vsel vm4, v6, v22  }
0x1bf: {  	v8 =	vadd.f32 v8, v19;
	vm4 =	vgt.f32 v3, $5.000000000e+00;
	v9 =	vadd.f32 v9, v18;
	v13 =	vld [tilespmem:s2+$0x0];
	[tilespmem:s31+$0xFFFFFF00] =	vst v6  }
0x1c0: {  	vm1 =	vmor vm1, vm4;
	v10 =	vadd.f32 v10, v12;
	v7 =	vsel vm3, v7, v11;
	v6 =	vld [tilespmem:s2+$0xFFFFFF00]  }
0x1c1: {  	v8 =	vsel vm1, v3, v8;
	v9 =	vsel vm2, v5, v9;
	v11 =	vmul.f32 $1.125000000e+00, v23;
	v5 =	vld [tilespmem:s2+$0xFFFFFF30];
	[tilespmem:s31+$0x0] =	vst v7;
	v3 =	vmovc v23  }
0x1c2: {  	v10 =	vsel vm5, v4, v10;
	vm2 =	vlt.f32 v17, $-3.000000000e+00;
	vm3 =	vgt.f32 v17, $5.000000000e+00;
	[tilespmem:s31+$0xFFFFFF10] =	vst v8;
	v4 =	vld [tilespmem:s2+$0xFFFFFF20]  }
0x1c3: {  	vm1 =	vlt.f32 v3, $-3.000000000e+00;
	v8 =	vadd.f32 $3.375000000e+00, v11;
	vm5 =	vmor vm2, vm3;
	v12 =	vld [tilespmem:s2+$0x30];
	[tilespmem:s31+$0xFFFFFF30] =	vst v9  }
0x1c4: {  	v11 =	vld [tilespmem:s2+$0xFFFFFF70];
	v9 =	vmul.f32 $1.125000000e+00, v13;
	vm2 =	vlt.f32 v13, $-3.000000000e+00;
	vm3 =	vgt.f32 v13, $5.000000000e+00;
	[tilespmem:s31+$0xFFFFFF20] =	vst v10;
	v7 =	vmovc v13;
	s31 =	smov.u32 s1  }
0x1c5: {  	v10 =	vmul.f32 $1.125000000e+00, v6;
	vm4 =	vlt.f32 v6, $-3.000000000e+00;
	v8 =	vmax.f32 v8, $0.0e+00;
	v13 =	vld [tilespmem:s2+$0x10]  }
0x1c6: {  	v16 =	vmul.f32 $1.125000000e+00, v5;
	v18 =	vadd.f32 $3.375000000e+00, v9;
	v9 =	vmul.f32 $1.125000000e+00, v17;
	v14 =	vld [tilespmem:s2+$0x50]  }
0x1c7: {  	v8 =	vmin.f32 v8, $8.999999040e+00;
	v10 =	vadd.f32 $3.375000000e+00, v10;
	v27 =	vmul.f32 $1.125000000e+00, v4  }
0x1c8: {  	v19 =	vmul.f32 $1.125000000e+00, v15;
	v9 =	vadd.f32 $3.375000000e+00, v9;
	v20 =	vmul.f32 $1.125000000e+00, v12  }
0x1c9: {  	vm6 =	vgt.f32 v15, $5.000000000e+00;
	v16 =	vadd.f32 $3.375000000e+00, v16;
	v21 =	vmul.f32 $1.125000000e+00, v11  }
0x1ca: {  	v22 =	vmax.f32 v10, $0.0e+00;
	v10 =	vmul.f32 $1.125000000e+00, v13;
	v9 =	vmax.f32 v9, $0.0e+00  }
0x1cb: {  	v19 =	vadd.f32 $3.375000000e+00, v19;
	v28 =	vadd.f32 $3.375000000e+00, v20;
	v20 =	vmul.f32 $1.125000000e+00, v14  }
0x1cc: {  	v23 =	vadd.f32 $3.375000000e+00, v21;
	v26 =	vmin.f32 v9, $8.999999040e+00;
	v10 =	vadd.f32 $3.375000000e+00, v10  }
0x1cd: {  	v9 =	vmax.f32 v16, $0.0e+00;
	v21 =	vtrunc.f32 v26;
	v16 =	vld [tilespmem:s2+$0x40];
	v20 =	vadd.f32 $3.375000000e+00, v20  }
0x1ce: {  	v24 =	vmax.f32 v19, $0.0e+00;
	vm7 =	vlt.f32 v14, $-3.000000000e+00;
	v29 =	vcvt.f32.s32 v21;
	v25 =	vld [tilespmem:s2+$0xFFFFFF50]  }
0x1cf: {  	vm8 =	vgt.f32 v14, $5.000000000e+00;
	v10 =	vmax.f32 v10, $0.0e+00;
	v19 =	vld [tilespmem:s2+$0xFFFFFF60];
	v20 =	vmax.f32 v20, $0.0e+00  }
0x1d0: {  	v30 =	vmin.f32 v24, $8.999999040e+00;
	vm8 =	vmor vm7, vm8;
	v31 =	vmin.f32 v20, $8.999999040e+00;
	v24 =	vld [tilespmem:s2+$0x60]  }
0x1d1: {  	v21 =	vmin.f32 v10, $8.999999040e+00;
	v20 =	vtrunc.f32 v30;
	v32 =	vtrunc.f32 v31;
	v10 =	vld [tilespmem:s2+$0x70]  }
0x1d2: {  	v9 =	vmin.f32 v9, $8.999999040e+00;
	v23 =	vmax.f32 v23, $0.0e+00;
	v32 =	vcvt.f32.s32 v32  }
0x1d3: {  	v33 =	vcvt.f32.s32 v20;
	v20 =	vmul.f32 $1.125000000e+00, v25;
	vm7 =	vlt.f32 v25, $-3.000000000e+00  }
0x1d4: {  	v35 =	vmul.f32 $1.125000000e+00, v16;
	vm9 =	vgt.f32 v25, $5.000000000e+00;
	v34 =	vmul.f32 $1.125000000e+00, v19  }
0x1d5: {  	vm7 =	vmor vm7, vm9;
	v36 =	vadd.f32 $3.375000000e+00, v20;
	v37 =	vmul.f32 $1.125000000e+00, v24  }
0x1d6: {  	v20 =	vmin.f32 v23, $8.999999040e+00;
	v34 =	vadd.f32 $3.375000000e+00, v34;
	v23 =	vmul.f32 $1.125000000e+00, v10  }
0x1d7: {  	v35 =	vadd.f32 $3.375000000e+00, v35;
	v36 =	vmax.f32 v36, $0.0e+00;
	v38 =	vld.idx.msk [tilespmem:v29+s25+$0x0], $0xffff;
	v37 =	vadd.f32 $3.375000000e+00, v37  }
0x1d8: {  	v36 =	vmin.f32 v36, $8.999999040e+00;
	v34 =	vmax.f32 v34, $0.0e+00;
	v39 =	vld.idx.msk [tilespmem:v32+s24+$0x0], $0xffff;
	v23 =	vadd.f32 $3.375000000e+00, v23  }
0x1d9: {  	v35 =	vmax.f32 v35, $0.0e+00;
	v40 =	vtrunc.f32 v36;
	v32 =	vld.idx.msk [tilespmem:v32+s25+$0x0], $0xffff;
	v37 =	vmax.f32 v37, $0.0e+00  }
0x1da: {  	v35 =	vmin.f32 v35, $8.999999040e+00;
	v34 =	vmin.f32 v34, $8.999999040e+00;
	v37 =	vmin.f32 v37, $8.999999040e+00  }
0x1db: {  	v40 =	vcvt.f32.s32 v40;
	v23 =	vmax.f32 v23, $0.0e+00;
	v41 =	vtrunc.f32 v37  }
0x1dc: {  	v22 =	vmin.f32 v22, $8.999999040e+00;
	v43 =	vtrunc.f32 v34;
	v42 =	vld.idx.msk [tilespmem:v33+s25+$0x0], $0xffff;
	v41 =	vcvt.f32.s32 v41  }
0x1dd: {  	v44 =	vtrunc.f32 v35;
	v38 =	vmul.f32 v26, v38;
	v26 =	vmin.f32 v23, $8.999999040e+00  }
0x1de: {  	v18 =	vmax.f32 v18, $0.0e+00;
	v43 =	vcvt.f32.s32 v43;
	v45 =	vtrunc.f32 v26;
	v29 =	vld.idx.msk [tilespmem:v29+s24+$0x0], $0xffff  }
0x1df: {  	v46 =	vtrunc.f32 v22;
	v44 =	vcvt.f32.s32 v44;
	v23 =	vmin.f32 v18, $8.999999040e+00  }
0x1e0: {  	v46 =	vcvt.f32.s32 v46;
	v18 =	vadd.f32 $3.375000000e+00, v27;
	v27 =	vld.idx.msk [tilespmem:v33+s24+$0x0], $0xffff;
	v33 =	vcvt.f32.s32 v45  }
0x1e1: {  	v28 =	vmax.f32 v28, $0.0e+00;
	v47 =	vtrunc.f32 v21;
	v31 =	vmul.f32 v31, v32;
	v45 =	vld.idx.msk [tilespmem:v40+s25+$0x0], $0xffff  }
0x1e2: {  	vm9 =	vlt.f32 v15, $-3.000000000e+00;
	v32 =	vtrunc.f32 v9;
	v30 =	vmul.f32 v30, v42;
	v40 =	vld.idx.msk [tilespmem:v40+s24+$0x0], $0xffff  }
0x1e3: {  	v47 =	vcvt.f32.s32 v47;
	v31 =	vadd.f32 v31, v39;
	v42 =	vtrunc.f32 v20;
	v39 =	vld.idx.msk [tilespmem:v41+s24+$0x0], $0xffff  }
0x1e4: {  	vm6 =	vmor vm9, vm6;
	v32 =	vcvt.f32.s32 v32;
	v29 =	vadd.f32 v38, v29;
	v48 =	vld.idx.msk [tilespmem:v43+s24+$0x0], $0xffff  }
0x1e5: {  	v28 =	vmin.f32 v28, $8.999999040e+00;
	v14 =	vsel vm8, v14, v31;
	v38 =	vcvt.f32.s32 v42;
	v31 =	vld.idx.msk [tilespmem:v41+s25+$0x0], $0xffff  }
0x1e6: {  	v41 =	vtrunc.f32 v23;
	v17 =	vsel vm5, v17, v29;
	v29 =	vtrunc.f32 v28;
	[tilespmem:s1+$0x50] =	vst v14;
	v42 =	vld.idx.msk [tilespmem:v33+s24+$0x0], $0xffff  }
0x1e7: {  	v14 =	vmax.f32 v18, $0.0e+00;
	v41 =	vcvt.f32.s32 v41;
	v29 =	vcvt.f32.s32 v29;
	[tilespmem:s1+$0x20] =	vst v17;
	v49 =	vld.idx.msk [tilespmem:v44+s25+$0x0], $0xffff  }
0x1e8: {  	v18 =	vadd.f32 v30, v27;
	v27 =	vmul.f32 v36, v45;
	v14 =	vmin.f32 v14, $8.999999040e+00;
	v17 =	vld.idx.msk [tilespmem:v46+s24+$0x0], $0xffff  }
0x1e9: {  	vm5 =	vlt.f32 v24, $-3.000000000e+00;
	v30 =	vtrunc.f32 v8;
	v36 =	vtrunc.f32 v14;
	v45 =	vld.idx.msk [tilespmem:v47+s24+$0x0], $0xffff  }
0x1ea: {  	v15 =	vsel vm6, v15, v18;
	v27 =	vadd.f32 v27, v40;
	v36 =	vcvt.f32.s32 v36;
	v40 =	vld.idx.msk [tilespmem:v43+s25+$0x0], $0xffff  }
0x1eb: {  	v30 =	vcvt.f32.s32 v30;
	vm6 =	vgt.f32 v24, $5.000000000e+00;
	v31 =	vmul.f32 v37, v31;
	[tilespmem:s1+$0xFFFFFF40] =	vst v15;
	v15 =	vld.idx.msk [tilespmem:v47+s25+$0x0], $0xffff  }
0x1ec: {  	vm5 =	vmor vm5, vm6;
	v25 =	vsel vm7, v25, v27;
	vm7 =	vlt.f32 v16, $-3.000000000e+00;
	v18 =	vld.idx.msk [tilespmem:v32+s24+$0x0], $0xffff  }
0x1ed: {  	vm8 =	vgt.f32 v19, $5.000000000e+00;
	vm6 =	vlt.f32 v19, $-3.000000000e+00;
	v27 =	vadd.f32 v31, v39;
	[tilespmem:s1+$0xFFFFFF50] =	vst v25;
	v25 =	vld.idx.msk [tilespmem:v29+s24+$0x0], $0xffff  }
0x1ee: {  	vm9 =	vmor vm6, vm8;
	vm6 =	vlt.f32 v13, $-3.000000000e+00;
	vm8 =	vgt.f32 v13, $5.000000000e+00;
	v31 =	vld.idx.msk [tilespmem:v44+s24+$0x0], $0xffff  }
0x1ef: {  	vm8 =	vmor vm6, vm8;
	vm6 =	vlt.f32 v12, $-3.000000000e+00;
	v24 =	vsel vm5, v24, v27;
	v27 =	vld.idx.msk [tilespmem:v33+s25+$0x0], $0xffff  }
0x1f0: {  	vm5 =	vgt.f32 v12, $5.000000000e+00;
	v33 =	vmul.f32 v34, v40;
	v34 =	vmul.f32 v35, v49;
	v29 =	vld.idx.msk [tilespmem:v29+s25+$0x0], $0xffff;
	[tilespmem:s1+$0x60] =	vst v24  }
0x1f1: {  	vm10 =	vlt.f32 v11, $-3.000000000e+00;
	vm5 =	vmor vm6, vm5;
	v15 =	vmul.f32 v21, v15;
	v24 =	vld.idx.msk [tilespmem:v38+s24+$0x0], $0xffff  }
0x1f2: {  	vm11 =	vgt.f32 v6, $5.000000000e+00;
	vm6 =	vgt.f32 v11, $5.000000000e+00;
	v21 =	vadd.f32 v33, v48;
	v33 =	vld.idx.msk [tilespmem:v38+s25+$0x0], $0xffff  }
0x1f3: {  	vm6 =	vmor vm10, vm6;
	vm10 =	vgt.f32 v16, $5.000000000e+00;
	v15 =	vadd.f32 v15, v45;
	v35 =	vld.idx.msk [tilespmem:v41+s25+$0x0], $0xffff  }
0x1f4: {  	vm4 =	vmor vm4, vm11;
	vm7 =	vmor vm7, vm10;
	v21 =	vsel vm9, v19, v21;
	v37 =	vld.idx.msk [tilespmem:v46+s25+$0x0], $0xffff  }
0x1f5: {  	vm9 =	vlt.f32 v5, $-3.000000000e+00;
	v15 =	vsel vm8, v13, v15;
	v19 =	vld.idx.msk [tilespmem:v30+s24+$0x0], $0xffff;
	[tilespmem:s1+$0xFFFFFF60] =	vst v21;
	v21 =	vadd.f32 v34, v31  }
0x1f6: {  	vm3 =	vmor vm2, vm3;
	vm8 =	vgt.f32 v5, $5.000000000e+00;
	v28 =	vmul.f32 v28, v29;
	v13 =	vld.idx.msk [tilespmem:v32+s25+$0x0], $0xffff;
	[tilespmem:s1+$0x10] =	vst v15  }
0x1f7: {  	v26 =	vmul.f32 v26, v27;
	vm2 =	vmor vm9, vm8;
	v15 =	vld.idx.msk [tilespmem:v30+s25+$0x0], $0xffff;
	v21 =	vsel vm7, v16, v21  }
.Ltmp8:
0x1f8: {  	vm7 =	vlt.f32 v4, $-3.000000000e+00;
	v27 =	vmul.f32 v20, v33;
	v25 =	vadd.f32 v28, v25;
	v16 =	vld.idx.msk [tilespmem:v36+s25+$0x0], $0xffff;
	[tilespmem:s1+$0x40] =	vst v21;
	(pc) =	sbr.rel @p0 .LBB2_18-.Ltmp8, $4  }
0x1f9: {  	vm8 =	vgt.f32 v4, $5.000000000e+00;
	v21 =	vadd.f32 v26, v42;
	v20 =	vld.idx.msk [tilespmem:v41+s24+$0x0], $0xffff  }
0x1fa: {  	v22 =	vmul.f32 v22, v37;
	v24 =	vadd.f32 v27, v24;
	v25 =	vsel vm5, v12, v25  }
0x1fb: {  	vm5 =	vmor vm7, vm8;
	vm7 =	vlt.f32 v10, $-3.000000000e+00;
	vm8 =	vgt.f32 v10, $5.000000000e+00;
	v12 =	vld.idx.msk [tilespmem:v36+s24+$0x0], $0xffff;
	[tilespmem:s1+$0x30] =	vst v25  }
0x1fc: {  	s2 =	sadd.s32 $0x200, s2;
	v24 =	vsel vm6, v11, v24;
	v11 =	vmul.f32 v23, v35;
	vm6 =	vmor vm7, vm8  }
0x1fd: {  	v17 =	vadd.f32 v22, v17;
	v10 =	vsel vm6, v10, v21;
	v8 =	vmul.f32 v8, v15  }
0x1fe: {  	[tilespmem:s31+$0xFFFFFF70] =	vst v24;
	v9 =	vmul.f32 v9, v13;
	v61 =	vmul.f32 v14, v16;
	v11 =	vadd.f32 v11, v20  }
0x1ff: {  	vm15 =	vgt.f32 v3, $5.000000000e+00;
	[tilespmem:s31+$0x70] =	vst v10;
	v6 =	vsel vm4, v6, v17;
	v8 =	vadd.f32 v8, v19  }
0x200: {  	vm1 =	vmor vm1, vm15;
	v62 =	vadd.f32 v9, v18;
	[tilespmem:s31+$0xFFFFFF00] =	vst v6;
	v7 =	vsel vm3, v7, v11  }
0x201: {  	v63 =	vadd.f32 v61, v12;
	v3 =	vsel vm1, v3, v8;
	[tilespmem:s31+$0x0] =	vst v7  }
0x202: {  	v5 =	vsel vm2, v5, v62;
	[tilespmem:s31+$0xFFFFFF10] =	vst v3  }
0x203: {  	s0 =	simm.s32 $0x8200;
	v3 =	vsel vm5, v4, v63;
	[tilespmem:s31+$0xFFFFFF30] =	vst v5  }
0x204: {  	s1 =	simm.s32 $0x10;
	s2 =	simm.s32 $0x8300;
	[tilespmem:s31+$0xFFFFFF20] =	vst v3;
	s31 =	sadd.s32 $0x0, s10  }
.LBB2_20:
0x205: {  	[hbm4b:s31+s3] =	stream.linear.scatter [tilespmem:s0], [sflag:$0x3], $0x80, $0x38;
	[tilespmem:$0x10200] =	vst v63  }
0x206: {  	s31 =	smov.u32 s1;
	s0 =	smov.u32 s2;
	p0 =	sne.s32 s1, $0x7F0  }
.Ltmp9:
0x207: {  	s1 =	sadd.s32 $0x10, s1;
	(pc) =	sbr.rel @p0 .LBB2_20-.Ltmp9, $2  }
0x208: {  	_ =	sdelay $0x2  }
0x209: {  	s2 =	sadd.s32 $0x100, s2;
	s31 =	sadd.s32 s31, s10  }
0x20a: {  	[hbm4b:s31+s3] =	stream.linear.scatter [tilespmem:s0], [sflag:$0x3], $0x80, $0x38;
	[tilespmem:$0x10200] =	vst v63  }
0x20b: {  	s0 =	simm.s32 $0x200  }
0x20c: {  	s1 =	simm.s32 $0x10;
	s31 =	sadd.s32 $0x0, s11;
	s2 =	simm.s32 $0x300  }
.LBB2_22:
0x20d: {  	[tilespmem:s0], [sflag:$0x1] =	stream.linear.gather [hbm4b:s31+s3], $0x80, $0x38;
	[tilespmem:$0x10200] =	vst v63  }
0x20e: {  	s31 =	smov.u32 s1;
	s0 =	smov.u32 s2;
	p0 =	sne.s32 s1, $0x7F0  }
.Ltmp10:
0x20f: {  	s1 =	sadd.s32 $0x10, s1;
	(pc) =	sbr.rel @p0 .LBB2_22-.Ltmp10, $2  }
0x210: {  	_ =	sdelay $0x2  }
0x211: {  	s2 =	sadd.s32 $0x100, s2;
	s31 =	sadd.s32 s31, s11  }
0x212: {  	[tilespmem:s0], [sflag:$0x1] =	stream.linear.gather [hbm4b:s31+s3], $0x80, $0x38;
	[tilespmem:$0x10200] =	vst v63  }
0x213: {  	_ =	swait.ge [sflag:s26], $0x4000  }
0x214: {  	[sflag:s26] =	ssyncset.done $0x0  }
0x215: {  	[sflag:s26] =	ssyncadd.s32 $0xFFFFC000  }
0x216: {  	_ =	swait.ge [sflag:s29], $0x4000  }
0x217: {  	[sflag:s29] =	ssyncset.done $0x0  }
0x218: {  	s2 =	simm.s32 $0x380;
	[sflag:s29] =	ssyncadd.s32 $0xFFFFC000  }
0x219: {  	v3 =	vld [tilespmem:s2+$0xFFFFFF10]  }
0x21a: {  	v14 =	vld [tilespmem:s2+$0x20]  }
0x21b: {  	v16 =	vld [tilespmem:s2+$0xFFFFFF40]  }
0x21c: {  	v7 =	vld [tilespmem:s2+$0x0]  }
0x21d: {  	v6 =	vld [tilespmem:s2+$0xFFFFFF00]  }
0x21e: {  	v5 =	vld [tilespmem:s2+$0xFFFFFF30]  }
0x21f: {  	v4 =	vld [tilespmem:s2+$0xFFFFFF20]  }
0x220: {  	v12 =	vld [tilespmem:s2+$0x30]  }
0x221: {  	v11 =	vld [tilespmem:s2+$0xFFFFFF70]  }
0x222: {  	v18 =	vld [tilespmem:s2+$0x50]  }
0x223: {  	v27 =	vld [tilespmem:s2+$0xFFFFFF50];
	v8 =	vmul.f32 $1.125000000e+00, v3;
	vm2 =	vlt.f32 v14, $-3.000000000e+00  }
0x224: {  	v30 =	vld [tilespmem:s2+$0x60];
	vm3 =	vgt.f32 v14, $5.000000000e+00;
	v9 =	vmul.f32 $1.125000000e+00, v7;
	v10 =	vmul.f32 $1.125000000e+00, v6  }
0x225: {  	vm1 =	vlt.f32 v3, $-3.000000000e+00;
	v15 =	vmul.f32 $1.125000000e+00, v5;
	v17 =	vmul.f32 $1.125000000e+00, v14  }
0x226: {  	vm4 =	vlt.f32 v6, $-3.000000000e+00;
	v22 =	vmul.f32 $1.125000000e+00, v4;
	v19 =	vmul.f32 $1.125000000e+00, v12  }
0x227: {  	vm6 =	vgt.f32 v16, $5.000000000e+00;
	v24 =	vmul.f32 $1.125000000e+00, v18;
	vm7 =	vlt.f32 v18, $-3.000000000e+00  }
0x228: {  	vm8 =	vgt.f32 v18, $5.000000000e+00;
	v57 =	vmul.f32 $1.125000000e+00, v27;
	vm9 =	vgt.f32 v27, $5.000000000e+00  }
0x229: {  	v36 =	vmul.f32 $1.125000000e+00, v30;
	vm12 =	vlt.f32 v16, $-3.000000000e+00;
	vm10 =	vlt.f32 v11, $-3.000000000e+00  }
0x22a: {  	vm11 =	vgt.f32 v6, $5.000000000e+00;
	vm15 =	vlt.f32 v5, $-3.000000000e+00;
	vm5 =	vmor vm2, vm3  }
0x22b: {  	vm2 =	vlt.f32 v7, $-3.000000000e+00;
	vm3 =	vgt.f32 v7, $5.000000000e+00;
	vm8 =	vmor vm7, vm8  }
0x22c: {  	vm7 =	vlt.f32 v27, $-3.000000000e+00;
	vm6 =	vmor vm12, vm6;
	v8 =	vadd.f32 $3.375000000e+00, v8  }
0x22d: {  	v13 =	vld [tilespmem:s2+$0x10];
	vm4 =	vmor vm4, vm11;
	v21 =	vadd.f32 $3.375000000e+00, v9;
	v9 =	vadd.f32 $3.375000000e+00, v10  }
0x22e: {  	v10 =	vmul.f32 $1.125000000e+00, v16;
	v17 =	vadd.f32 $3.375000000e+00, v17;
	v20 =	vadd.f32 $3.375000000e+00, v15  }
0x22f: {  	v15 =	vmul.f32 $1.125000000e+00, v11;
	v25 =	vadd.f32 $3.375000000e+00, v19;
	v24 =	vadd.f32 $3.375000000e+00, v24  }
0x230: {  	vm7 =	vmor vm7, vm9;
	v36 =	vadd.f32 $3.375000000e+00, v36;
	v22 =	vadd.f32 $3.375000000e+00, v22  }
0x231: {  	vm3 =	vmor vm2, vm3;
	v8 =	vmax.f32 v8, $0.0e+00;
	v23 =	vmax.f32 v9, $0.0e+00  }
0x232: {  	v9 =	vmul.f32 $1.125000000e+00, v13;
	v17 =	vmax.f32 v17, $0.0e+00;
	v10 =	vadd.f32 $3.375000000e+00, v10  }
0x233: {  	v26 =	vadd.f32 $3.375000000e+00, v15;
	v20 =	vmax.f32 v20, $0.0e+00;
	v24 =	vmax.f32 v24, $0.0e+00  }
0x234: {  	v36 =	vmax.f32 v36, $0.0e+00;
	v21 =	vmax.f32 v21, $0.0e+00;
	v25 =	vmax.f32 v25, $0.0e+00  }
0x235: {  	v8 =	vmin.f32 v8, $8.999999040e+00;
	v17 =	vmin.f32 v17, $8.999999040e+00;
	v24 =	vmin.f32 v24, $8.999999040e+00  }
0x236: {  	v36 =	vmin.f32 v36, $8.999999040e+00;
	v23 =	vmin.f32 v23, $8.999999040e+00;
	v19 =	vtrunc.f32 v17  }
0x237: {  	v15 =	vld [tilespmem:s2+$0x40];
	v9 =	vadd.f32 $3.375000000e+00, v9;
	v32 =	vtrunc.f32 v24;
	v40 =	vtrunc.f32 v36  }
0x238: {  	v10 =	vmax.f32 v10, $0.0e+00;
	v28 =	vcvt.f32.s32 v19;
	v19 =	vld [tilespmem:s2+$0xFFFFFF60];
	v32 =	vcvt.f32.s32 v32  }
0x239: {  	v45 =	vtrunc.f32 v23;
	v29 =	vmin.f32 v10, $8.999999040e+00;
	v9 =	vmax.f32 v9, $0.0e+00  }
0x23a: {  	v31 =	vtrunc.f32 v29;
	v33 =	vmin.f32 v9, $8.999999040e+00;
	v9 =	vmin.f32 v20, $8.999999040e+00  }
0x23b: {  	v10 =	vld [tilespmem:s2+$0x70];
	v20 =	vmax.f32 v26, $0.0e+00;
	v26 =	vcvt.f32.s32 v31;
	v31 =	vadd.f32 $3.375000000e+00, v57  }
0x23c: {  	v46 =	vmin.f32 v21, $8.999999040e+00;
	v40 =	vcvt.f32.s32 v40;
	v35 =	vmul.f32 $1.125000000e+00, v15  }
0x23d: {  	v21 =	vcvt.f32.s32 v45;
	v31 =	vmax.f32 v31, $0.0e+00;
	v34 =	vmul.f32 $1.125000000e+00, v19  }
0x23e: {  	v59 =	vtrunc.f32 v33;
	v35 =	vadd.f32 $3.375000000e+00, v35;
	v31 =	vmin.f32 v31, $8.999999040e+00;
	v41 =	vld.idx.msk [tilespmem:v32+s25+$0x0], $0xffff  }
0x23f: {  	v45 =	vcvt.f32.s32 v59;
	v38 =	vld.idx.msk [tilespmem:v28+s25+$0x0], $0xffff;
	v39 =	vtrunc.f32 v31;
	v34 =	vadd.f32 $3.375000000e+00, v34  }
0x240: {  	v37 =	vmul.f32 $1.125000000e+00, v10;
	v35 =	vmax.f32 v35, $0.0e+00;
	v32 =	vld.idx.msk [tilespmem:v32+s24+$0x0], $0xffff;
	v39 =	vcvt.f32.s32 v39  }
0x241: {  	v25 =	vmin.f32 v25, $8.999999040e+00;
	v28 =	vld.idx.msk [tilespmem:v28+s24+$0x0], $0xffff;
	v35 =	vmin.f32 v35, $8.999999040e+00;
	v34 =	vmax.f32 v34, $0.0e+00  }
0x242: {  	v37 =	vadd.f32 $3.375000000e+00, v37;
	v43 =	vld.idx.msk [tilespmem:v26+s25+$0x0], $0xffff;
	v58 =	vtrunc.f32 v35;
	v34 =	vmin.f32 v34, $8.999999040e+00  }
0x243: {  	v20 =	vmin.f32 v20, $8.999999040e+00;
	v62 =	vld.idx.msk [tilespmem:v40+s24+$0x0], $0xffff;
	v42 =	vtrunc.f32 v34;
	v24 =	vmul.f32 v24, v41  }
0x244: {  	v26 =	vld.idx.msk [tilespmem:v26+s24+$0x0], $0xffff;
	v37 =	vmax.f32 v37, $0.0e+00;
	v17 =	vmul.f32 v17, v38;
	v38 =	vcvt.f32.s32 v58  }
0x245: {  	v37 =	vmin.f32 v37, $8.999999040e+00;
	v58 =	vld.idx.msk [tilespmem:v45+s25+$0x0], $0xffff;
	v42 =	vcvt.f32.s32 v42;
	v24 =	vadd.f32 v24, v32  }
0x246: {  	v61 =	vtrunc.f32 v20;
	v44 =	vtrunc.f32 v37;
	v60 =	vld.idx.msk [tilespmem:v39+s25+$0x0], $0xffff;
	v17 =	vadd.f32 v17, v28  }
0x247: {  	v44 =	vcvt.f32.s32 v44;
	v29 =	vmul.f32 v29, v43;
	v39 =	vld.idx.msk [tilespmem:v39+s24+$0x0], $0xffff;
	v24 =	vsel vm8, v18, v24  }
0x248: {  	v18 =	vld.idx.msk [tilespmem:v40+s25+$0x0], $0xffff;
	v52 =	vsel vm5, v14, v17;
	v14 =	vtrunc.f32 v25;
	v17 =	vmax.f32 v22, $0.0e+00  }
0x249: {  	v43 =	vcvt.f32.s32 v61;
	v54 =	vcvt.f32.s32 v14;
	v14 =	vmin.f32 v17, $8.999999040e+00;
	v17 =	vld.idx.msk [tilespmem:v21+s24+$0x0], $0xffff  }
0x24a: {  	v63 =	vtrunc.f32 v46;
	v56 =	vtrunc.f32 v8;
	v26 =	vadd.f32 v29, v26;
	v49 =	vld.idx.msk [tilespmem:v38+s25+$0x0], $0xffff  }
0x24b: {  	v57 =	vcvt.f32.s32 v56;
	vm13 =	vlt.f32 v15, $-3.000000000e+00;
	vm14 =	vgt.f32 v15, $5.000000000e+00;
	v48 =	vld.idx.msk [tilespmem:v42+s24+$0x0], $0xffff  }
0x24c: {  	v47 =	vtrunc.f32 v9;
	v16 =	vsel vm6, v16, v26;
	v22 =	vmul.f32 v31, v60;
	v26 =	vld.idx.msk [tilespmem:v42+s25+$0x0], $0xffff  }
0x24d: {  	s31 =	simm.s32 $0x8380;
	v32 =	vcvt.f32.s32 v47;
	v40 =	vcvt.f32.s32 v63;
	vm5 =	vlt.f32 v30, $-3.000000000e+00;
	v60 =	vld.idx.msk [tilespmem:v38+s24+$0x0], $0xffff  }
0x24e: {  	vm8 =	vgt.f32 v13, $5.000000000e+00;
	[tilespmem:s31+$0x50] =	vst v24;
	vm6 =	vgt.f32 v30, $5.000000000e+00;
	v24 =	vld.idx.msk [tilespmem:v44+s25+$0x0], $0xffff;
	v22 =	vadd.f32 v22, v39  }
0x24f: {  	v33 =	vmul.f32 v33, v58;
	vm5 =	vmor vm5, vm6;
	v63 =	vld.idx.msk [tilespmem:v43+s24+$0x0], $0xffff;
	v18 =	vmul.f32 v36, v18  }
0x250: {  	vm6 =	vlt.f32 v19, $-3.000000000e+00;
	v22 =	vsel vm7, v27, v22;
	v27 =	vld.idx.msk [tilespmem:v45+s24+$0x0], $0xffff;
	vm7 =	vgt.f32 v19, $5.000000000e+00  }
0x251: {  	v28 =	vadd.f32 v18, v62;
	v61 =	vld.idx.msk [tilespmem:v54+s25+$0x0], $0xffff;
	vm7 =	vmor vm6, vm7;
	vm6 =	vlt.f32 v13, $-3.000000000e+00  }
0x252: {  	v55 =	vtrunc.f32 v14;
	v62 =	vld.idx.msk [tilespmem:v43+s25+$0x0], $0xffff;
	v26 =	vmul.f32 v34, v26;
	vm8 =	vmor vm6, vm8  }
0x253: {  	[tilespmem:s31+$0xFFFFFF50] =	vst v22;
	v22 =	vld.idx.msk [tilespmem:v21+s25+$0x0], $0xffff;
	v28 =	vsel vm5, v30, v28;
	vm5 =	vlt.f32 v12, $-3.000000000e+00;
	vm6 =	vgt.f32 v12, $5.000000000e+00  }
0x254: {  	v59 =	vld.idx.msk [tilespmem:v54+s24+$0x0], $0xffff;
	vm5 =	vmor vm5, vm6;
	v26 =	vadd.f32 v26, v48;
	vm6 =	vgt.f32 v11, $5.000000000e+00  }
0x255: {  	v53 =	vld.idx.msk [tilespmem:v44+s24+$0x0], $0xffff;
	v29 =	vcvt.f32.s32 v55;
	[tilespmem:s31+$0xFFFFFF40] =	vst v16;
	v35 =	vmul.f32 v35, v49;
	vm6 =	vmor vm10, vm6  }
0x256: {  	v18 =	vld.idx.msk [tilespmem:v32+s24+$0x0], $0xffff;
	v27 =	vadd.f32 v33, v27;
	v16 =	vsel vm7, v19, v26;
	v25 =	vmul.f32 v25, v61  }
0x257: {  	vm7 =	vmor vm13, vm14;
	v26 =	vld.idx.msk [tilespmem:v40+s25+$0x0], $0xffff;
	v20 =	vmul.f32 v20, v62;
	[tilespmem:s31+$0xFFFFFF60] =	vst v16;
	v16 =	vmul.f32 v37, v24  }
0x258: {  	v22 =	vmul.f32 v23, v22;
	v21 =	vsel vm8, v13, v27;
	v27 =	vadd.f32 v35, v60;
	v13 =	vld.idx.msk [tilespmem:v32+s25+$0x0], $0xffff  }
0x259: {  	[tilespmem:s31+$0x20] =	vst v52;
	vm8 =	vgt.f32 v5, $5.000000000e+00;
	v25 =	vadd.f32 v25, v59;
	v23 =	vadd.f32 v20, v63;
	v20 =	vld.idx.msk [tilespmem:v40+s24+$0x0], $0xffff  }
0x25a: {  	[tilespmem:s31+$0x60] =	vst v28;
	vm2 =	vmor vm15, vm8;
	vm8 =	vgt.f32 v4, $5.000000000e+00;
	v24 =	vsel vm7, v15, v27;
	v15 =	vld.idx.msk [tilespmem:v57+s25+$0x0], $0xffff  }
0x25b: {  	[tilespmem:s31+$0x10] =	vst v21;
	v21 =	vadd.f32 v16, v53;
	v16 =	vld.idx.msk [tilespmem:v29+s25+$0x0], $0xffff;
	vm7 =	vlt.f32 v4, $-3.000000000e+00;
	v25 =	vsel vm5, v12, v25  }
0x25c: {  	v19 =	vld.idx.msk [tilespmem:v57+s24+$0x0], $0xffff;
	[tilespmem:s31+$0x40] =	vst v24;
	vm5 =	vmor vm7, vm8;
	vm7 =	vlt.f32 v10, $-3.000000000e+00;
	vm8 =	vgt.f32 v10, $5.000000000e+00  }
0x25d: {  	s0 =	simm.s32 $0x0;
	s1 =	simm.s32 $0x8380;
	s2 =	simm.s32 $0x580;
	v12 =	vld.idx.msk [tilespmem:v29+s24+$0x0], $0xffff;
	[tilespmem:s31+$0x30] =	vst v25;
	v24 =	vsel vm6, v11, v23;
	v11 =	vmul.f32 v46, v26;
	vm6 =	vmor vm7, vm8  }
.LBB2_24:
0x25e: {  	v23 =	vld [tilespmem:s2+$0xFFFFFF10];
	s0 =	sadd.s32 $0x100, s0;
	v22 =	vadd.f32 v22, v17;
	[tilespmem:s31+$0xFFFFFF70] =	vst v24;
	v10 =	vsel vm6, v10, v21;
	s1 =	sadd.s32 $0x200, s1  }
0x25f: {  	v8 =	vmul.f32 v8, v15;
	v9 =	vmul.f32 v9, v13;
	v17 =	vld [tilespmem:s2+$0x20];
	p0 =	slt.u32 s0, $0x3F00;
	[tilespmem:s31+$0x70] =	vst v10  }
0x260: {  	v10 =	vmul.f32 v14, v16;
	v11 =	vadd.f32 v11, v20;
	v15 =	vld [tilespmem:s2+$0xFFFFFF40];
	v6 =	vsel vm4, v6, v22  }
0x261: {  	v8 =	vadd.f32 v8, v19;
	vm4 =	vgt.f32 v3, $5.000000000e+00;
	v9 =	vadd.f32 v9, v18;
	v13 =	vld [tilespmem:s2+$0x0];
	[tilespmem:s31+$0xFFFFFF00] =	vst v6  }
0x262: {  	vm1 =	vmor vm1, vm4;
	v10 =	vadd.f32 v10, v12;
	v7 =	vsel vm3, v7, v11;
	v6 =	vld [tilespmem:s2+$0xFFFFFF00]  }
0x263: {  	v8 =	vsel vm1, v3, v8;
	v9 =	vsel vm2, v5, v9;
	v11 =	vmul.f32 $1.125000000e+00, v23;
	v5 =	vld [tilespmem:s2+$0xFFFFFF30];
	[tilespmem:s31+$0x0] =	vst v7;
	v3 =	vmovc v23  }
0x264: {  	v10 =	vsel vm5, v4, v10;
	vm2 =	vlt.f32 v17, $-3.000000000e+00;
	vm3 =	vgt.f32 v17, $5.000000000e+00;
	[tilespmem:s31+$0xFFFFFF10] =	vst v8;
	v4 =	vld [tilespmem:s2+$0xFFFFFF20]  }
0x265: {  	vm1 =	vlt.f32 v3, $-3.000000000e+00;
	v8 =	vadd.f32 $3.375000000e+00, v11;
	vm5 =	vmor vm2, vm3;
	v12 =	vld [tilespmem:s2+$0x30];
	[tilespmem:s31+$0xFFFFFF30] =	vst v9  }
0x266: {  	v11 =	vld [tilespmem:s2+$0xFFFFFF70];
	v9 =	vmul.f32 $1.125000000e+00, v13;
	vm2 =	vlt.f32 v13, $-3.000000000e+00;
	vm3 =	vgt.f32 v13, $5.000000000e+00;
	[tilespmem:s31+$0xFFFFFF20] =	vst v10;
	v7 =	vmovc v13;
	s31 =	smov.u32 s1  }
0x267: {  	v10 =	vmul.f32 $1.125000000e+00, v6;
	vm4 =	vlt.f32 v6, $-3.000000000e+00;
	v8 =	vmax.f32 v8, $0.0e+00;
	v13 =	vld [tilespmem:s2+$0x10]  }
0x268: {  	v16 =	vmul.f32 $1.125000000e+00, v5;
	v18 =	vadd.f32 $3.375000000e+00, v9;
	v9 =	vmul.f32 $1.125000000e+00, v17;
	v14 =	vld [tilespmem:s2+$0x50]  }
0x269: {  	v8 =	vmin.f32 v8, $8.999999040e+00;
	v10 =	vadd.f32 $3.375000000e+00, v10;
	v27 =	vmul.f32 $1.125000000e+00, v4  }
0x26a: {  	v19 =	vmul.f32 $1.125000000e+00, v15;
	v9 =	vadd.f32 $3.375000000e+00, v9;
	v20 =	vmul.f32 $1.125000000e+00, v12  }
0x26b: {  	vm6 =	vgt.f32 v15, $5.000000000e+00;
	v16 =	vadd.f32 $3.375000000e+00, v16;
	v21 =	vmul.f32 $1.125000000e+00, v11  }
0x26c: {  	v22 =	vmax.f32 v10, $0.0e+00;
	v10 =	vmul.f32 $1.125000000e+00, v13;
	v9 =	vmax.f32 v9, $0.0e+00  }
0x26d: {  	v19 =	vadd.f32 $3.375000000e+00, v19;
	v28 =	vadd.f32 $3.375000000e+00, v20;
	v20 =	vmul.f32 $1.125000000e+00, v14  }
0x26e: {  	v23 =	vadd.f32 $3.375000000e+00, v21;
	v26 =	vmin.f32 v9, $8.999999040e+00;
	v10 =	vadd.f32 $3.375000000e+00, v10  }
0x26f: {  	v9 =	vmax.f32 v16, $0.0e+00;
	v21 =	vtrunc.f32 v26;
	v16 =	vld [tilespmem:s2+$0x40];
	v20 =	vadd.f32 $3.375000000e+00, v20  }
0x270: {  	v24 =	vmax.f32 v19, $0.0e+00;
	vm7 =	vlt.f32 v14, $-3.000000000e+00;
	v29 =	vcvt.f32.s32 v21;
	v25 =	vld [tilespmem:s2+$0xFFFFFF50]  }
0x271: {  	vm8 =	vgt.f32 v14, $5.000000000e+00;
	v10 =	vmax.f32 v10, $0.0e+00;
	v19 =	vld [tilespmem:s2+$0xFFFFFF60];
	v20 =	vmax.f32 v20, $0.0e+00  }
0x272: {  	v30 =	vmin.f32 v24, $8.999999040e+00;
	vm8 =	vmor vm7, vm8;
	v31 =	vmin.f32 v20, $8.999999040e+00;
	v24 =	vld [tilespmem:s2+$0x60]  }
0x273: {  	v21 =	vmin.f32 v10, $8.999999040e+00;
	v20 =	vtrunc.f32 v30;
	v32 =	vtrunc.f32 v31;
	v10 =	vld [tilespmem:s2+$0x70]  }
0x274: {  	v9 =	vmin.f32 v9, $8.999999040e+00;
	v23 =	vmax.f32 v23, $0.0e+00;
	v32 =	vcvt.f32.s32 v32  }
0x275: {  	v33 =	vcvt.f32.s32 v20;
	v20 =	vmul.f32 $1.125000000e+00, v25;
	vm7 =	vlt.f32 v25, $-3.000000000e+00  }
0x276: {  	v35 =	vmul.f32 $1.125000000e+00, v16;
	vm9 =	vgt.f32 v25, $5.000000000e+00;
	v34 =	vmul.f32 $1.125000000e+00, v19  }
0x277: {  	vm7 =	vmor vm7, vm9;
	v36 =	vadd.f32 $3.375000000e+00, v20;
	v37 =	vmul.f32 $1.125000000e+00, v24  }
0x278: {  	v20 =	vmin.f32 v23, $8.999999040e+00;
	v34 =	vadd.f32 $3.375000000e+00, v34;
	v23 =	vmul.f32 $1.125000000e+00, v10  }
0x279: {  	v35 =	vadd.f32 $3.375000000e+00, v35;
	v36 =	vmax.f32 v36, $0.0e+00;
	v38 =	vld.idx.msk [tilespmem:v29+s25+$0x0], $0xffff;
	v37 =	vadd.f32 $3.375000000e+00, v37  }
0x27a: {  	v36 =	vmin.f32 v36, $8.999999040e+00;
	v34 =	vmax.f32 v34, $0.0e+00;
	v39 =	vld.idx.msk [tilespmem:v32+s24+$0x0], $0xffff;
	v23 =	vadd.f32 $3.375000000e+00, v23  }
0x27b: {  	v35 =	vmax.f32 v35, $0.0e+00;
	v40 =	vtrunc.f32 v36;
	v32 =	vld.idx.msk [tilespmem:v32+s25+$0x0], $0xffff;
	v37 =	vmax.f32 v37, $0.0e+00  }
0x27c: {  	v35 =	vmin.f32 v35, $8.999999040e+00;
	v34 =	vmin.f32 v34, $8.999999040e+00;
	v37 =	vmin.f32 v37, $8.999999040e+00  }
0x27d: {  	v40 =	vcvt.f32.s32 v40;
	v23 =	vmax.f32 v23, $0.0e+00;
	v41 =	vtrunc.f32 v37  }
0x27e: {  	v22 =	vmin.f32 v22, $8.999999040e+00;
	v43 =	vtrunc.f32 v34;
	v42 =	vld.idx.msk [tilespmem:v33+s25+$0x0], $0xffff;
	v41 =	vcvt.f32.s32 v41  }
0x27f: {  	v44 =	vtrunc.f32 v35;
	v38 =	vmul.f32 v26, v38;
	v26 =	vmin.f32 v23, $8.999999040e+00  }
0x280: {  	v18 =	vmax.f32 v18, $0.0e+00;
	v43 =	vcvt.f32.s32 v43;
	v45 =	vtrunc.f32 v26;
	v29 =	vld.idx.msk [tilespmem:v29+s24+$0x0], $0xffff  }
0x281: {  	v46 =	vtrunc.f32 v22;
	v44 =	vcvt.f32.s32 v44;
	v23 =	vmin.f32 v18, $8.999999040e+00  }
0x282: {  	v46 =	vcvt.f32.s32 v46;
	v18 =	vadd.f32 $3.375000000e+00, v27;
	v27 =	vld.idx.msk [tilespmem:v33+s24+$0x0], $0xffff;
	v33 =	vcvt.f32.s32 v45  }
0x283: {  	v28 =	vmax.f32 v28, $0.0e+00;
	v47 =	vtrunc.f32 v21;
	v31 =	vmul.f32 v31, v32;
	v45 =	vld.idx.msk [tilespmem:v40+s25+$0x0], $0xffff  }
0x284: {  	vm9 =	vlt.f32 v15, $-3.000000000e+00;
	v32 =	vtrunc.f32 v9;
	v30 =	vmul.f32 v30, v42;
	v40 =	vld.idx.msk [tilespmem:v40+s24+$0x0], $0xffff  }
0x285: {  	v47 =	vcvt.f32.s32 v47;
	v31 =	vadd.f32 v31, v39;
	v42 =	vtrunc.f32 v20;
	v39 =	vld.idx.msk [tilespmem:v41+s24+$0x0], $0xffff  }
0x286: {  	vm6 =	vmor vm9, vm6;
	v32 =	vcvt.f32.s32 v32;
	v29 =	vadd.f32 v38, v29;
	v48 =	vld.idx.msk [tilespmem:v43+s24+$0x0], $0xffff  }
0x287: {  	v28 =	vmin.f32 v28, $8.999999040e+00;
	v14 =	vsel vm8, v14, v31;
	v38 =	vcvt.f32.s32 v42;
	v31 =	vld.idx.msk [tilespmem:v41+s25+$0x0], $0xffff  }
0x288: {  	v41 =	vtrunc.f32 v23;
	v17 =	vsel vm5, v17, v29;
	v29 =	vtrunc.f32 v28;
	[tilespmem:s1+$0x50] =	vst v14;
	v42 =	vld.idx.msk [tilespmem:v33+s24+$0x0], $0xffff  }
0x289: {  	v14 =	vmax.f32 v18, $0.0e+00;
	v41 =	vcvt.f32.s32 v41;
	v29 =	vcvt.f32.s32 v29;
	[tilespmem:s1+$0x20] =	vst v17;
	v49 =	vld.idx.msk [tilespmem:v44+s25+$0x0], $0xffff  }
0x28a: {  	v18 =	vadd.f32 v30, v27;
	v27 =	vmul.f32 v36, v45;
	v14 =	vmin.f32 v14, $8.999999040e+00;
	v17 =	vld.idx.msk [tilespmem:v46+s24+$0x0], $0xffff  }
0x28b: {  	vm5 =	vlt.f32 v24, $-3.000000000e+00;
	v30 =	vtrunc.f32 v8;
	v36 =	vtrunc.f32 v14;
	v45 =	vld.idx.msk [tilespmem:v47+s24+$0x0], $0xffff  }
0x28c: {  	v15 =	vsel vm6, v15, v18;
	v27 =	vadd.f32 v27, v40;
	v36 =	vcvt.f32.s32 v36;
	v40 =	vld.idx.msk [tilespmem:v43+s25+$0x0], $0xffff  }
0x28d: {  	v30 =	vcvt.f32.s32 v30;
	vm6 =	vgt.f32 v24, $5.000000000e+00;
	v31 =	vmul.f32 v37, v31;
	[tilespmem:s1+$0xFFFFFF40] =	vst v15;
	v15 =	vld.idx.msk [tilespmem:v47+s25+$0x0], $0xffff  }
0x28e: {  	vm5 =	vmor vm5, vm6;
	v25 =	vsel vm7, v25, v27;
	vm7 =	vlt.f32 v16, $-3.000000000e+00;
	v18 =	vld.idx.msk [tilespmem:v32+s24+$0x0], $0xffff  }
0x28f: {  	vm8 =	vgt.f32 v19, $5.000000000e+00;
	vm6 =	vlt.f32 v19, $-3.000000000e+00;
	v27 =	vadd.f32 v31, v39;
	[tilespmem:s1+$0xFFFFFF50] =	vst v25;
	v25 =	vld.idx.msk [tilespmem:v29+s24+$0x0], $0xffff  }
0x290: {  	vm9 =	vmor vm6, vm8;
	vm6 =	vlt.f32 v13, $-3.000000000e+00;
	vm8 =	vgt.f32 v13, $5.000000000e+00;
	v31 =	vld.idx.msk [tilespmem:v44+s24+$0x0], $0xffff  }
0x291: {  	vm8 =	vmor vm6, vm8;
	vm6 =	vlt.f32 v12, $-3.000000000e+00;
	v24 =	vsel vm5, v24, v27;
	v27 =	vld.idx.msk [tilespmem:v33+s25+$0x0], $0xffff  }
0x292: {  	vm5 =	vgt.f32 v12, $5.000000000e+00;
	v33 =	vmul.f32 v34, v40;
	v34 =	vmul.f32 v35, v49;
	v29 =	vld.idx.msk [tilespmem:v29+s25+$0x0], $0xffff;
	[tilespmem:s1+$0x60] =	vst v24  }
0x293: {  	vm10 =	vlt.f32 v11, $-3.000000000e+00;
	vm5 =	vmor vm6, vm5;
	v15 =	vmul.f32 v21, v15;
	v24 =	vld.idx.msk [tilespmem:v38+s24+$0x0], $0xffff  }
0x294: {  	vm11 =	vgt.f32 v6, $5.000000000e+00;
	vm6 =	vgt.f32 v11, $5.000000000e+00;
	v21 =	vadd.f32 v33, v48;
	v33 =	vld.idx.msk [tilespmem:v38+s25+$0x0], $0xffff  }
0x295: {  	vm6 =	vmor vm10, vm6;
	vm10 =	vgt.f32 v16, $5.000000000e+00;
	v15 =	vadd.f32 v15, v45;
	v35 =	vld.idx.msk [tilespmem:v41+s25+$0x0], $0xffff  }
0x296: {  	vm4 =	vmor vm4, vm11;
	vm7 =	vmor vm7, vm10;
	v21 =	vsel vm9, v19, v21;
	v37 =	vld.idx.msk [tilespmem:v46+s25+$0x0], $0xffff  }
0x297: {  	vm9 =	vlt.f32 v5, $-3.000000000e+00;
	v15 =	vsel vm8, v13, v15;
	v19 =	vld.idx.msk [tilespmem:v30+s24+$0x0], $0xffff;
	[tilespmem:s1+$0xFFFFFF60] =	vst v21;
	v21 =	vadd.f32 v34, v31  }
0x298: {  	vm3 =	vmor vm2, vm3;
	vm8 =	vgt.f32 v5, $5.000000000e+00;
	v28 =	vmul.f32 v28, v29;
	v13 =	vld.idx.msk [tilespmem:v32+s25+$0x0], $0xffff;
	[tilespmem:s1+$0x10] =	vst v15  }
0x299: {  	v26 =	vmul.f32 v26, v27;
	vm2 =	vmor vm9, vm8;
	v15 =	vld.idx.msk [tilespmem:v30+s25+$0x0], $0xffff;
	v21 =	vsel vm7, v16, v21  }
.Ltmp11:
0x29a: {  	vm7 =	vlt.f32 v4, $-3.000000000e+00;
	v27 =	vmul.f32 v20, v33;
	v25 =	vadd.f32 v28, v25;
	v16 =	vld.idx.msk [tilespmem:v36+s25+$0x0], $0xffff;
	[tilespmem:s1+$0x40] =	vst v21;
	(pc) =	sbr.rel @p0 .LBB2_24-.Ltmp11, $4  }
0x29b: {  	vm8 =	vgt.f32 v4, $5.000000000e+00;
	v21 =	vadd.f32 v26, v42;
	v20 =	vld.idx.msk [tilespmem:v41+s24+$0x0], $0xffff  }
0x29c: {  	v22 =	vmul.f32 v22, v37;
	v24 =	vadd.f32 v27, v24;
	v25 =	vsel vm5, v12, v25  }
0x29d: {  	vm5 =	vmor vm7, vm8;
	vm7 =	vlt.f32 v10, $-3.000000000e+00;
	vm8 =	vgt.f32 v10, $5.000000000e+00;
	v12 =	vld.idx.msk [tilespmem:v36+s24+$0x0], $0xffff;
	[tilespmem:s1+$0x30] =	vst v25  }
0x29e: {  	s2 =	sadd.s32 $0x200, s2;
	v24 =	vsel vm6, v11, v24;
	v11 =	vmul.f32 v23, v35;
	vm6 =	vmor vm7, vm8  }
0x29f: {  	v17 =	vadd.f32 v22, v17;
	v10 =	vsel vm6, v10, v21;
	v8 =	vmul.f32 v8, v15  }
0x2a0: {  	[tilespmem:s31+$0xFFFFFF70] =	vst v24;
	v9 =	vmul.f32 v9, v13;
	v61 =	vmul.f32 v14, v16;
	v11 =	vadd.f32 v11, v20  }
0x2a1: {  	vm15 =	vgt.f32 v3, $5.000000000e+00;
	[tilespmem:s31+$0x70] =	vst v10;
	v6 =	vsel vm4, v6, v17;
	v8 =	vadd.f32 v8, v19  }
0x2a2: {  	vm1 =	vmor vm1, vm15;
	v62 =	vadd.f32 v9, v18;
	[tilespmem:s31+$0xFFFFFF00] =	vst v6;
	v7 =	vsel vm3, v7, v11  }
0x2a3: {  	v63 =	vadd.f32 v61, v12;
	v3 =	vsel vm1, v3, v8;
	[tilespmem:s31+$0x0] =	vst v7  }
0x2a4: {  	v5 =	vsel vm2, v5, v62;
	[tilespmem:s31+$0xFFFFFF10] =	vst v3  }
0x2a5: {  	s0 =	simm.s32 $0x8280;
	v3 =	vsel vm5, v4, v63;
	[tilespmem:s31+$0xFFFFFF30] =	vst v5  }
0x2a6: {  	s1 =	simm.s32 $0x10;
	s2 =	simm.s32 $0x8380;
	[tilespmem:s31+$0xFFFFFF20] =	vst v3;
	s31 =	sadd.s32 $0x0, s12  }
.LBB2_26:
0x2a7: {  	[hbm4b:s31+s3] =	stream.linear.scatter [tilespmem:s0], [sflag:$0x4], $0x80, $0x38;
	[tilespmem:$0x10200] =	vst v63  }
0x2a8: {  	s31 =	smov.u32 s1;
	s0 =	smov.u32 s2;
	p0 =	sne.s32 s1, $0x7F0  }
.Ltmp12:
0x2a9: {  	s1 =	sadd.s32 $0x10, s1;
	(pc) =	sbr.rel @p0 .LBB2_26-.Ltmp12, $2  }
0x2aa: {  	_ =	sdelay $0x2  }
0x2ab: {  	s2 =	sadd.s32 $0x100, s2;
	s31 =	sadd.s32 s31, s12  }
0x2ac: {  	[hbm4b:s31+s3] =	stream.linear.scatter [tilespmem:s0], [sflag:$0x4], $0x80, $0x38;
	[tilespmem:$0x10200] =	vst v63  }
0x2ad: {  	s0 =	simm.s32 $0x280  }
0x2ae: {  	s1 =	simm.s32 $0x10;
	s31 =	sadd.s32 $0x0, s13;
	s2 =	simm.s32 $0x380  }
.LBB2_28:
0x2af: {  	[tilespmem:s0], [sflag:$0x2] =	stream.linear.gather [hbm4b:s31+s3], $0x80, $0x38;
	[tilespmem:$0x10200] =	vst v63  }
0x2b0: {  	s31 =	smov.u32 s1;
	s0 =	smov.u32 s2;
	p0 =	sne.s32 s1, $0x7F0  }
.Ltmp13:
0x2b1: {  	s1 =	sadd.s32 $0x10, s1;
	(pc) =	sbr.rel @p0 .LBB2_28-.Ltmp13, $2  }
0x2b2: {  	_ =	sdelay $0x2  }
0x2b3: {  	s2 =	sadd.s32 $0x100, s2;
	s31 =	sadd.s32 s31, s13  }
0x2b4: {  	[tilespmem:s0], [sflag:$0x2] =	stream.linear.gather [hbm4b:s31+s3], $0x80, $0x38;
	[tilespmem:$0x10200] =	vst v63  }
0x2b5: {  	_ =	swait.ge [sflag:s23], $0x4000  }
0x2b6: {  	[sflag:s23] =	ssyncset.done $0x0  }
0x2b7: {  	[sflag:s23] =	ssyncadd.s32 $0xFFFFC000  }
0x2b8: {  	_ =	swait.ge [sflag:s28], $0x4000  }
0x2b9: {  	[sflag:s28] =	ssyncset.done $0x0  }
0x2ba: {  	s2 =	simm.s32 $0x300;
	[sflag:s28] =	ssyncadd.s32 $0xFFFFC000  }
0x2bb: {  	v3 =	vld [tilespmem:s2+$0xFFFFFF10]  }
0x2bc: {  	v14 =	vld [tilespmem:s2+$0x20]  }
0x2bd: {  	v16 =	vld [tilespmem:s2+$0xFFFFFF40]  }
0x2be: {  	v7 =	vld [tilespmem:s2+$0x0]  }
0x2bf: {  	v6 =	vld [tilespmem:s2+$0xFFFFFF00]  }
0x2c0: {  	v5 =	vld [tilespmem:s2+$0xFFFFFF30]  }
0x2c1: {  	v4 =	vld [tilespmem:s2+$0xFFFFFF20]  }
0x2c2: {  	v12 =	vld [tilespmem:s2+$0x30]  }
0x2c3: {  	v11 =	vld [tilespmem:s2+$0xFFFFFF70]  }
0x2c4: {  	v18 =	vld [tilespmem:s2+$0x50]  }
0x2c5: {  	v27 =	vld [tilespmem:s2+$0xFFFFFF50];
	v8 =	vmul.f32 $1.125000000e+00, v3;
	vm2 =	vlt.f32 v14, $-3.000000000e+00  }
0x2c6: {  	v30 =	vld [tilespmem:s2+$0x60];
	vm3 =	vgt.f32 v14, $5.000000000e+00;
	v9 =	vmul.f32 $1.125000000e+00, v7;
	v10 =	vmul.f32 $1.125000000e+00, v6  }
0x2c7: {  	vm1 =	vlt.f32 v3, $-3.000000000e+00;
	v15 =	vmul.f32 $1.125000000e+00, v5;
	v17 =	vmul.f32 $1.125000000e+00, v14  }
0x2c8: {  	vm4 =	vlt.f32 v6, $-3.000000000e+00;
	v22 =	vmul.f32 $1.125000000e+00, v4;
	v19 =	vmul.f32 $1.125000000e+00, v12  }
0x2c9: {  	vm6 =	vgt.f32 v16, $5.000000000e+00;
	v24 =	vmul.f32 $1.125000000e+00, v18;
	vm7 =	vlt.f32 v18, $-3.000000000e+00  }
0x2ca: {  	vm8 =	vgt.f32 v18, $5.000000000e+00;
	v57 =	vmul.f32 $1.125000000e+00, v27;
	vm9 =	vgt.f32 v27, $5.000000000e+00  }
0x2cb: {  	v36 =	vmul.f32 $1.125000000e+00, v30;
	vm12 =	vlt.f32 v16, $-3.000000000e+00;
	vm10 =	vlt.f32 v11, $-3.000000000e+00  }
0x2cc: {  	vm11 =	vgt.f32 v6, $5.000000000e+00;
	vm15 =	vlt.f32 v5, $-3.000000000e+00;
	vm5 =	vmor vm2, vm3  }
0x2cd: {  	vm2 =	vlt.f32 v7, $-3.000000000e+00;
	vm3 =	vgt.f32 v7, $5.000000000e+00;
	vm8 =	vmor vm7, vm8  }
0x2ce: {  	vm7 =	vlt.f32 v27, $-3.000000000e+00;
	vm6 =	vmor vm12, vm6;
	v8 =	vadd.f32 $3.375000000e+00, v8  }
0x2cf: {  	v13 =	vld [tilespmem:s2+$0x10];
	vm4 =	vmor vm4, vm11;
	v21 =	vadd.f32 $3.375000000e+00, v9;
	v9 =	vadd.f32 $3.375000000e+00, v10  }
0x2d0: {  	v10 =	vmul.f32 $1.125000000e+00, v16;
	v17 =	vadd.f32 $3.375000000e+00, v17;
	v20 =	vadd.f32 $3.375000000e+00, v15  }
0x2d1: {  	v15 =	vmul.f32 $1.125000000e+00, v11;
	v25 =	vadd.f32 $3.375000000e+00, v19;
	v24 =	vadd.f32 $3.375000000e+00, v24  }
0x2d2: {  	vm7 =	vmor vm7, vm9;
	v36 =	vadd.f32 $3.375000000e+00, v36;
	v22 =	vadd.f32 $3.375000000e+00, v22  }
0x2d3: {  	vm3 =	vmor vm2, vm3;
	v8 =	vmax.f32 v8, $0.0e+00;
	v23 =	vmax.f32 v9, $0.0e+00  }
0x2d4: {  	v9 =	vmul.f32 $1.125000000e+00, v13;
	v17 =	vmax.f32 v17, $0.0e+00;
	v10 =	vadd.f32 $3.375000000e+00, v10  }
0x2d5: {  	v26 =	vadd.f32 $3.375000000e+00, v15;
	v20 =	vmax.f32 v20, $0.0e+00;
	v24 =	vmax.f32 v24, $0.0e+00  }
0x2d6: {  	v36 =	vmax.f32 v36, $0.0e+00;
	v21 =	vmax.f32 v21, $0.0e+00;
	v25 =	vmax.f32 v25, $0.0e+00  }
0x2d7: {  	v8 =	vmin.f32 v8, $8.999999040e+00;
	v17 =	vmin.f32 v17, $8.999999040e+00;
	v24 =	vmin.f32 v24, $8.999999040e+00  }
0x2d8: {  	v36 =	vmin.f32 v36, $8.999999040e+00;
	v23 =	vmin.f32 v23, $8.999999040e+00;
	v19 =	vtrunc.f32 v17  }
0x2d9: {  	v15 =	vld [tilespmem:s2+$0x40];
	v9 =	vadd.f32 $3.375000000e+00, v9;
	v32 =	vtrunc.f32 v24;
	v40 =	vtrunc.f32 v36  }
0x2da: {  	v10 =	vmax.f32 v10, $0.0e+00;
	v28 =	vcvt.f32.s32 v19;
	v19 =	vld [tilespmem:s2+$0xFFFFFF60];
	v32 =	vcvt.f32.s32 v32  }
0x2db: {  	v45 =	vtrunc.f32 v23;
	v29 =	vmin.f32 v10, $8.999999040e+00;
	v9 =	vmax.f32 v9, $0.0e+00  }
0x2dc: {  	v31 =	vtrunc.f32 v29;
	v33 =	vmin.f32 v9, $8.999999040e+00;
	v9 =	vmin.f32 v20, $8.999999040e+00  }
0x2dd: {  	v10 =	vld [tilespmem:s2+$0x70];
	v20 =	vmax.f32 v26, $0.0e+00;
	v26 =	vcvt.f32.s32 v31;
	v31 =	vadd.f32 $3.375000000e+00, v57  }
0x2de: {  	v46 =	vmin.f32 v21, $8.999999040e+00;
	v40 =	vcvt.f32.s32 v40;
	v35 =	vmul.f32 $1.125000000e+00, v15  }
0x2df: {  	v21 =	vcvt.f32.s32 v45;
	v31 =	vmax.f32 v31, $0.0e+00;
	v34 =	vmul.f32 $1.125000000e+00, v19  }
0x2e0: {  	v59 =	vtrunc.f32 v33;
	v35 =	vadd.f32 $3.375000000e+00, v35;
	v31 =	vmin.f32 v31, $8.999999040e+00;
	v41 =	vld.idx.msk [tilespmem:v32+s25+$0x0], $0xffff  }
0x2e1: {  	v45 =	vcvt.f32.s32 v59;
	v38 =	vld.idx.msk [tilespmem:v28+s25+$0x0], $0xffff;
	v39 =	vtrunc.f32 v31;
	v34 =	vadd.f32 $3.375000000e+00, v34  }
0x2e2: {  	v37 =	vmul.f32 $1.125000000e+00, v10;
	v35 =	vmax.f32 v35, $0.0e+00;
	v32 =	vld.idx.msk [tilespmem:v32+s24+$0x0], $0xffff;
	v39 =	vcvt.f32.s32 v39  }
0x2e3: {  	v25 =	vmin.f32 v25, $8.999999040e+00;
	v28 =	vld.idx.msk [tilespmem:v28+s24+$0x0], $0xffff;
	v35 =	vmin.f32 v35, $8.999999040e+00;
	v34 =	vmax.f32 v34, $0.0e+00  }
0x2e4: {  	v37 =	vadd.f32 $3.375000000e+00, v37;
	v43 =	vld.idx.msk [tilespmem:v26+s25+$0x0], $0xffff;
	v58 =	vtrunc.f32 v35;
	v34 =	vmin.f32 v34, $8.999999040e+00  }
0x2e5: {  	v20 =	vmin.f32 v20, $8.999999040e+00;
	v62 =	vld.idx.msk [tilespmem:v40+s24+$0x0], $0xffff;
	v42 =	vtrunc.f32 v34;
	v24 =	vmul.f32 v24, v41  }
0x2e6: {  	v26 =	vld.idx.msk [tilespmem:v26+s24+$0x0], $0xffff;
	v37 =	vmax.f32 v37, $0.0e+00;
	v17 =	vmul.f32 v17, v38;
	v38 =	vcvt.f32.s32 v58  }
0x2e7: {  	v37 =	vmin.f32 v37, $8.999999040e+00;
	v58 =	vld.idx.msk [tilespmem:v45+s25+$0x0], $0xffff;
	v42 =	vcvt.f32.s32 v42;
	v24 =	vadd.f32 v24, v32  }
0x2e8: {  	v61 =	vtrunc.f32 v20;
	v44 =	vtrunc.f32 v37;
	v60 =	vld.idx.msk [tilespmem:v39+s25+$0x0], $0xffff;
	v17 =	vadd.f32 v17, v28  }
0x2e9: {  	v44 =	vcvt.f32.s32 v44;
	v29 =	vmul.f32 v29, v43;
	v39 =	vld.idx.msk [tilespmem:v39+s24+$0x0], $0xffff;
	v24 =	vsel vm8, v18, v24  }
0x2ea: {  	v18 =	vld.idx.msk [tilespmem:v40+s25+$0x0], $0xffff;
	v52 =	vsel vm5, v14, v17;
	v14 =	vtrunc.f32 v25;
	v17 =	vmax.f32 v22, $0.0e+00  }
0x2eb: {  	v43 =	vcvt.f32.s32 v61;
	v54 =	vcvt.f32.s32 v14;
	v14 =	vmin.f32 v17, $8.999999040e+00;
	v17 =	vld.idx.msk [tilespmem:v21+s24+$0x0], $0xffff  }
0x2ec: {  	v63 =	vtrunc.f32 v46;
	v56 =	vtrunc.f32 v8;
	v26 =	vadd.f32 v29, v26;
	v49 =	vld.idx.msk [tilespmem:v38+s25+$0x0], $0xffff  }
0x2ed: {  	v57 =	vcvt.f32.s32 v56;
	vm13 =	vlt.f32 v15, $-3.000000000e+00;
	vm14 =	vgt.f32 v15, $5.000000000e+00;
	v48 =	vld.idx.msk [tilespmem:v42+s24+$0x0], $0xffff  }
0x2ee: {  	v47 =	vtrunc.f32 v9;
	v16 =	vsel vm6, v16, v26;
	v22 =	vmul.f32 v31, v60;
	v26 =	vld.idx.msk [tilespmem:v42+s25+$0x0], $0xffff  }
0x2ef: {  	s31 =	simm.s32 $0x8300;
	v32 =	vcvt.f32.s32 v47;
	v40 =	vcvt.f32.s32 v63;
	vm5 =	vlt.f32 v30, $-3.000000000e+00;
	v60 =	vld.idx.msk [tilespmem:v38+s24+$0x0], $0xffff  }
0x2f0: {  	vm8 =	vgt.f32 v13, $5.000000000e+00;
	[tilespmem:s31+$0x50] =	vst v24;
	vm6 =	vgt.f32 v30, $5.000000000e+00;
	v24 =	vld.idx.msk [tilespmem:v44+s25+$0x0], $0xffff;
	v22 =	vadd.f32 v22, v39  }
0x2f1: {  	v33 =	vmul.f32 v33, v58;
	vm5 =	vmor vm5, vm6;
	v63 =	vld.idx.msk [tilespmem:v43+s24+$0x0], $0xffff;
	v18 =	vmul.f32 v36, v18  }
0x2f2: {  	vm6 =	vlt.f32 v19, $-3.000000000e+00;
	v22 =	vsel vm7, v27, v22;
	v27 =	vld.idx.msk [tilespmem:v45+s24+$0x0], $0xffff;
	vm7 =	vgt.f32 v19, $5.000000000e+00  }
0x2f3: {  	v28 =	vadd.f32 v18, v62;
	v61 =	vld.idx.msk [tilespmem:v54+s25+$0x0], $0xffff;
	vm7 =	vmor vm6, vm7;
	vm6 =	vlt.f32 v13, $-3.000000000e+00  }
0x2f4: {  	v55 =	vtrunc.f32 v14;
	v62 =	vld.idx.msk [tilespmem:v43+s25+$0x0], $0xffff;
	v26 =	vmul.f32 v34, v26;
	vm8 =	vmor vm6, vm8  }
0x2f5: {  	[tilespmem:s31+$0xFFFFFF50] =	vst v22;
	v22 =	vld.idx.msk [tilespmem:v21+s25+$0x0], $0xffff;
	v28 =	vsel vm5, v30, v28;
	vm5 =	vlt.f32 v12, $-3.000000000e+00;
	vm6 =	vgt.f32 v12, $5.000000000e+00  }
0x2f6: {  	v59 =	vld.idx.msk [tilespmem:v54+s24+$0x0], $0xffff;
	vm5 =	vmor vm5, vm6;
	v26 =	vadd.f32 v26, v48;
	vm6 =	vgt.f32 v11, $5.000000000e+00  }
0x2f7: {  	v53 =	vld.idx.msk [tilespmem:v44+s24+$0x0], $0xffff;
	v29 =	vcvt.f32.s32 v55;
	[tilespmem:s31+$0xFFFFFF40] =	vst v16;
	v35 =	vmul.f32 v35, v49;
	vm6 =	vmor vm10, vm6  }
0x2f8: {  	v18 =	vld.idx.msk [tilespmem:v32+s24+$0x0], $0xffff;
	v27 =	vadd.f32 v33, v27;
	v16 =	vsel vm7, v19, v26;
	v25 =	vmul.f32 v25, v61  }
0x2f9: {  	vm7 =	vmor vm13, vm14;
	v26 =	vld.idx.msk [tilespmem:v40+s25+$0x0], $0xffff;
	v20 =	vmul.f32 v20, v62;
	[tilespmem:s31+$0xFFFFFF60] =	vst v16;
	v16 =	vmul.f32 v37, v24  }
0x2fa: {  	v22 =	vmul.f32 v23, v22;
	v21 =	vsel vm8, v13, v27;
	v27 =	vadd.f32 v35, v60;
	v13 =	vld.idx.msk [tilespmem:v32+s25+$0x0], $0xffff  }
0x2fb: {  	[tilespmem:s31+$0x20] =	vst v52;
	vm8 =	vgt.f32 v5, $5.000000000e+00;
	v25 =	vadd.f32 v25, v59;
	v23 =	vadd.f32 v20, v63;
	v20 =	vld.idx.msk [tilespmem:v40+s24+$0x0], $0xffff  }
0x2fc: {  	[tilespmem:s31+$0x60] =	vst v28;
	vm2 =	vmor vm15, vm8;
	vm8 =	vgt.f32 v4, $5.000000000e+00;
	v24 =	vsel vm7, v15, v27;
	v15 =	vld.idx.msk [tilespmem:v57+s25+$0x0], $0xffff  }
0x2fd: {  	[tilespmem:s31+$0x10] =	vst v21;
	v21 =	vadd.f32 v16, v53;
	v16 =	vld.idx.msk [tilespmem:v29+s25+$0x0], $0xffff;
	vm7 =	vlt.f32 v4, $-3.000000000e+00;
	v25 =	vsel vm5, v12, v25  }
0x2fe: {  	v19 =	vld.idx.msk [tilespmem:v57+s24+$0x0], $0xffff;
	[tilespmem:s31+$0x40] =	vst v24;
	vm5 =	vmor vm7, vm8;
	vm7 =	vlt.f32 v10, $-3.000000000e+00;
	vm8 =	vgt.f32 v10, $5.000000000e+00  }
0x2ff: {  	s0 =	simm.s32 $0x0;
	s1 =	simm.s32 $0x8300;
	s2 =	simm.s32 $0x500;
	v12 =	vld.idx.msk [tilespmem:v29+s24+$0x0], $0xffff;
	[tilespmem:s31+$0x30] =	vst v25;
	v24 =	vsel vm6, v11, v23;
	v11 =	vmul.f32 v46, v26;
	vm6 =	vmor vm7, vm8  }
.LBB2_30:
0x300: {  	v23 =	vld [tilespmem:s2+$0xFFFFFF10];
	s0 =	sadd.s32 $0x100, s0;
	v22 =	vadd.f32 v22, v17;
	[tilespmem:s31+$0xFFFFFF70] =	vst v24;
	v10 =	vsel vm6, v10, v21;
	s1 =	sadd.s32 $0x200, s1  }
0x301: {  	v8 =	vmul.f32 v8, v15;
	v9 =	vmul.f32 v9, v13;
	v17 =	vld [tilespmem:s2+$0x20];
	p0 =	slt.u32 s0, $0x3F00;
	[tilespmem:s31+$0x70] =	vst v10  }
0x302: {  	v10 =	vmul.f32 v14, v16;
	v11 =	vadd.f32 v11, v20;
	v15 =	vld [tilespmem:s2+$0xFFFFFF40];
	v6 =	vsel vm4, v6, v22  }
0x303: {  	v8 =	vadd.f32 v8, v19;
	vm4 =	vgt.f32 v3, $5.000000000e+00;
	v9 =	vadd.f32 v9, v18;
	v13 =	vld [tilespmem:s2+$0x0];
	[tilespmem:s31+$0xFFFFFF00] =	vst v6  }
0x304: {  	vm1 =	vmor vm1, vm4;
	v10 =	vadd.f32 v10, v12;
	v7 =	vsel vm3, v7, v11;
	v6 =	vld [tilespmem:s2+$0xFFFFFF00]  }
0x305: {  	v8 =	vsel vm1, v3, v8;
	v9 =	vsel vm2, v5, v9;
	v11 =	vmul.f32 $1.125000000e+00, v23;
	v5 =	vld [tilespmem:s2+$0xFFFFFF30];
	[tilespmem:s31+$0x0] =	vst v7;
	v3 =	vmovc v23  }
0x306: {  	v10 =	vsel vm5, v4, v10;
	vm2 =	vlt.f32 v17, $-3.000000000e+00;
	vm3 =	vgt.f32 v17, $5.000000000e+00;
	[tilespmem:s31+$0xFFFFFF10] =	vst v8;
	v4 =	vld [tilespmem:s2+$0xFFFFFF20]  }
0x307: {  	vm1 =	vlt.f32 v3, $-3.000000000e+00;
	v8 =	vadd.f32 $3.375000000e+00, v11;
	vm5 =	vmor vm2, vm3;
	v12 =	vld [tilespmem:s2+$0x30];
	[tilespmem:s31+$0xFFFFFF30] =	vst v9  }
0x308: {  	v11 =	vld [tilespmem:s2+$0xFFFFFF70];
	v9 =	vmul.f32 $1.125000000e+00, v13;
	vm2 =	vlt.f32 v13, $-3.000000000e+00;
	vm3 =	vgt.f32 v13, $5.000000000e+00;
	[tilespmem:s31+$0xFFFFFF20] =	vst v10;
	v7 =	vmovc v13;
	s31 =	smov.u32 s1  }
0x309: {  	v10 =	vmul.f32 $1.125000000e+00, v6;
	vm4 =	vlt.f32 v6, $-3.000000000e+00;
	v8 =	vmax.f32 v8, $0.0e+00;
	v13 =	vld [tilespmem:s2+$0x10]  }
0x30a: {  	v16 =	vmul.f32 $1.125000000e+00, v5;
	v18 =	vadd.f32 $3.375000000e+00, v9;
	v9 =	vmul.f32 $1.125000000e+00, v17;
	v14 =	vld [tilespmem:s2+$0x50]  }
0x30b: {  	v8 =	vmin.f32 v8, $8.999999040e+00;
	v10 =	vadd.f32 $3.375000000e+00, v10;
	v27 =	vmul.f32 $1.125000000e+00, v4  }
0x30c: {  	v19 =	vmul.f32 $1.125000000e+00, v15;
	v9 =	vadd.f32 $3.375000000e+00, v9;
	v20 =	vmul.f32 $1.125000000e+00, v12  }
0x30d: {  	vm6 =	vgt.f32 v15, $5.000000000e+00;
	v16 =	vadd.f32 $3.375000000e+00, v16;
	v21 =	vmul.f32 $1.125000000e+00, v11  }
0x30e: {  	v22 =	vmax.f32 v10, $0.0e+00;
	v10 =	vmul.f32 $1.125000000e+00, v13;
	v9 =	vmax.f32 v9, $0.0e+00  }
0x30f: {  	v19 =	vadd.f32 $3.375000000e+00, v19;
	v28 =	vadd.f32 $3.375000000e+00, v20;
	v20 =	vmul.f32 $1.125000000e+00, v14  }
0x310: {  	v23 =	vadd.f32 $3.375000000e+00, v21;
	v26 =	vmin.f32 v9, $8.999999040e+00;
	v10 =	vadd.f32 $3.375000000e+00, v10  }
0x311: {  	v9 =	vmax.f32 v16, $0.0e+00;
	v21 =	vtrunc.f32 v26;
	v16 =	vld [tilespmem:s2+$0x40];
	v20 =	vadd.f32 $3.375000000e+00, v20  }
0x312: {  	v24 =	vmax.f32 v19, $0.0e+00;
	vm7 =	vlt.f32 v14, $-3.000000000e+00;
	v29 =	vcvt.f32.s32 v21;
	v25 =	vld [tilespmem:s2+$0xFFFFFF50]  }
0x313: {  	vm8 =	vgt.f32 v14, $5.000000000e+00;
	v10 =	vmax.f32 v10, $0.0e+00;
	v19 =	vld [tilespmem:s2+$0xFFFFFF60];
	v20 =	vmax.f32 v20, $0.0e+00  }
0x314: {  	v30 =	vmin.f32 v24, $8.999999040e+00;
	vm8 =	vmor vm7, vm8;
	v31 =	vmin.f32 v20, $8.999999040e+00;
	v24 =	vld [tilespmem:s2+$0x60]  }
0x315: {  	v21 =	vmin.f32 v10, $8.999999040e+00;
	v20 =	vtrunc.f32 v30;
	v32 =	vtrunc.f32 v31;
	v10 =	vld [tilespmem:s2+$0x70]  }
0x316: {  	v9 =	vmin.f32 v9, $8.999999040e+00;
	v23 =	vmax.f32 v23, $0.0e+00;
	v32 =	vcvt.f32.s32 v32  }
0x317: {  	v33 =	vcvt.f32.s32 v20;
	v20 =	vmul.f32 $1.125000000e+00, v25;
	vm7 =	vlt.f32 v25, $-3.000000000e+00  }
0x318: {  	v35 =	vmul.f32 $1.125000000e+00, v16;
	vm9 =	vgt.f32 v25, $5.000000000e+00;
	v34 =	vmul.f32 $1.125000000e+00, v19  }
0x319: {  	vm7 =	vmor vm7, vm9;
	v36 =	vadd.f32 $3.375000000e+00, v20;
	v37 =	vmul.f32 $1.125000000e+00, v24  }
0x31a: {  	v20 =	vmin.f32 v23, $8.999999040e+00;
	v34 =	vadd.f32 $3.375000000e+00, v34;
	v23 =	vmul.f32 $1.125000000e+00, v10  }
0x31b: {  	v35 =	vadd.f32 $3.375000000e+00, v35;
	v36 =	vmax.f32 v36, $0.0e+00;
	v38 =	vld.idx.msk [tilespmem:v29+s25+$0x0], $0xffff;
	v37 =	vadd.f32 $3.375000000e+00, v37  }
0x31c: {  	v36 =	vmin.f32 v36, $8.999999040e+00;
	v34 =	vmax.f32 v34, $0.0e+00;
	v39 =	vld.idx.msk [tilespmem:v32+s24+$0x0], $0xffff;
	v23 =	vadd.f32 $3.375000000e+00, v23  }
0x31d: {  	v35 =	vmax.f32 v35, $0.0e+00;
	v40 =	vtrunc.f32 v36;
	v32 =	vld.idx.msk [tilespmem:v32+s25+$0x0], $0xffff;
	v37 =	vmax.f32 v37, $0.0e+00  }
0x31e: {  	v35 =	vmin.f32 v35, $8.999999040e+00;
	v34 =	vmin.f32 v34, $8.999999040e+00;
	v37 =	vmin.f32 v37, $8.999999040e+00  }
0x31f: {  	v40 =	vcvt.f32.s32 v40;
	v23 =	vmax.f32 v23, $0.0e+00;
	v41 =	vtrunc.f32 v37  }
0x320: {  	v22 =	vmin.f32 v22, $8.999999040e+00;
	v43 =	vtrunc.f32 v34;
	v42 =	vld.idx.msk [tilespmem:v33+s25+$0x0], $0xffff;
	v41 =	vcvt.f32.s32 v41  }
0x321: {  	v44 =	vtrunc.f32 v35;
	v38 =	vmul.f32 v26, v38;
	v26 =	vmin.f32 v23, $8.999999040e+00  }
0x322: {  	v18 =	vmax.f32 v18, $0.0e+00;
	v43 =	vcvt.f32.s32 v43;
	v45 =	vtrunc.f32 v26;
	v29 =	vld.idx.msk [tilespmem:v29+s24+$0x0], $0xffff  }
0x323: {  	v46 =	vtrunc.f32 v22;
	v44 =	vcvt.f32.s32 v44;
	v23 =	vmin.f32 v18, $8.999999040e+00  }
0x324: {  	v46 =	vcvt.f32.s32 v46;
	v18 =	vadd.f32 $3.375000000e+00, v27;
	v27 =	vld.idx.msk [tilespmem:v33+s24+$0x0], $0xffff;
	v33 =	vcvt.f32.s32 v45  }
0x325: {  	v28 =	vmax.f32 v28, $0.0e+00;
	v47 =	vtrunc.f32 v21;
	v31 =	vmul.f32 v31, v32;
	v45 =	vld.idx.msk [tilespmem:v40+s25+$0x0], $0xffff  }
0x326: {  	vm9 =	vlt.f32 v15, $-3.000000000e+00;
	v32 =	vtrunc.f32 v9;
	v30 =	vmul.f32 v30, v42;
	v40 =	vld.idx.msk [tilespmem:v40+s24+$0x0], $0xffff  }
0x327: {  	v47 =	vcvt.f32.s32 v47;
	v31 =	vadd.f32 v31, v39;
	v42 =	vtrunc.f32 v20;
	v39 =	vld.idx.msk [tilespmem:v41+s24+$0x0], $0xffff  }
0x328: {  	vm6 =	vmor vm9, vm6;
	v32 =	vcvt.f32.s32 v32;
	v29 =	vadd.f32 v38, v29;
	v48 =	vld.idx.msk [tilespmem:v43+s24+$0x0], $0xffff  }
0x329: {  	v28 =	vmin.f32 v28, $8.999999040e+00;
	v14 =	vsel vm8, v14, v31;
	v38 =	vcvt.f32.s32 v42;
	v31 =	vld.idx.msk [tilespmem:v41+s25+$0x0], $0xffff  }
0x32a: {  	v41 =	vtrunc.f32 v23;
	v17 =	vsel vm5, v17, v29;
	v29 =	vtrunc.f32 v28;
	[tilespmem:s1+$0x50] =	vst v14;
	v42 =	vld.idx.msk [tilespmem:v33+s24+$0x0], $0xffff  }
0x32b: {  	v14 =	vmax.f32 v18, $0.0e+00;
	v41 =	vcvt.f32.s32 v41;
	v29 =	vcvt.f32.s32 v29;
	[tilespmem:s1+$0x20] =	vst v17;
	v49 =	vld.idx.msk [tilespmem:v44+s25+$0x0], $0xffff  }
0x32c: {  	v18 =	vadd.f32 v30, v27;
	v27 =	vmul.f32 v36, v45;
	v14 =	vmin.f32 v14, $8.999999040e+00;
	v17 =	vld.idx.msk [tilespmem:v46+s24+$0x0], $0xffff  }
0x32d: {  	vm5 =	vlt.f32 v24, $-3.000000000e+00;
	v30 =	vtrunc.f32 v8;
	v36 =	vtrunc.f32 v14;
	v45 =	vld.idx.msk [tilespmem:v47+s24+$0x0], $0xffff  }
0x32e: {  	v15 =	vsel vm6, v15, v18;
	v27 =	vadd.f32 v27, v40;
	v36 =	vcvt.f32.s32 v36;
	v40 =	vld.idx.msk [tilespmem:v43+s25+$0x0], $0xffff  }
0x32f: {  	v30 =	vcvt.f32.s32 v30;
	vm6 =	vgt.f32 v24, $5.000000000e+00;
	v31 =	vmul.f32 v37, v31;
	[tilespmem:s1+$0xFFFFFF40] =	vst v15;
	v15 =	vld.idx.msk [tilespmem:v47+s25+$0x0], $0xffff  }
0x330: {  	vm5 =	vmor vm5, vm6;
	v25 =	vsel vm7, v25, v27;
	vm7 =	vlt.f32 v16, $-3.000000000e+00;
	v18 =	vld.idx.msk [tilespmem:v32+s24+$0x0], $0xffff  }
0x331: {  	vm8 =	vgt.f32 v19, $5.000000000e+00;
	vm6 =	vlt.f32 v19, $-3.000000000e+00;
	v27 =	vadd.f32 v31, v39;
	[tilespmem:s1+$0xFFFFFF50] =	vst v25;
	v25 =	vld.idx.msk [tilespmem:v29+s24+$0x0], $0xffff  }
0x332: {  	vm9 =	vmor vm6, vm8;
	vm6 =	vlt.f32 v13, $-3.000000000e+00;
	vm8 =	vgt.f32 v13, $5.000000000e+00;
	v31 =	vld.idx.msk [tilespmem:v44+s24+$0x0], $0xffff  }
0x333: {  	vm8 =	vmor vm6, vm8;
	vm6 =	vlt.f32 v12, $-3.000000000e+00;
	v24 =	vsel vm5, v24, v27;
	v27 =	vld.idx.msk [tilespmem:v33+s25+$0x0], $0xffff  }
0x334: {  	vm5 =	vgt.f32 v12, $5.000000000e+00;
	v33 =	vmul.f32 v34, v40;
	v34 =	vmul.f32 v35, v49;
	v29 =	vld.idx.msk [tilespmem:v29+s25+$0x0], $0xffff;
	[tilespmem:s1+$0x60] =	vst v24  }
0x335: {  	vm10 =	vlt.f32 v11, $-3.000000000e+00;
	vm5 =	vmor vm6, vm5;
	v15 =	vmul.f32 v21, v15;
	v24 =	vld.idx.msk [tilespmem:v38+s24+$0x0], $0xffff  }
0x336: {  	vm11 =	vgt.f32 v6, $5.000000000e+00;
	vm6 =	vgt.f32 v11, $5.000000000e+00;
	v21 =	vadd.f32 v33, v48;
	v33 =	vld.idx.msk [tilespmem:v38+s25+$0x0], $0xffff  }
0x337: {  	vm6 =	vmor vm10, vm6;
	vm10 =	vgt.f32 v16, $5.000000000e+00;
	v15 =	vadd.f32 v15, v45;
	v35 =	vld.idx.msk [tilespmem:v41+s25+$0x0], $0xffff  }
0x338: {  	vm4 =	vmor vm4, vm11;
	vm7 =	vmor vm7, vm10;
	v21 =	vsel vm9, v19, v21;
	v37 =	vld.idx.msk [tilespmem:v46+s25+$0x0], $0xffff  }
0x339: {  	vm9 =	vlt.f32 v5, $-3.000000000e+00;
	v15 =	vsel vm8, v13, v15;
	v19 =	vld.idx.msk [tilespmem:v30+s24+$0x0], $0xffff;
	[tilespmem:s1+$0xFFFFFF60] =	vst v21;
	v21 =	vadd.f32 v34, v31  }
0x33a: {  	vm3 =	vmor vm2, vm3;
	vm8 =	vgt.f32 v5, $5.000000000e+00;
	v28 =	vmul.f32 v28, v29;
	v13 =	vld.idx.msk [tilespmem:v32+s25+$0x0], $0xffff;
	[tilespmem:s1+$0x10] =	vst v15  }
0x33b: {  	v26 =	vmul.f32 v26, v27;
	vm2 =	vmor vm9, vm8;
	v15 =	vld.idx.msk [tilespmem:v30+s25+$0x0], $0xffff;
	v21 =	vsel vm7, v16, v21  }
.Ltmp14:
0x33c: {  	vm7 =	vlt.f32 v4, $-3.000000000e+00;
	v27 =	vmul.f32 v20, v33;
	v25 =	vadd.f32 v28, v25;
	v16 =	vld.idx.msk [tilespmem:v36+s25+$0x0], $0xffff;
	[tilespmem:s1+$0x40] =	vst v21;
	(pc) =	sbr.rel @p0 .LBB2_30-.Ltmp14, $4  }
0x33d: {  	vm8 =	vgt.f32 v4, $5.000000000e+00;
	v21 =	vadd.f32 v26, v42;
	v20 =	vld.idx.msk [tilespmem:v41+s24+$0x0], $0xffff  }
0x33e: {  	v22 =	vmul.f32 v22, v37;
	v24 =	vadd.f32 v27, v24;
	v25 =	vsel vm5, v12, v25  }
0x33f: {  	vm5 =	vmor vm7, vm8;
	vm7 =	vlt.f32 v10, $-3.000000000e+00;
	vm8 =	vgt.f32 v10, $5.000000000e+00;
	v12 =	vld.idx.msk [tilespmem:v36+s24+$0x0], $0xffff;
	[tilespmem:s1+$0x30] =	vst v25  }
0x340: {  	s2 =	sadd.s32 $0x200, s2;
	v24 =	vsel vm6, v11, v24;
	v11 =	vmul.f32 v23, v35;
	vm6 =	vmor vm7, vm8  }
0x341: {  	v17 =	vadd.f32 v22, v17;
	v10 =	vsel vm6, v10, v21;
	v8 =	vmul.f32 v8, v15  }
0x342: {  	[tilespmem:s31+$0xFFFFFF70] =	vst v24;
	v9 =	vmul.f32 v9, v13;
	v61 =	vmul.f32 v14, v16;
	v11 =	vadd.f32 v11, v20  }
0x343: {  	vm15 =	vgt.f32 v3, $5.000000000e+00;
	[tilespmem:s31+$0x70] =	vst v10;
	v6 =	vsel vm4, v6, v17;
	v8 =	vadd.f32 v8, v19  }
0x344: {  	vm1 =	vmor vm1, vm15;
	v62 =	vadd.f32 v9, v18;
	[tilespmem:s31+$0xFFFFFF00] =	vst v6;
	v7 =	vsel vm3, v7, v11  }
0x345: {  	v63 =	vadd.f32 v61, v12;
	v3 =	vsel vm1, v3, v8;
	[tilespmem:s31+$0x0] =	vst v7  }
0x346: {  	v5 =	vsel vm2, v5, v62;
	[tilespmem:s31+$0xFFFFFF10] =	vst v3  }
0x347: {  	s0 =	simm.s32 $0x8200;
	v3 =	vsel vm5, v4, v63;
	[tilespmem:s31+$0xFFFFFF30] =	vst v5  }
0x348: {  	s1 =	simm.s32 $0x10;
	s2 =	simm.s32 $0x8300;
	[tilespmem:s31+$0xFFFFFF20] =	vst v3;
	s31 =	sadd.s32 $0x0, s14  }
.LBB2_32:
0x349: {  	[hbm4b:s31+s3] =	stream.linear.scatter [tilespmem:s0], [sflag:$0x3], $0x80, $0x38;
	[tilespmem:$0x10200] =	vst v63  }
0x34a: {  	s31 =	smov.u32 s1;
	s0 =	smov.u32 s2;
	p0 =	sne.s32 s1, $0x7F0  }
.Ltmp15:
0x34b: {  	s1 =	sadd.s32 $0x10, s1;
	(pc) =	sbr.rel @p0 .LBB2_32-.Ltmp15, $2  }
0x34c: {  	_ =	sdelay $0x2  }
0x34d: {  	s2 =	sadd.s32 $0x100, s2;
	s31 =	sadd.s32 s31, s14  }
0x34e: {  	[hbm4b:s31+s3] =	stream.linear.scatter [tilespmem:s0], [sflag:$0x3], $0x80, $0x38;
	[tilespmem:$0x10200] =	vst v63  }
0x34f: {  	s0 =	simm.s32 $0x200  }
0x350: {  	s1 =	simm.s32 $0x10;
	s31 =	sadd.s32 $0x0, s15;
	s2 =	simm.s32 $0x300  }
.LBB2_34:
0x351: {  	[tilespmem:s0], [sflag:$0x1] =	stream.linear.gather [hbm4b:s31+s3], $0x80, $0x38;
	[tilespmem:$0x10200] =	vst v63  }
0x352: {  	s31 =	smov.u32 s1;
	s0 =	smov.u32 s2;
	p0 =	sne.s32 s1, $0x7F0  }
.Ltmp16:
0x353: {  	s1 =	sadd.s32 $0x10, s1;
	(pc) =	sbr.rel @p0 .LBB2_34-.Ltmp16, $2  }
0x354: {  	_ =	sdelay $0x2  }
0x355: {  	s2 =	sadd.s32 $0x100, s2;
	s31 =	sadd.s32 s31, s15  }
0x356: {  	[tilespmem:s0], [sflag:$0x1] =	stream.linear.gather [hbm4b:s31+s3], $0x80, $0x38;
	[tilespmem:$0x10200] =	vst v63  }
0x357: {  	_ =	swait.ge [sflag:s26], $0x4000  }
0x358: {  	[sflag:s26] =	ssyncset.done $0x0  }
0x359: {  	[sflag:s26] =	ssyncadd.s32 $0xFFFFC000  }
0x35a: {  	_ =	swait.ge [sflag:s29], $0x4000  }
0x35b: {  	[sflag:s29] =	ssyncset.done $0x0  }
0x35c: {  	s2 =	simm.s32 $0x380;
	[sflag:s29] =	ssyncadd.s32 $0xFFFFC000  }
0x35d: {  	v3 =	vld [tilespmem:s2+$0xFFFFFF10]  }
0x35e: {  	v14 =	vld [tilespmem:s2+$0x20]  }
0x35f: {  	v16 =	vld [tilespmem:s2+$0xFFFFFF40]  }
0x360: {  	v7 =	vld [tilespmem:s2+$0x0]  }
0x361: {  	v6 =	vld [tilespmem:s2+$0xFFFFFF00]  }
0x362: {  	v5 =	vld [tilespmem:s2+$0xFFFFFF30]  }
0x363: {  	v4 =	vld [tilespmem:s2+$0xFFFFFF20]  }
0x364: {  	v12 =	vld [tilespmem:s2+$0x30]  }
0x365: {  	v11 =	vld [tilespmem:s2+$0xFFFFFF70]  }
0x366: {  	v18 =	vld [tilespmem:s2+$0x50]  }
0x367: {  	v27 =	vld [tilespmem:s2+$0xFFFFFF50];
	v8 =	vmul.f32 $1.125000000e+00, v3;
	vm2 =	vlt.f32 v14, $-3.000000000e+00  }
0x368: {  	v30 =	vld [tilespmem:s2+$0x60];
	vm3 =	vgt.f32 v14, $5.000000000e+00;
	v9 =	vmul.f32 $1.125000000e+00, v7;
	v10 =	vmul.f32 $1.125000000e+00, v6  }
0x369: {  	vm1 =	vlt.f32 v3, $-3.000000000e+00;
	v15 =	vmul.f32 $1.125000000e+00, v5;
	v17 =	vmul.f32 $1.125000000e+00, v14  }
0x36a: {  	vm4 =	vlt.f32 v6, $-3.000000000e+00;
	v22 =	vmul.f32 $1.125000000e+00, v4;
	v19 =	vmul.f32 $1.125000000e+00, v12  }
0x36b: {  	vm6 =	vgt.f32 v16, $5.000000000e+00;
	v24 =	vmul.f32 $1.125000000e+00, v18;
	vm7 =	vlt.f32 v18, $-3.000000000e+00  }
0x36c: {  	vm8 =	vgt.f32 v18, $5.000000000e+00;
	v57 =	vmul.f32 $1.125000000e+00, v27;
	vm9 =	vgt.f32 v27, $5.000000000e+00  }
0x36d: {  	v36 =	vmul.f32 $1.125000000e+00, v30;
	vm12 =	vlt.f32 v16, $-3.000000000e+00;
	vm10 =	vlt.f32 v11, $-3.000000000e+00  }
0x36e: {  	vm11 =	vgt.f32 v6, $5.000000000e+00;
	vm15 =	vlt.f32 v5, $-3.000000000e+00;
	vm5 =	vmor vm2, vm3  }
0x36f: {  	vm2 =	vlt.f32 v7, $-3.000000000e+00;
	vm3 =	vgt.f32 v7, $5.000000000e+00;
	vm8 =	vmor vm7, vm8  }
0x370: {  	vm7 =	vlt.f32 v27, $-3.000000000e+00;
	vm6 =	vmor vm12, vm6;
	v8 =	vadd.f32 $3.375000000e+00, v8  }
0x371: {  	v13 =	vld [tilespmem:s2+$0x10];
	vm4 =	vmor vm4, vm11;
	v21 =	vadd.f32 $3.375000000e+00, v9;
	v9 =	vadd.f32 $3.375000000e+00, v10  }
0x372: {  	v10 =	vmul.f32 $1.125000000e+00, v16;
	v17 =	vadd.f32 $3.375000000e+00, v17;
	v20 =	vadd.f32 $3.375000000e+00, v15  }
0x373: {  	v15 =	vmul.f32 $1.125000000e+00, v11;
	v25 =	vadd.f32 $3.375000000e+00, v19;
	v24 =	vadd.f32 $3.375000000e+00, v24  }
0x374: {  	vm7 =	vmor vm7, vm9;
	v36 =	vadd.f32 $3.375000000e+00, v36;
	v22 =	vadd.f32 $3.375000000e+00, v22  }
0x375: {  	vm3 =	vmor vm2, vm3;
	v8 =	vmax.f32 v8, $0.0e+00;
	v23 =	vmax.f32 v9, $0.0e+00  }
0x376: {  	v9 =	vmul.f32 $1.125000000e+00, v13;
	v17 =	vmax.f32 v17, $0.0e+00;
	v10 =	vadd.f32 $3.375000000e+00, v10  }
0x377: {  	v26 =	vadd.f32 $3.375000000e+00, v15;
	v20 =	vmax.f32 v20, $0.0e+00;
	v24 =	vmax.f32 v24, $0.0e+00  }
0x378: {  	v36 =	vmax.f32 v36, $0.0e+00;
	v21 =	vmax.f32 v21, $0.0e+00;
	v25 =	vmax.f32 v25, $0.0e+00  }
0x379: {  	v8 =	vmin.f32 v8, $8.999999040e+00;
	v17 =	vmin.f32 v17, $8.999999040e+00;
	v24 =	vmin.f32 v24, $8.999999040e+00  }
0x37a: {  	v36 =	vmin.f32 v36, $8.999999040e+00;
	v23 =	vmin.f32 v23, $8.999999040e+00;
	v19 =	vtrunc.f32 v17  }
0x37b: {  	v15 =	vld [tilespmem:s2+$0x40];
	v9 =	vadd.f32 $3.375000000e+00, v9;
	v32 =	vtrunc.f32 v24;
	v40 =	vtrunc.f32 v36  }
0x37c: {  	v10 =	vmax.f32 v10, $0.0e+00;
	v28 =	vcvt.f32.s32 v19;
	v19 =	vld [tilespmem:s2+$0xFFFFFF60];
	v32 =	vcvt.f32.s32 v32  }
0x37d: {  	v45 =	vtrunc.f32 v23;
	v29 =	vmin.f32 v10, $8.999999040e+00;
	v9 =	vmax.f32 v9, $0.0e+00  }
0x37e: {  	v31 =	vtrunc.f32 v29;
	v33 =	vmin.f32 v9, $8.999999040e+00;
	v9 =	vmin.f32 v20, $8.999999040e+00  }
0x37f: {  	v10 =	vld [tilespmem:s2+$0x70];
	v20 =	vmax.f32 v26, $0.0e+00;
	v26 =	vcvt.f32.s32 v31;
	v31 =	vadd.f32 $3.375000000e+00, v57  }
0x380: {  	v46 =	vmin.f32 v21, $8.999999040e+00;
	v40 =	vcvt.f32.s32 v40;
	v35 =	vmul.f32 $1.125000000e+00, v15  }
0x381: {  	v21 =	vcvt.f32.s32 v45;
	v31 =	vmax.f32 v31, $0.0e+00;
	v34 =	vmul.f32 $1.125000000e+00, v19  }
0x382: {  	v59 =	vtrunc.f32 v33;
	v35 =	vadd.f32 $3.375000000e+00, v35;
	v31 =	vmin.f32 v31, $8.999999040e+00;
	v41 =	vld.idx.msk [tilespmem:v32+s25+$0x0], $0xffff  }
0x383: {  	v45 =	vcvt.f32.s32 v59;
	v38 =	vld.idx.msk [tilespmem:v28+s25+$0x0], $0xffff;
	v39 =	vtrunc.f32 v31;
	v34 =	vadd.f32 $3.375000000e+00, v34  }
0x384: {  	v37 =	vmul.f32 $1.125000000e+00, v10;
	v35 =	vmax.f32 v35, $0.0e+00;
	v32 =	vld.idx.msk [tilespmem:v32+s24+$0x0], $0xffff;
	v39 =	vcvt.f32.s32 v39  }
0x385: {  	v25 =	vmin.f32 v25, $8.999999040e+00;
	v28 =	vld.idx.msk [tilespmem:v28+s24+$0x0], $0xffff;
	v35 =	vmin.f32 v35, $8.999999040e+00;
	v34 =	vmax.f32 v34, $0.0e+00  }
0x386: {  	v37 =	vadd.f32 $3.375000000e+00, v37;
	v43 =	vld.idx.msk [tilespmem:v26+s25+$0x0], $0xffff;
	v58 =	vtrunc.f32 v35;
	v34 =	vmin.f32 v34, $8.999999040e+00  }
0x387: {  	v20 =	vmin.f32 v20, $8.999999040e+00;
	v62 =	vld.idx.msk [tilespmem:v40+s24+$0x0], $0xffff;
	v42 =	vtrunc.f32 v34;
	v24 =	vmul.f32 v24, v41  }
0x388: {  	v26 =	vld.idx.msk [tilespmem:v26+s24+$0x0], $0xffff;
	v37 =	vmax.f32 v37, $0.0e+00;
	v17 =	vmul.f32 v17, v38;
	v38 =	vcvt.f32.s32 v58  }
0x389: {  	v37 =	vmin.f32 v37, $8.999999040e+00;
	v58 =	vld.idx.msk [tilespmem:v45+s25+$0x0], $0xffff;
	v42 =	vcvt.f32.s32 v42;
	v24 =	vadd.f32 v24, v32  }
0x38a: {  	v61 =	vtrunc.f32 v20;
	v44 =	vtrunc.f32 v37;
	v60 =	vld.idx.msk [tilespmem:v39+s25+$0x0], $0xffff;
	v17 =	vadd.f32 v17, v28  }
0x38b: {  	v44 =	vcvt.f32.s32 v44;
	v29 =	vmul.f32 v29, v43;
	v39 =	vld.idx.msk [tilespmem:v39+s24+$0x0], $0xffff;
	v24 =	vsel vm8, v18, v24  }
0x38c: {  	v18 =	vld.idx.msk [tilespmem:v40+s25+$0x0], $0xffff;
	v52 =	vsel vm5, v14, v17;
	v14 =	vtrunc.f32 v25;
	v17 =	vmax.f32 v22, $0.0e+00  }
0x38d: {  	v43 =	vcvt.f32.s32 v61;
	v54 =	vcvt.f32.s32 v14;
	v14 =	vmin.f32 v17, $8.999999040e+00;
	v17 =	vld.idx.msk [tilespmem:v21+s24+$0x0], $0xffff  }
0x38e: {  	v63 =	vtrunc.f32 v46;
	v56 =	vtrunc.f32 v8;
	v26 =	vadd.f32 v29, v26;
	v49 =	vld.idx.msk [tilespmem:v38+s25+$0x0], $0xffff  }
0x38f: {  	v57 =	vcvt.f32.s32 v56;
	vm13 =	vlt.f32 v15, $-3.000000000e+00;
	vm14 =	vgt.f32 v15, $5.000000000e+00;
	v48 =	vld.idx.msk [tilespmem:v42+s24+$0x0], $0xffff  }
0x390: {  	v47 =	vtrunc.f32 v9;
	v16 =	vsel vm6, v16, v26;
	v22 =	vmul.f32 v31, v60;
	v26 =	vld.idx.msk [tilespmem:v42+s25+$0x0], $0xffff  }
0x391: {  	s31 =	simm.s32 $0x8380;
	v32 =	vcvt.f32.s32 v47;
	v40 =	vcvt.f32.s32 v63;
	vm5 =	vlt.f32 v30, $-3.000000000e+00;
	v60 =	vld.idx.msk [tilespmem:v38+s24+$0x0], $0xffff  }
0x392: {  	vm8 =	vgt.f32 v13, $5.000000000e+00;
	[tilespmem:s31+$0x50] =	vst v24;
	vm6 =	vgt.f32 v30, $5.000000000e+00;
	v24 =	vld.idx.msk [tilespmem:v44+s25+$0x0], $0xffff;
	v22 =	vadd.f32 v22, v39  }
0x393: {  	v33 =	vmul.f32 v33, v58;
	vm5 =	vmor vm5, vm6;
	v63 =	vld.idx.msk [tilespmem:v43+s24+$0x0], $0xffff;
	v18 =	vmul.f32 v36, v18  }
0x394: {  	vm6 =	vlt.f32 v19, $-3.000000000e+00;
	v22 =	vsel vm7, v27, v22;
	v27 =	vld.idx.msk [tilespmem:v45+s24+$0x0], $0xffff;
	vm7 =	vgt.f32 v19, $5.000000000e+00  }
0x395: {  	v28 =	vadd.f32 v18, v62;
	v61 =	vld.idx.msk [tilespmem:v54+s25+$0x0], $0xffff;
	vm7 =	vmor vm6, vm7;
	vm6 =	vlt.f32 v13, $-3.000000000e+00  }
0x396: {  	v55 =	vtrunc.f32 v14;
	v62 =	vld.idx.msk [tilespmem:v43+s25+$0x0], $0xffff;
	v26 =	vmul.f32 v34, v26;
	vm8 =	vmor vm6, vm8  }
0x397: {  	[tilespmem:s31+$0xFFFFFF50] =	vst v22;
	v22 =	vld.idx.msk [tilespmem:v21+s25+$0x0], $0xffff;
	v28 =	vsel vm5, v30, v28;
	vm5 =	vlt.f32 v12, $-3.000000000e+00;
	vm6 =	vgt.f32 v12, $5.000000000e+00  }
0x398: {  	v59 =	vld.idx.msk [tilespmem:v54+s24+$0x0], $0xffff;
	vm5 =	vmor vm5, vm6;
	v26 =	vadd.f32 v26, v48;
	vm6 =	vgt.f32 v11, $5.000000000e+00  }
0x399: {  	v53 =	vld.idx.msk [tilespmem:v44+s24+$0x0], $0xffff;
	v29 =	vcvt.f32.s32 v55;
	[tilespmem:s31+$0xFFFFFF40] =	vst v16;
	v35 =	vmul.f32 v35, v49;
	vm6 =	vmor vm10, vm6  }
0x39a: {  	v18 =	vld.idx.msk [tilespmem:v32+s24+$0x0], $0xffff;
	v27 =	vadd.f32 v33, v27;
	v16 =	vsel vm7, v19, v26;
	v25 =	vmul.f32 v25, v61  }
0x39b: {  	vm7 =	vmor vm13, vm14;
	v26 =	vld.idx.msk [tilespmem:v40+s25+$0x0], $0xffff;
	v20 =	vmul.f32 v20, v62;
	[tilespmem:s31+$0xFFFFFF60] =	vst v16;
	v16 =	vmul.f32 v37, v24  }
0x39c: {  	v22 =	vmul.f32 v23, v22;
	v21 =	vsel vm8, v13, v27;
	v27 =	vadd.f32 v35, v60;
	v13 =	vld.idx.msk [tilespmem:v32+s25+$0x0], $0xffff  }
0x39d: {  	[tilespmem:s31+$0x20] =	vst v52;
	vm8 =	vgt.f32 v5, $5.000000000e+00;
	v25 =	vadd.f32 v25, v59;
	v23 =	vadd.f32 v20, v63;
	v20 =	vld.idx.msk [tilespmem:v40+s24+$0x0], $0xffff  }
0x39e: {  	[tilespmem:s31+$0x60] =	vst v28;
	vm2 =	vmor vm15, vm8;
	vm8 =	vgt.f32 v4, $5.000000000e+00;
	v24 =	vsel vm7, v15, v27;
	v15 =	vld.idx.msk [tilespmem:v57+s25+$0x0], $0xffff  }
0x39f: {  	[tilespmem:s31+$0x10] =	vst v21;
	v21 =	vadd.f32 v16, v53;
	v16 =	vld.idx.msk [tilespmem:v29+s25+$0x0], $0xffff;
	vm7 =	vlt.f32 v4, $-3.000000000e+00;
	v25 =	vsel vm5, v12, v25  }
0x3a0: {  	v19 =	vld.idx.msk [tilespmem:v57+s24+$0x0], $0xffff;
	[tilespmem:s31+$0x40] =	vst v24;
	vm5 =	vmor vm7, vm8;
	vm7 =	vlt.f32 v10, $-3.000000000e+00;
	vm8 =	vgt.f32 v10, $5.000000000e+00  }
0x3a1: {  	s0 =	simm.s32 $0x0;
	s1 =	simm.s32 $0x8380;
	s2 =	simm.s32 $0x580;
	v12 =	vld.idx.msk [tilespmem:v29+s24+$0x0], $0xffff;
	[tilespmem:s31+$0x30] =	vst v25;
	v24 =	vsel vm6, v11, v23;
	v11 =	vmul.f32 v46, v26;
	vm6 =	vmor vm7, vm8  }
.LBB2_36:
0x3a2: {  	v23 =	vld [tilespmem:s2+$0xFFFFFF10];
	s0 =	sadd.s32 $0x100, s0;
	v22 =	vadd.f32 v22, v17;
	[tilespmem:s31+$0xFFFFFF70] =	vst v24;
	v10 =	vsel vm6, v10, v21;
	s1 =	sadd.s32 $0x200, s1  }
0x3a3: {  	v8 =	vmul.f32 v8, v15;
	v9 =	vmul.f32 v9, v13;
	v17 =	vld [tilespmem:s2+$0x20];
	p0 =	slt.u32 s0, $0x3F00;
	[tilespmem:s31+$0x70] =	vst v10  }
0x3a4: {  	v10 =	vmul.f32 v14, v16;
	v11 =	vadd.f32 v11, v20;
	v15 =	vld [tilespmem:s2+$0xFFFFFF40];
	v6 =	vsel vm4, v6, v22  }
0x3a5: {  	v8 =	vadd.f32 v8, v19;
	vm4 =	vgt.f32 v3, $5.000000000e+00;
	v9 =	vadd.f32 v9, v18;
	v13 =	vld [tilespmem:s2+$0x0];
	[tilespmem:s31+$0xFFFFFF00] =	vst v6  }
0x3a6: {  	vm1 =	vmor vm1, vm4;
	v10 =	vadd.f32 v10, v12;
	v7 =	vsel vm3, v7, v11;
	v6 =	vld [tilespmem:s2+$0xFFFFFF00]  }
0x3a7: {  	v8 =	vsel vm1, v3, v8;
	v9 =	vsel vm2, v5, v9;
	v11 =	vmul.f32 $1.125000000e+00, v23;
	v5 =	vld [tilespmem:s2+$0xFFFFFF30];
	[tilespmem:s31+$0x0] =	vst v7;
	v3 =	vmovc v23  }
0x3a8: {  	v10 =	vsel vm5, v4, v10;
	vm2 =	vlt.f32 v17, $-3.000000000e+00;
	vm3 =	vgt.f32 v17, $5.000000000e+00;
	[tilespmem:s31+$0xFFFFFF10] =	vst v8;
	v4 =	vld [tilespmem:s2+$0xFFFFFF20]  }
0x3a9: {  	vm1 =	vlt.f32 v3, $-3.000000000e+00;
	v8 =	vadd.f32 $3.375000000e+00, v11;
	vm5 =	vmor vm2, vm3;
	v12 =	vld [tilespmem:s2+$0x30];
	[tilespmem:s31+$0xFFFFFF30] =	vst v9  }
0x3aa: {  	v11 =	vld [tilespmem:s2+$0xFFFFFF70];
	v9 =	vmul.f32 $1.125000000e+00, v13;
	vm2 =	vlt.f32 v13, $-3.000000000e+00;
	vm3 =	vgt.f32 v13, $5.000000000e+00;
	[tilespmem:s31+$0xFFFFFF20] =	vst v10;
	v7 =	vmovc v13;
	s31 =	smov.u32 s1  }
0x3ab: {  	v10 =	vmul.f32 $1.125000000e+00, v6;
	vm4 =	vlt.f32 v6, $-3.000000000e+00;
	v8 =	vmax.f32 v8, $0.0e+00;
	v13 =	vld [tilespmem:s2+$0x10]  }
0x3ac: {  	v16 =	vmul.f32 $1.125000000e+00, v5;
	v18 =	vadd.f32 $3.375000000e+00, v9;
	v9 =	vmul.f32 $1.125000000e+00, v17;
	v14 =	vld [tilespmem:s2+$0x50]  }
0x3ad: {  	v8 =	vmin.f32 v8, $8.999999040e+00;
	v10 =	vadd.f32 $3.375000000e+00, v10;
	v27 =	vmul.f32 $1.125000000e+00, v4  }
0x3ae: {  	v19 =	vmul.f32 $1.125000000e+00, v15;
	v9 =	vadd.f32 $3.375000000e+00, v9;
	v20 =	vmul.f32 $1.125000000e+00, v12  }
0x3af: {  	vm6 =	vgt.f32 v15, $5.000000000e+00;
	v16 =	vadd.f32 $3.375000000e+00, v16;
	v21 =	vmul.f32 $1.125000000e+00, v11  }
0x3b0: {  	v22 =	vmax.f32 v10, $0.0e+00;
	v10 =	vmul.f32 $1.125000000e+00, v13;
	v9 =	vmax.f32 v9, $0.0e+00  }
0x3b1: {  	v19 =	vadd.f32 $3.375000000e+00, v19;
	v28 =	vadd.f32 $3.375000000e+00, v20;
	v20 =	vmul.f32 $1.125000000e+00, v14  }
0x3b2: {  	v23 =	vadd.f32 $3.375000000e+00, v21;
	v26 =	vmin.f32 v9, $8.999999040e+00;
	v10 =	vadd.f32 $3.375000000e+00, v10  }
0x3b3: {  	v9 =	vmax.f32 v16, $0.0e+00;
	v21 =	vtrunc.f32 v26;
	v16 =	vld [tilespmem:s2+$0x40];
	v20 =	vadd.f32 $3.375000000e+00, v20  }
0x3b4: {  	v24 =	vmax.f32 v19, $0.0e+00;
	vm7 =	vlt.f32 v14, $-3.000000000e+00;
	v29 =	vcvt.f32.s32 v21;
	v25 =	vld [tilespmem:s2+$0xFFFFFF50]  }
0x3b5: {  	vm8 =	vgt.f32 v14, $5.000000000e+00;
	v10 =	vmax.f32 v10, $0.0e+00;
	v19 =	vld [tilespmem:s2+$0xFFFFFF60];
	v20 =	vmax.f32 v20, $0.0e+00  }
0x3b6: {  	v30 =	vmin.f32 v24, $8.999999040e+00;
	vm8 =	vmor vm7, vm8;
	v31 =	vmin.f32 v20, $8.999999040e+00;
	v24 =	vld [tilespmem:s2+$0x60]  }
0x3b7: {  	v21 =	vmin.f32 v10, $8.999999040e+00;
	v20 =	vtrunc.f32 v30;
	v32 =	vtrunc.f32 v31;
	v10 =	vld [tilespmem:s2+$0x70]  }
0x3b8: {  	v9 =	vmin.f32 v9, $8.999999040e+00;
	v23 =	vmax.f32 v23, $0.0e+00;
	v32 =	vcvt.f32.s32 v32  }
0x3b9: {  	v33 =	vcvt.f32.s32 v20;
	v20 =	vmul.f32 $1.125000000e+00, v25;
	vm7 =	vlt.f32 v25, $-3.000000000e+00  }
0x3ba: {  	v35 =	vmul.f32 $1.125000000e+00, v16;
	vm9 =	vgt.f32 v25, $5.000000000e+00;
	v34 =	vmul.f32 $1.125000000e+00, v19  }
0x3bb: {  	vm7 =	vmor vm7, vm9;
	v36 =	vadd.f32 $3.375000000e+00, v20;
	v37 =	vmul.f32 $1.125000000e+00, v24  }
0x3bc: {  	v20 =	vmin.f32 v23, $8.999999040e+00;
	v34 =	vadd.f32 $3.375000000e+00, v34;
	v23 =	vmul.f32 $1.125000000e+00, v10  }
0x3bd: {  	v35 =	vadd.f32 $3.375000000e+00, v35;
	v36 =	vmax.f32 v36, $0.0e+00;
	v38 =	vld.idx.msk [tilespmem:v29+s25+$0x0], $0xffff;
	v37 =	vadd.f32 $3.375000000e+00, v37  }
0x3be: {  	v36 =	vmin.f32 v36, $8.999999040e+00;
	v34 =	vmax.f32 v34, $0.0e+00;
	v39 =	vld.idx.msk [tilespmem:v32+s24+$0x0], $0xffff;
	v23 =	vadd.f32 $3.375000000e+00, v23  }
0x3bf: {  	v35 =	vmax.f32 v35, $0.0e+00;
	v40 =	vtrunc.f32 v36;
	v32 =	vld.idx.msk [tilespmem:v32+s25+$0x0], $0xffff;
	v37 =	vmax.f32 v37, $0.0e+00  }
0x3c0: {  	v35 =	vmin.f32 v35, $8.999999040e+00;
	v34 =	vmin.f32 v34, $8.999999040e+00;
	v37 =	vmin.f32 v37, $8.999999040e+00  }
0x3c1: {  	v40 =	vcvt.f32.s32 v40;
	v23 =	vmax.f32 v23, $0.0e+00;
	v41 =	vtrunc.f32 v37  }
0x3c2: {  	v22 =	vmin.f32 v22, $8.999999040e+00;
	v43 =	vtrunc.f32 v34;
	v42 =	vld.idx.msk [tilespmem:v33+s25+$0x0], $0xffff;
	v41 =	vcvt.f32.s32 v41  }
0x3c3: {  	v44 =	vtrunc.f32 v35;
	v38 =	vmul.f32 v26, v38;
	v26 =	vmin.f32 v23, $8.999999040e+00  }
0x3c4: {  	v18 =	vmax.f32 v18, $0.0e+00;
	v43 =	vcvt.f32.s32 v43;
	v45 =	vtrunc.f32 v26;
	v29 =	vld.idx.msk [tilespmem:v29+s24+$0x0], $0xffff  }
0x3c5: {  	v46 =	vtrunc.f32 v22;
	v44 =	vcvt.f32.s32 v44;
	v23 =	vmin.f32 v18, $8.999999040e+00  }
0x3c6: {  	v46 =	vcvt.f32.s32 v46;
	v18 =	vadd.f32 $3.375000000e+00, v27;
	v27 =	vld.idx.msk [tilespmem:v33+s24+$0x0], $0xffff;
	v33 =	vcvt.f32.s32 v45  }
0x3c7: {  	v28 =	vmax.f32 v28, $0.0e+00;
	v47 =	vtrunc.f32 v21;
	v31 =	vmul.f32 v31, v32;
	v45 =	vld.idx.msk [tilespmem:v40+s25+$0x0], $0xffff  }
0x3c8: {  	vm9 =	vlt.f32 v15, $-3.000000000e+00;
	v32 =	vtrunc.f32 v9;
	v30 =	vmul.f32 v30, v42;
	v40 =	vld.idx.msk [tilespmem:v40+s24+$0x0], $0xffff  }
0x3c9: {  	v47 =	vcvt.f32.s32 v47;
	v31 =	vadd.f32 v31, v39;
	v42 =	vtrunc.f32 v20;
	v39 =	vld.idx.msk [tilespmem:v41+s24+$0x0], $0xffff  }
0x3ca: {  	vm6 =	vmor vm9, vm6;
	v32 =	vcvt.f32.s32 v32;
	v29 =	vadd.f32 v38, v29;
	v48 =	vld.idx.msk [tilespmem:v43+s24+$0x0], $0xffff  }
0x3cb: {  	v28 =	vmin.f32 v28, $8.999999040e+00;
	v14 =	vsel vm8, v14, v31;
	v38 =	vcvt.f32.s32 v42;
	v31 =	vld.idx.msk [tilespmem:v41+s25+$0x0], $0xffff  }
0x3cc: {  	v41 =	vtrunc.f32 v23;
	v17 =	vsel vm5, v17, v29;
	v29 =	vtrunc.f32 v28;
	[tilespmem:s1+$0x50] =	vst v14;
	v42 =	vld.idx.msk [tilespmem:v33+s24+$0x0], $0xffff  }
0x3cd: {  	v14 =	vmax.f32 v18, $0.0e+00;
	v41 =	vcvt.f32.s32 v41;
	v29 =	vcvt.f32.s32 v29;
	[tilespmem:s1+$0x20] =	vst v17;
	v49 =	vld.idx.msk [tilespmem:v44+s25+$0x0], $0xffff  }
0x3ce: {  	v18 =	vadd.f32 v30, v27;
	v27 =	vmul.f32 v36, v45;
	v14 =	vmin.f32 v14, $8.999999040e+00;
	v17 =	vld.idx.msk [tilespmem:v46+s24+$0x0], $0xffff  }
0x3cf: {  	vm5 =	vlt.f32 v24, $-3.000000000e+00;
	v30 =	vtrunc.f32 v8;
	v36 =	vtrunc.f32 v14;
	v45 =	vld.idx.msk [tilespmem:v47+s24+$0x0], $0xffff  }
0x3d0: {  	v15 =	vsel vm6, v15, v18;
	v27 =	vadd.f32 v27, v40;
	v36 =	vcvt.f32.s32 v36;
	v40 =	vld.idx.msk [tilespmem:v43+s25+$0x0], $0xffff  }
0x3d1: {  	v30 =	vcvt.f32.s32 v30;
	vm6 =	vgt.f32 v24, $5.000000000e+00;
	v31 =	vmul.f32 v37, v31;
	[tilespmem:s1+$0xFFFFFF40] =	vst v15;
	v15 =	vld.idx.msk [tilespmem:v47+s25+$0x0], $0xffff  }
0x3d2: {  	vm5 =	vmor vm5, vm6;
	v25 =	vsel vm7, v25, v27;
	vm7 =	vlt.f32 v16, $-3.000000000e+00;
	v18 =	vld.idx.msk [tilespmem:v32+s24+$0x0], $0xffff  }
0x3d3: {  	vm8 =	vgt.f32 v19, $5.000000000e+00;
	vm6 =	vlt.f32 v19, $-3.000000000e+00;
	v27 =	vadd.f32 v31, v39;
	[tilespmem:s1+$0xFFFFFF50] =	vst v25;
	v25 =	vld.idx.msk [tilespmem:v29+s24+$0x0], $0xffff  }
0x3d4: {  	vm9 =	vmor vm6, vm8;
	vm6 =	vlt.f32 v13, $-3.000000000e+00;
	vm8 =	vgt.f32 v13, $5.000000000e+00;
	v31 =	vld.idx.msk [tilespmem:v44+s24+$0x0], $0xffff  }
0x3d5: {  	vm8 =	vmor vm6, vm8;
	vm6 =	vlt.f32 v12, $-3.000000000e+00;
	v24 =	vsel vm5, v24, v27;
	v27 =	vld.idx.msk [tilespmem:v33+s25+$0x0], $0xffff  }
0x3d6: {  	vm5 =	vgt.f32 v12, $5.000000000e+00;
	v33 =	vmul.f32 v34, v40;
	v34 =	vmul.f32 v35, v49;
	v29 =	vld.idx.msk [tilespmem:v29+s25+$0x0], $0xffff;
	[tilespmem:s1+$0x60] =	vst v24  }
0x3d7: {  	vm10 =	vlt.f32 v11, $-3.000000000e+00;
	vm5 =	vmor vm6, vm5;
	v15 =	vmul.f32 v21, v15;
	v24 =	vld.idx.msk [tilespmem:v38+s24+$0x0], $0xffff  }
0x3d8: {  	vm11 =	vgt.f32 v6, $5.000000000e+00;
	vm6 =	vgt.f32 v11, $5.000000000e+00;
	v21 =	vadd.f32 v33, v48;
	v33 =	vld.idx.msk [tilespmem:v38+s25+$0x0], $0xffff  }
0x3d9: {  	vm6 =	vmor vm10, vm6;
	vm10 =	vgt.f32 v16, $5.000000000e+00;
	v15 =	vadd.f32 v15, v45;
	v35 =	vld.idx.msk [tilespmem:v41+s25+$0x0], $0xffff  }
0x3da: {  	vm4 =	vmor vm4, vm11;
	vm7 =	vmor vm7, vm10;
	v21 =	vsel vm9, v19, v21;
	v37 =	vld.idx.msk [tilespmem:v46+s25+$0x0], $0xffff  }
0x3db: {  	vm9 =	vlt.f32 v5, $-3.000000000e+00;
	v15 =	vsel vm8, v13, v15;
	v19 =	vld.idx.msk [tilespmem:v30+s24+$0x0], $0xffff;
	[tilespmem:s1+$0xFFFFFF60] =	vst v21;
	v21 =	vadd.f32 v34, v31  }
0x3dc: {  	vm3 =	vmor vm2, vm3;
	vm8 =	vgt.f32 v5, $5.000000000e+00;
	v28 =	vmul.f32 v28, v29;
	v13 =	vld.idx.msk [tilespmem:v32+s25+$0x0], $0xffff;
	[tilespmem:s1+$0x10] =	vst v15  }
0x3dd: {  	v26 =	vmul.f32 v26, v27;
	vm2 =	vmor vm9, vm8;
	v15 =	vld.idx.msk [tilespmem:v30+s25+$0x0], $0xffff;
	v21 =	vsel vm7, v16, v21  }
.Ltmp17:
0x3de: {  	vm7 =	vlt.f32 v4, $-3.000000000e+00;
	v27 =	vmul.f32 v20, v33;
	v25 =	vadd.f32 v28, v25;
	v16 =	vld.idx.msk [tilespmem:v36+s25+$0x0], $0xffff;
	[tilespmem:s1+$0x40] =	vst v21;
	(pc) =	sbr.rel @p0 .LBB2_36-.Ltmp17, $4  }
0x3df: {  	vm8 =	vgt.f32 v4, $5.000000000e+00;
	v21 =	vadd.f32 v26, v42;
	v20 =	vld.idx.msk [tilespmem:v41+s24+$0x0], $0xffff  }
0x3e0: {  	v22 =	vmul.f32 v22, v37;
	v24 =	vadd.f32 v27, v24;
	v25 =	vsel vm5, v12, v25  }
0x3e1: {  	vm5 =	vmor vm7, vm8;
	vm7 =	vlt.f32 v10, $-3.000000000e+00;
	vm8 =	vgt.f32 v10, $5.000000000e+00;
	v12 =	vld.idx.msk [tilespmem:v36+s24+$0x0], $0xffff;
	[tilespmem:s1+$0x30] =	vst v25  }
0x3e2: {  	s2 =	sadd.s32 $0x200, s2;
	v24 =	vsel vm6, v11, v24;
	v11 =	vmul.f32 v23, v35;
	vm6 =	vmor vm7, vm8  }
0x3e3: {  	v17 =	vadd.f32 v22, v17;
	v10 =	vsel vm6, v10, v21;
	v8 =	vmul.f32 v8, v15  }
0x3e4: {  	[tilespmem:s31+$0xFFFFFF70] =	vst v24;
	v9 =	vmul.f32 v9, v13;
	v61 =	vmul.f32 v14, v16;
	v11 =	vadd.f32 v11, v20  }
0x3e5: {  	vm15 =	vgt.f32 v3, $5.000000000e+00;
	[tilespmem:s31+$0x70] =	vst v10;
	v6 =	vsel vm4, v6, v17;
	v8 =	vadd.f32 v8, v19  }
0x3e6: {  	vm1 =	vmor vm1, vm15;
	v62 =	vadd.f32 v9, v18;
	[tilespmem:s31+$0xFFFFFF00] =	vst v6;
	v7 =	vsel vm3, v7, v11  }
0x3e7: {  	v63 =	vadd.f32 v61, v12;
	v3 =	vsel vm1, v3, v8;
	[tilespmem:s31+$0x0] =	vst v7  }
0x3e8: {  	v5 =	vsel vm2, v5, v62;
	[tilespmem:s31+$0xFFFFFF10] =	vst v3  }
0x3e9: {  	s0 =	simm.s32 $0x8280;
	v3 =	vsel vm5, v4, v63;
	[tilespmem:s31+$0xFFFFFF30] =	vst v5  }
0x3ea: {  	s1 =	simm.s32 $0x10;
	s2 =	simm.s32 $0x8380;
	[tilespmem:s31+$0xFFFFFF20] =	vst v3;
	s31 =	sadd.s32 $0x0, s16  }
.LBB2_38:
0x3eb: {  	[hbm4b:s31+s3] =	stream.linear.scatter [tilespmem:s0], [sflag:$0x4], $0x80, $0x38;
	[tilespmem:$0x10200] =	vst v63  }
0x3ec: {  	s31 =	smov.u32 s1;
	s0 =	smov.u32 s2;
	p0 =	sne.s32 s1, $0x7F0  }
.Ltmp18:
0x3ed: {  	s1 =	sadd.s32 $0x10, s1;
	(pc) =	sbr.rel @p0 .LBB2_38-.Ltmp18, $2  }
0x3ee: {  	_ =	sdelay $0x2  }
0x3ef: {  	s2 =	sadd.s32 $0x100, s2;
	s31 =	sadd.s32 s31, s16  }
0x3f0: {  	[hbm4b:s31+s3] =	stream.linear.scatter [tilespmem:s0], [sflag:$0x4], $0x80, $0x38;
	[tilespmem:$0x10200] =	vst v63  }
0x3f1: {  	s0 =	simm.s32 $0x280  }
0x3f2: {  	s1 =	simm.s32 $0x10;
	s31 =	sadd.s32 $0x0, s17;
	s2 =	simm.s32 $0x380  }
.LBB2_40:
0x3f3: {  	[tilespmem:s0], [sflag:$0x2] =	stream.linear.gather [hbm4b:s31+s3], $0x80, $0x38;
	[tilespmem:$0x10200] =	vst v63  }
0x3f4: {  	s31 =	smov.u32 s1;
	s0 =	smov.u32 s2;
	p0 =	sne.s32 s1, $0x7F0  }
.Ltmp19:
0x3f5: {  	s1 =	sadd.s32 $0x10, s1;
	(pc) =	sbr.rel @p0 .LBB2_40-.Ltmp19, $2  }
0x3f6: {  	_ =	sdelay $0x2  }
0x3f7: {  	s2 =	sadd.s32 $0x100, s2;
	s31 =	sadd.s32 s31, s17  }
0x3f8: {  	[tilespmem:s0], [sflag:$0x2] =	stream.linear.gather [hbm4b:s31+s3], $0x80, $0x38;
	[tilespmem:$0x10200] =	vst v63  }
0x3f9: {  	_ =	swait.ge [sflag:s23], $0x4000  }
0x3fa: {  	[sflag:s23] =	ssyncset.done $0x0  }
0x3fb: {  	[sflag:s23] =	ssyncadd.s32 $0xFFFFC000  }
0x3fc: {  	_ =	swait.ge [sflag:s28], $0x4000  }
0x3fd: {  	[sflag:s28] =	ssyncset.done $0x0  }
0x3fe: {  	s2 =	simm.s32 $0x300;
	[sflag:s28] =	ssyncadd.s32 $0xFFFFC000  }
0x3ff: {  	v3 =	vld [tilespmem:s2+$0xFFFFFF10]  }
0x400: {  	v14 =	vld [tilespmem:s2+$0x20]  }
0x401: {  	v16 =	vld [tilespmem:s2+$0xFFFFFF40]  }
0x402: {  	v7 =	vld [tilespmem:s2+$0x0]  }
0x403: {  	v6 =	vld [tilespmem:s2+$0xFFFFFF00]  }
0x404: {  	v5 =	vld [tilespmem:s2+$0xFFFFFF30]  }
0x405: {  	v4 =	vld [tilespmem:s2+$0xFFFFFF20]  }
0x406: {  	v12 =	vld [tilespmem:s2+$0x30]  }
0x407: {  	v11 =	vld [tilespmem:s2+$0xFFFFFF70]  }
0x408: {  	v18 =	vld [tilespmem:s2+$0x50]  }
0x409: {  	v27 =	vld [tilespmem:s2+$0xFFFFFF50];
	v8 =	vmul.f32 $1.125000000e+00, v3;
	vm2 =	vlt.f32 v14, $-3.000000000e+00  }
0x40a: {  	v30 =	vld [tilespmem:s2+$0x60];
	vm3 =	vgt.f32 v14, $5.000000000e+00;
	v9 =	vmul.f32 $1.125000000e+00, v7;
	v10 =	vmul.f32 $1.125000000e+00, v6  }
0x40b: {  	vm1 =	vlt.f32 v3, $-3.000000000e+00;
	v15 =	vmul.f32 $1.125000000e+00, v5;
	v17 =	vmul.f32 $1.125000000e+00, v14  }
0x40c: {  	vm4 =	vlt.f32 v6, $-3.000000000e+00;
	v22 =	vmul.f32 $1.125000000e+00, v4;
	v19 =	vmul.f32 $1.125000000e+00, v12  }
0x40d: {  	vm6 =	vgt.f32 v16, $5.000000000e+00;
	v24 =	vmul.f32 $1.125000000e+00, v18;
	vm7 =	vlt.f32 v18, $-3.000000000e+00  }
0x40e: {  	vm8 =	vgt.f32 v18, $5.000000000e+00;
	v57 =	vmul.f32 $1.125000000e+00, v27;
	vm9 =	vgt.f32 v27, $5.000000000e+00  }
0x40f: {  	v36 =	vmul.f32 $1.125000000e+00, v30;
	vm12 =	vlt.f32 v16, $-3.000000000e+00;
	vm10 =	vlt.f32 v11, $-3.000000000e+00  }
0x410: {  	vm11 =	vgt.f32 v6, $5.000000000e+00;
	vm15 =	vlt.f32 v5, $-3.000000000e+00;
	vm5 =	vmor vm2, vm3  }
0x411: {  	vm2 =	vlt.f32 v7, $-3.000000000e+00;
	vm3 =	vgt.f32 v7, $5.000000000e+00;
	vm8 =	vmor vm7, vm8  }
0x412: {  	vm7 =	vlt.f32 v27, $-3.000000000e+00;
	vm6 =	vmor vm12, vm6;
	v8 =	vadd.f32 $3.375000000e+00, v8  }
0x413: {  	v13 =	vld [tilespmem:s2+$0x10];
	vm4 =	vmor vm4, vm11;
	v21 =	vadd.f32 $3.375000000e+00, v9;
	v9 =	vadd.f32 $3.375000000e+00, v10  }
0x414: {  	v10 =	vmul.f32 $1.125000000e+00, v16;
	v17 =	vadd.f32 $3.375000000e+00, v17;
	v20 =	vadd.f32 $3.375000000e+00, v15  }
0x415: {  	v15 =	vmul.f32 $1.125000000e+00, v11;
	v25 =	vadd.f32 $3.375000000e+00, v19;
	v24 =	vadd.f32 $3.375000000e+00, v24  }
0x416: {  	vm7 =	vmor vm7, vm9;
	v36 =	vadd.f32 $3.375000000e+00, v36;
	v22 =	vadd.f32 $3.375000000e+00, v22  }
0x417: {  	vm3 =	vmor vm2, vm3;
	v8 =	vmax.f32 v8, $0.0e+00;
	v23 =	vmax.f32 v9, $0.0e+00  }
0x418: {  	v9 =	vmul.f32 $1.125000000e+00, v13;
	v17 =	vmax.f32 v17, $0.0e+00;
	v10 =	vadd.f32 $3.375000000e+00, v10  }
0x419: {  	v26 =	vadd.f32 $3.375000000e+00, v15;
	v20 =	vmax.f32 v20, $0.0e+00;
	v24 =	vmax.f32 v24, $0.0e+00  }
0x41a: {  	v36 =	vmax.f32 v36, $0.0e+00;
	v21 =	vmax.f32 v21, $0.0e+00;
	v25 =	vmax.f32 v25, $0.0e+00  }
0x41b: {  	v8 =	vmin.f32 v8, $8.999999040e+00;
	v17 =	vmin.f32 v17, $8.999999040e+00;
	v24 =	vmin.f32 v24, $8.999999040e+00  }
0x41c: {  	v36 =	vmin.f32 v36, $8.999999040e+00;
	v23 =	vmin.f32 v23, $8.999999040e+00;
	v19 =	vtrunc.f32 v17  }
0x41d: {  	v15 =	vld [tilespmem:s2+$0x40];
	v9 =	vadd.f32 $3.375000000e+00, v9;
	v32 =	vtrunc.f32 v24;
	v40 =	vtrunc.f32 v36  }
0x41e: {  	v10 =	vmax.f32 v10, $0.0e+00;
	v28 =	vcvt.f32.s32 v19;
	v19 =	vld [tilespmem:s2+$0xFFFFFF60];
	v32 =	vcvt.f32.s32 v32  }
0x41f: {  	v45 =	vtrunc.f32 v23;
	v29 =	vmin.f32 v10, $8.999999040e+00;
	v9 =	vmax.f32 v9, $0.0e+00  }
0x420: {  	v31 =	vtrunc.f32 v29;
	v33 =	vmin.f32 v9, $8.999999040e+00;
	v9 =	vmin.f32 v20, $8.999999040e+00  }
0x421: {  	v10 =	vld [tilespmem:s2+$0x70];
	v20 =	vmax.f32 v26, $0.0e+00;
	v26 =	vcvt.f32.s32 v31;
	v31 =	vadd.f32 $3.375000000e+00, v57  }
0x422: {  	v46 =	vmin.f32 v21, $8.999999040e+00;
	v40 =	vcvt.f32.s32 v40;
	v35 =	vmul.f32 $1.125000000e+00, v15  }
0x423: {  	v21 =	vcvt.f32.s32 v45;
	v31 =	vmax.f32 v31, $0.0e+00;
	v34 =	vmul.f32 $1.125000000e+00, v19  }
0x424: {  	v59 =	vtrunc.f32 v33;
	v35 =	vadd.f32 $3.375000000e+00, v35;
	v31 =	vmin.f32 v31, $8.999999040e+00;
	v41 =	vld.idx.msk [tilespmem:v32+s25+$0x0], $0xffff  }
0x425: {  	v45 =	vcvt.f32.s32 v59;
	v38 =	vld.idx.msk [tilespmem:v28+s25+$0x0], $0xffff;
	v39 =	vtrunc.f32 v31;
	v34 =	vadd.f32 $3.375000000e+00, v34  }
0x426: {  	v37 =	vmul.f32 $1.125000000e+00, v10;
	v35 =	vmax.f32 v35, $0.0e+00;
	v32 =	vld.idx.msk [tilespmem:v32+s24+$0x0], $0xffff;
	v39 =	vcvt.f32.s32 v39  }
0x427: {  	v25 =	vmin.f32 v25, $8.999999040e+00;
	v28 =	vld.idx.msk [tilespmem:v28+s24+$0x0], $0xffff;
	v35 =	vmin.f32 v35, $8.999999040e+00;
	v34 =	vmax.f32 v34, $0.0e+00  }
0x428: {  	v37 =	vadd.f32 $3.375000000e+00, v37;
	v43 =	vld.idx.msk [tilespmem:v26+s25+$0x0], $0xffff;
	v58 =	vtrunc.f32 v35;
	v34 =	vmin.f32 v34, $8.999999040e+00  }
0x429: {  	v20 =	vmin.f32 v20, $8.999999040e+00;
	v62 =	vld.idx.msk [tilespmem:v40+s24+$0x0], $0xffff;
	v42 =	vtrunc.f32 v34;
	v24 =	vmul.f32 v24, v41  }
0x42a: {  	v26 =	vld.idx.msk [tilespmem:v26+s24+$0x0], $0xffff;
	v37 =	vmax.f32 v37, $0.0e+00;
	v17 =	vmul.f32 v17, v38;
	v38 =	vcvt.f32.s32 v58  }
0x42b: {  	v37 =	vmin.f32 v37, $8.999999040e+00;
	v58 =	vld.idx.msk [tilespmem:v45+s25+$0x0], $0xffff;
	v42 =	vcvt.f32.s32 v42;
	v24 =	vadd.f32 v24, v32  }
0x42c: {  	v61 =	vtrunc.f32 v20;
	v44 =	vtrunc.f32 v37;
	v60 =	vld.idx.msk [tilespmem:v39+s25+$0x0], $0xffff;
	v17 =	vadd.f32 v17, v28  }
0x42d: {  	v44 =	vcvt.f32.s32 v44;
	v29 =	vmul.f32 v29, v43;
	v39 =	vld.idx.msk [tilespmem:v39+s24+$0x0], $0xffff;
	v24 =	vsel vm8, v18, v24  }
0x42e: {  	v18 =	vld.idx.msk [tilespmem:v40+s25+$0x0], $0xffff;
	v52 =	vsel vm5, v14, v17;
	v14 =	vtrunc.f32 v25;
	v17 =	vmax.f32 v22, $0.0e+00  }
0x42f: {  	v43 =	vcvt.f32.s32 v61;
	v54 =	vcvt.f32.s32 v14;
	v14 =	vmin.f32 v17, $8.999999040e+00;
	v17 =	vld.idx.msk [tilespmem:v21+s24+$0x0], $0xffff  }
0x430: {  	v63 =	vtrunc.f32 v46;
	v56 =	vtrunc.f32 v8;
	v26 =	vadd.f32 v29, v26;
	v49 =	vld.idx.msk [tilespmem:v38+s25+$0x0], $0xffff  }
0x431: {  	v57 =	vcvt.f32.s32 v56;
	vm13 =	vlt.f32 v15, $-3.000000000e+00;
	vm14 =	vgt.f32 v15, $5.000000000e+00;
	v48 =	vld.idx.msk [tilespmem:v42+s24+$0x0], $0xffff  }
0x432: {  	v47 =	vtrunc.f32 v9;
	v16 =	vsel vm6, v16, v26;
	v22 =	vmul.f32 v31, v60;
	v26 =	vld.idx.msk [tilespmem:v42+s25+$0x0], $0xffff  }
0x433: {  	s31 =	simm.s32 $0x8300;
	v32 =	vcvt.f32.s32 v47;
	v40 =	vcvt.f32.s32 v63;
	vm5 =	vlt.f32 v30, $-3.000000000e+00;
	v60 =	vld.idx.msk [tilespmem:v38+s24+$0x0], $0xffff  }
0x434: {  	vm8 =	vgt.f32 v13, $5.000000000e+00;
	[tilespmem:s31+$0x50] =	vst v24;
	vm6 =	vgt.f32 v30, $5.000000000e+00;
	v24 =	vld.idx.msk [tilespmem:v44+s25+$0x0], $0xffff;
	v22 =	vadd.f32 v22, v39  }
0x435: {  	v33 =	vmul.f32 v33, v58;
	vm5 =	vmor vm5, vm6;
	v63 =	vld.idx.msk [tilespmem:v43+s24+$0x0], $0xffff;
	v18 =	vmul.f32 v36, v18  }
0x436: {  	vm6 =	vlt.f32 v19, $-3.000000000e+00;
	v22 =	vsel vm7, v27, v22;
	v27 =	vld.idx.msk [tilespmem:v45+s24+$0x0], $0xffff;
	vm7 =	vgt.f32 v19, $5.000000000e+00  }
0x437: {  	v28 =	vadd.f32 v18, v62;
	v61 =	vld.idx.msk [tilespmem:v54+s25+$0x0], $0xffff;
	vm7 =	vmor vm6, vm7;
	vm6 =	vlt.f32 v13, $-3.000000000e+00  }
0x438: {  	v55 =	vtrunc.f32 v14;
	v62 =	vld.idx.msk [tilespmem:v43+s25+$0x0], $0xffff;
	v26 =	vmul.f32 v34, v26;
	vm8 =	vmor vm6, vm8  }
0x439: {  	[tilespmem:s31+$0xFFFFFF50] =	vst v22;
	v22 =	vld.idx.msk [tilespmem:v21+s25+$0x0], $0xffff;
	v28 =	vsel vm5, v30, v28;
	vm5 =	vlt.f32 v12, $-3.000000000e+00;
	vm6 =	vgt.f32 v12, $5.000000000e+00  }
0x43a: {  	v59 =	vld.idx.msk [tilespmem:v54+s24+$0x0], $0xffff;
	vm5 =	vmor vm5, vm6;
	v26 =	vadd.f32 v26, v48;
	vm6 =	vgt.f32 v11, $5.000000000e+00  }
0x43b: {  	v53 =	vld.idx.msk [tilespmem:v44+s24+$0x0], $0xffff;
	v29 =	vcvt.f32.s32 v55;
	[tilespmem:s31+$0xFFFFFF40] =	vst v16;
	v35 =	vmul.f32 v35, v49;
	vm6 =	vmor vm10, vm6  }
0x43c: {  	v18 =	vld.idx.msk [tilespmem:v32+s24+$0x0], $0xffff;
	v27 =	vadd.f32 v33, v27;
	v16 =	vsel vm7, v19, v26;
	v25 =	vmul.f32 v25, v61  }
0x43d: {  	vm7 =	vmor vm13, vm14;
	v26 =	vld.idx.msk [tilespmem:v40+s25+$0x0], $0xffff;
	v20 =	vmul.f32 v20, v62;
	[tilespmem:s31+$0xFFFFFF60] =	vst v16;
	v16 =	vmul.f32 v37, v24  }
0x43e: {  	v22 =	vmul.f32 v23, v22;
	v21 =	vsel vm8, v13, v27;
	v27 =	vadd.f32 v35, v60;
	v13 =	vld.idx.msk [tilespmem:v32+s25+$0x0], $0xffff  }
0x43f: {  	[tilespmem:s31+$0x20] =	vst v52;
	vm8 =	vgt.f32 v5, $5.000000000e+00;
	v25 =	vadd.f32 v25, v59;
	v23 =	vadd.f32 v20, v63;
	v20 =	vld.idx.msk [tilespmem:v40+s24+$0x0], $0xffff  }
0x440: {  	[tilespmem:s31+$0x60] =	vst v28;
	vm2 =	vmor vm15, vm8;
	vm8 =	vgt.f32 v4, $5.000000000e+00;
	v24 =	vsel vm7, v15, v27;
	v15 =	vld.idx.msk [tilespmem:v57+s25+$0x0], $0xffff  }
0x441: {  	[tilespmem:s31+$0x10] =	vst v21;
	v21 =	vadd.f32 v16, v53;
	v16 =	vld.idx.msk [tilespmem:v29+s25+$0x0], $0xffff;
	vm7 =	vlt.f32 v4, $-3.000000000e+00;
	v25 =	vsel vm5, v12, v25  }
0x442: {  	v19 =	vld.idx.msk [tilespmem:v57+s24+$0x0], $0xffff;
	[tilespmem:s31+$0x40] =	vst v24;
	vm5 =	vmor vm7, vm8;
	vm7 =	vlt.f32 v10, $-3.000000000e+00;
	vm8 =	vgt.f32 v10, $5.000000000e+00  }
0x443: {  	s0 =	simm.s32 $0x0;
	s1 =	simm.s32 $0x8300;
	s2 =	simm.s32 $0x500;
	v12 =	vld.idx.msk [tilespmem:v29+s24+$0x0], $0xffff;
	[tilespmem:s31+$0x30] =	vst v25;
	v24 =	vsel vm6, v11, v23;
	v11 =	vmul.f32 v46, v26;
	vm6 =	vmor vm7, vm8  }
.LBB2_42:
0x444: {  	v23 =	vld [tilespmem:s2+$0xFFFFFF10];
	s0 =	sadd.s32 $0x100, s0;
	v22 =	vadd.f32 v22, v17;
	[tilespmem:s31+$0xFFFFFF70] =	vst v24;
	v10 =	vsel vm6, v10, v21;
	s1 =	sadd.s32 $0x200, s1  }
0x445: {  	v8 =	vmul.f32 v8, v15;
	v9 =	vmul.f32 v9, v13;
	v17 =	vld [tilespmem:s2+$0x20];
	p0 =	slt.u32 s0, $0x3F00;
	[tilespmem:s31+$0x70] =	vst v10  }
0x446: {  	v10 =	vmul.f32 v14, v16;
	v11 =	vadd.f32 v11, v20;
	v15 =	vld [tilespmem:s2+$0xFFFFFF40];
	v6 =	vsel vm4, v6, v22  }
0x447: {  	v8 =	vadd.f32 v8, v19;
	vm4 =	vgt.f32 v3, $5.000000000e+00;
	v9 =	vadd.f32 v9, v18;
	v13 =	vld [tilespmem:s2+$0x0];
	[tilespmem:s31+$0xFFFFFF00] =	vst v6  }
0x448: {  	vm1 =	vmor vm1, vm4;
	v10 =	vadd.f32 v10, v12;
	v7 =	vsel vm3, v7, v11;
	v6 =	vld [tilespmem:s2+$0xFFFFFF00]  }
0x449: {  	v8 =	vsel vm1, v3, v8;
	v9 =	vsel vm2, v5, v9;
	v11 =	vmul.f32 $1.125000000e+00, v23;
	v5 =	vld [tilespmem:s2+$0xFFFFFF30];
	[tilespmem:s31+$0x0] =	vst v7;
	v3 =	vmovc v23  }
0x44a: {  	v10 =	vsel vm5, v4, v10;
	vm2 =	vlt.f32 v17, $-3.000000000e+00;
	vm3 =	vgt.f32 v17, $5.000000000e+00;
	[tilespmem:s31+$0xFFFFFF10] =	vst v8;
	v4 =	vld [tilespmem:s2+$0xFFFFFF20]  }
0x44b: {  	vm1 =	vlt.f32 v3, $-3.000000000e+00;
	v8 =	vadd.f32 $3.375000000e+00, v11;
	vm5 =	vmor vm2, vm3;
	v12 =	vld [tilespmem:s2+$0x30];
	[tilespmem:s31+$0xFFFFFF30] =	vst v9  }
0x44c: {  	v11 =	vld [tilespmem:s2+$0xFFFFFF70];
	v9 =	vmul.f32 $1.125000000e+00, v13;
	vm2 =	vlt.f32 v13, $-3.000000000e+00;
	vm3 =	vgt.f32 v13, $5.000000000e+00;
	[tilespmem:s31+$0xFFFFFF20] =	vst v10;
	v7 =	vmovc v13;
	s31 =	smov.u32 s1  }
0x44d: {  	v10 =	vmul.f32 $1.125000000e+00, v6;
	vm4 =	vlt.f32 v6, $-3.000000000e+00;
	v8 =	vmax.f32 v8, $0.0e+00;
	v13 =	vld [tilespmem:s2+$0x10]  }
0x44e: {  	v16 =	vmul.f32 $1.125000000e+00, v5;
	v18 =	vadd.f32 $3.375000000e+00, v9;
	v9 =	vmul.f32 $1.125000000e+00, v17;
	v14 =	vld [tilespmem:s2+$0x50]  }
0x44f: {  	v8 =	vmin.f32 v8, $8.999999040e+00;
	v10 =	vadd.f32 $3.375000000e+00, v10;
	v27 =	vmul.f32 $1.125000000e+00, v4  }
0x450: {  	v19 =	vmul.f32 $1.125000000e+00, v15;
	v9 =	vadd.f32 $3.375000000e+00, v9;
	v20 =	vmul.f32 $1.125000000e+00, v12  }
0x451: {  	vm6 =	vgt.f32 v15, $5.000000000e+00;
	v16 =	vadd.f32 $3.375000000e+00, v16;
	v21 =	vmul.f32 $1.125000000e+00, v11  }
0x452: {  	v22 =	vmax.f32 v10, $0.0e+00;
	v10 =	vmul.f32 $1.125000000e+00, v13;
	v9 =	vmax.f32 v9, $0.0e+00  }
0x453: {  	v19 =	vadd.f32 $3.375000000e+00, v19;
	v28 =	vadd.f32 $3.375000000e+00, v20;
	v20 =	vmul.f32 $1.125000000e+00, v14  }
0x454: {  	v23 =	vadd.f32 $3.375000000e+00, v21;
	v26 =	vmin.f32 v9, $8.999999040e+00;
	v10 =	vadd.f32 $3.375000000e+00, v10  }
0x455: {  	v9 =	vmax.f32 v16, $0.0e+00;
	v21 =	vtrunc.f32 v26;
	v16 =	vld [tilespmem:s2+$0x40];
	v20 =	vadd.f32 $3.375000000e+00, v20  }
0x456: {  	v24 =	vmax.f32 v19, $0.0e+00;
	vm7 =	vlt.f32 v14, $-3.000000000e+00;
	v29 =	vcvt.f32.s32 v21;
	v25 =	vld [tilespmem:s2+$0xFFFFFF50]  }
0x457: {  	vm8 =	vgt.f32 v14, $5.000000000e+00;
	v10 =	vmax.f32 v10, $0.0e+00;
	v19 =	vld [tilespmem:s2+$0xFFFFFF60];
	v20 =	vmax.f32 v20, $0.0e+00  }
0x458: {  	v30 =	vmin.f32 v24, $8.999999040e+00;
	vm8 =	vmor vm7, vm8;
	v31 =	vmin.f32 v20, $8.999999040e+00;
	v24 =	vld [tilespmem:s2+$0x60]  }
0x459: {  	v21 =	vmin.f32 v10, $8.999999040e+00;
	v20 =	vtrunc.f32 v30;
	v32 =	vtrunc.f32 v31;
	v10 =	vld [tilespmem:s2+$0x70]  }
0x45a: {  	v9 =	vmin.f32 v9, $8.999999040e+00;
	v23 =	vmax.f32 v23, $0.0e+00;
	v32 =	vcvt.f32.s32 v32  }
0x45b: {  	v33 =	vcvt.f32.s32 v20;
	v20 =	vmul.f32 $1.125000000e+00, v25;
	vm7 =	vlt.f32 v25, $-3.000000000e+00  }
0x45c: {  	v35 =	vmul.f32 $1.125000000e+00, v16;
	vm9 =	vgt.f32 v25, $5.000000000e+00;
	v34 =	vmul.f32 $1.125000000e+00, v19  }
0x45d: {  	vm7 =	vmor vm7, vm9;
	v36 =	vadd.f32 $3.375000000e+00, v20;
	v37 =	vmul.f32 $1.125000000e+00, v24  }
0x45e: {  	v20 =	vmin.f32 v23, $8.999999040e+00;
	v34 =	vadd.f32 $3.375000000e+00, v34;
	v23 =	vmul.f32 $1.125000000e+00, v10  }
0x45f: {  	v35 =	vadd.f32 $3.375000000e+00, v35;
	v36 =	vmax.f32 v36, $0.0e+00;
	v38 =	vld.idx.msk [tilespmem:v29+s25+$0x0], $0xffff;
	v37 =	vadd.f32 $3.375000000e+00, v37  }
0x460: {  	v36 =	vmin.f32 v36, $8.999999040e+00;
	v34 =	vmax.f32 v34, $0.0e+00;
	v39 =	vld.idx.msk [tilespmem:v32+s24+$0x0], $0xffff;
	v23 =	vadd.f32 $3.375000000e+00, v23  }
0x461: {  	v35 =	vmax.f32 v35, $0.0e+00;
	v40 =	vtrunc.f32 v36;
	v32 =	vld.idx.msk [tilespmem:v32+s25+$0x0], $0xffff;
	v37 =	vmax.f32 v37, $0.0e+00  }
0x462: {  	v35 =	vmin.f32 v35, $8.999999040e+00;
	v34 =	vmin.f32 v34, $8.999999040e+00;
	v37 =	vmin.f32 v37, $8.999999040e+00  }
0x463: {  	v40 =	vcvt.f32.s32 v40;
	v23 =	vmax.f32 v23, $0.0e+00;
	v41 =	vtrunc.f32 v37  }
0x464: {  	v22 =	vmin.f32 v22, $8.999999040e+00;
	v43 =	vtrunc.f32 v34;
	v42 =	vld.idx.msk [tilespmem:v33+s25+$0x0], $0xffff;
	v41 =	vcvt.f32.s32 v41  }
0x465: {  	v44 =	vtrunc.f32 v35;
	v38 =	vmul.f32 v26, v38;
	v26 =	vmin.f32 v23, $8.999999040e+00  }
0x466: {  	v18 =	vmax.f32 v18, $0.0e+00;
	v43 =	vcvt.f32.s32 v43;
	v45 =	vtrunc.f32 v26;
	v29 =	vld.idx.msk [tilespmem:v29+s24+$0x0], $0xffff  }
0x467: {  	v46 =	vtrunc.f32 v22;
	v44 =	vcvt.f32.s32 v44;
	v23 =	vmin.f32 v18, $8.999999040e+00  }
0x468: {  	v46 =	vcvt.f32.s32 v46;
	v18 =	vadd.f32 $3.375000000e+00, v27;
	v27 =	vld.idx.msk [tilespmem:v33+s24+$0x0], $0xffff;
	v33 =	vcvt.f32.s32 v45  }
0x469: {  	v28 =	vmax.f32 v28, $0.0e+00;
	v47 =	vtrunc.f32 v21;
	v31 =	vmul.f32 v31, v32;
	v45 =	vld.idx.msk [tilespmem:v40+s25+$0x0], $0xffff  }
0x46a: {  	vm9 =	vlt.f32 v15, $-3.000000000e+00;
	v32 =	vtrunc.f32 v9;
	v30 =	vmul.f32 v30, v42;
	v40 =	vld.idx.msk [tilespmem:v40+s24+$0x0], $0xffff  }
0x46b: {  	v47 =	vcvt.f32.s32 v47;
	v31 =	vadd.f32 v31, v39;
	v42 =	vtrunc.f32 v20;
	v39 =	vld.idx.msk [tilespmem:v41+s24+$0x0], $0xffff  }
0x46c: {  	vm6 =	vmor vm9, vm6;
	v32 =	vcvt.f32.s32 v32;
	v29 =	vadd.f32 v38, v29;
	v48 =	vld.idx.msk [tilespmem:v43+s24+$0x0], $0xffff  }
0x46d: {  	v28 =	vmin.f32 v28, $8.999999040e+00;
	v14 =	vsel vm8, v14, v31;
	v38 =	vcvt.f32.s32 v42;
	v31 =	vld.idx.msk [tilespmem:v41+s25+$0x0], $0xffff  }
0x46e: {  	v41 =	vtrunc.f32 v23;
	v17 =	vsel vm5, v17, v29;
	v29 =	vtrunc.f32 v28;
	[tilespmem:s1+$0x50] =	vst v14;
	v42 =	vld.idx.msk [tilespmem:v33+s24+$0x0], $0xffff  }
0x46f: {  	v14 =	vmax.f32 v18, $0.0e+00;
	v41 =	vcvt.f32.s32 v41;
	v29 =	vcvt.f32.s32 v29;
	[tilespmem:s1+$0x20] =	vst v17;
	v49 =	vld.idx.msk [tilespmem:v44+s25+$0x0], $0xffff  }
0x470: {  	v18 =	vadd.f32 v30, v27;
	v27 =	vmul.f32 v36, v45;
	v14 =	vmin.f32 v14, $8.999999040e+00;
	v17 =	vld.idx.msk [tilespmem:v46+s24+$0x0], $0xffff  }
0x471: {  	vm5 =	vlt.f32 v24, $-3.000000000e+00;
	v30 =	vtrunc.f32 v8;
	v36 =	vtrunc.f32 v14;
	v45 =	vld.idx.msk [tilespmem:v47+s24+$0x0], $0xffff  }
0x472: {  	v15 =	vsel vm6, v15, v18;
	v27 =	vadd.f32 v27, v40;
	v36 =	vcvt.f32.s32 v36;
	v40 =	vld.idx.msk [tilespmem:v43+s25+$0x0], $0xffff  }
0x473: {  	v30 =	vcvt.f32.s32 v30;
	vm6 =	vgt.f32 v24, $5.000000000e+00;
	v31 =	vmul.f32 v37, v31;
	[tilespmem:s1+$0xFFFFFF40] =	vst v15;
	v15 =	vld.idx.msk [tilespmem:v47+s25+$0x0], $0xffff  }
0x474: {  	vm5 =	vmor vm5, vm6;
	v25 =	vsel vm7, v25, v27;
	vm7 =	vlt.f32 v16, $-3.000000000e+00;
	v18 =	vld.idx.msk [tilespmem:v32+s24+$0x0], $0xffff  }
0x475: {  	vm8 =	vgt.f32 v19, $5.000000000e+00;
	vm6 =	vlt.f32 v19, $-3.000000000e+00;
	v27 =	vadd.f32 v31, v39;
	[tilespmem:s1+$0xFFFFFF50] =	vst v25;
	v25 =	vld.idx.msk [tilespmem:v29+s24+$0x0], $0xffff  }
0x476: {  	vm9 =	vmor vm6, vm8;
	vm6 =	vlt.f32 v13, $-3.000000000e+00;
	vm8 =	vgt.f32 v13, $5.000000000e+00;
	v31 =	vld.idx.msk [tilespmem:v44+s24+$0x0], $0xffff  }
0x477: {  	vm8 =	vmor vm6, vm8;
	vm6 =	vlt.f32 v12, $-3.000000000e+00;
	v24 =	vsel vm5, v24, v27;
	v27 =	vld.idx.msk [tilespmem:v33+s25+$0x0], $0xffff  }
0x478: {  	vm5 =	vgt.f32 v12, $5.000000000e+00;
	v33 =	vmul.f32 v34, v40;
	v34 =	vmul.f32 v35, v49;
	v29 =	vld.idx.msk [tilespmem:v29+s25+$0x0], $0xffff;
	[tilespmem:s1+$0x60] =	vst v24  }
0x479: {  	vm10 =	vlt.f32 v11, $-3.000000000e+00;
	vm5 =	vmor vm6, vm5;
	v15 =	vmul.f32 v21, v15;
	v24 =	vld.idx.msk [tilespmem:v38+s24+$0x0], $0xffff  }
0x47a: {  	vm11 =	vgt.f32 v6, $5.000000000e+00;
	vm6 =	vgt.f32 v11, $5.000000000e+00;
	v21 =	vadd.f32 v33, v48;
	v33 =	vld.idx.msk [tilespmem:v38+s25+$0x0], $0xffff  }
0x47b: {  	vm6 =	vmor vm10, vm6;
	vm10 =	vgt.f32 v16, $5.000000000e+00;
	v15 =	vadd.f32 v15, v45;
	v35 =	vld.idx.msk [tilespmem:v41+s25+$0x0], $0xffff  }
0x47c: {  	vm4 =	vmor vm4, vm11;
	vm7 =	vmor vm7, vm10;
	v21 =	vsel vm9, v19, v21;
	v37 =	vld.idx.msk [tilespmem:v46+s25+$0x0], $0xffff  }
0x47d: {  	vm9 =	vlt.f32 v5, $-3.000000000e+00;
	v15 =	vsel vm8, v13, v15;
	v19 =	vld.idx.msk [tilespmem:v30+s24+$0x0], $0xffff;
	[tilespmem:s1+$0xFFFFFF60] =	vst v21;
	v21 =	vadd.f32 v34, v31  }
0x47e: {  	vm3 =	vmor vm2, vm3;
	vm8 =	vgt.f32 v5, $5.000000000e+00;
	v28 =	vmul.f32 v28, v29;
	v13 =	vld.idx.msk [tilespmem:v32+s25+$0x0], $0xffff;
	[tilespmem:s1+$0x10] =	vst v15  }
0x47f: {  	v26 =	vmul.f32 v26, v27;
	vm2 =	vmor vm9, vm8;
	v15 =	vld.idx.msk [tilespmem:v30+s25+$0x0], $0xffff;
	v21 =	vsel vm7, v16, v21  }
.Ltmp20:
0x480: {  	vm7 =	vlt.f32 v4, $-3.000000000e+00;
	v27 =	vmul.f32 v20, v33;
	v25 =	vadd.f32 v28, v25;
	v16 =	vld.idx.msk [tilespmem:v36+s25+$0x0], $0xffff;
	[tilespmem:s1+$0x40] =	vst v21;
	(pc) =	sbr.rel @p0 .LBB2_42-.Ltmp20, $4  }
0x481: {  	vm8 =	vgt.f32 v4, $5.000000000e+00;
	v21 =	vadd.f32 v26, v42;
	v20 =	vld.idx.msk [tilespmem:v41+s24+$0x0], $0xffff  }
0x482: {  	v22 =	vmul.f32 v22, v37;
	v24 =	vadd.f32 v27, v24;
	v25 =	vsel vm5, v12, v25  }
0x483: {  	vm5 =	vmor vm7, vm8;
	vm7 =	vlt.f32 v10, $-3.000000000e+00;
	vm8 =	vgt.f32 v10, $5.000000000e+00;
	v12 =	vld.idx.msk [tilespmem:v36+s24+$0x0], $0xffff;
	[tilespmem:s1+$0x30] =	vst v25  }
0x484: {  	s2 =	sadd.s32 $0x200, s2;
	v24 =	vsel vm6, v11, v24;
	v11 =	vmul.f32 v23, v35;
	vm6 =	vmor vm7, vm8  }
0x485: {  	v17 =	vadd.f32 v22, v17;
	v10 =	vsel vm6, v10, v21;
	v8 =	vmul.f32 v8, v15  }
0x486: {  	[tilespmem:s31+$0xFFFFFF70] =	vst v24;
	v9 =	vmul.f32 v9, v13;
	v61 =	vmul.f32 v14, v16;
	v11 =	vadd.f32 v11, v20  }
0x487: {  	vm15 =	vgt.f32 v3, $5.000000000e+00;
	[tilespmem:s31+$0x70] =	vst v10;
	v6 =	vsel vm4, v6, v17;
	v8 =	vadd.f32 v8, v19  }
0x488: {  	vm1 =	vmor vm1, vm15;
	v62 =	vadd.f32 v9, v18;
	[tilespmem:s31+$0xFFFFFF00] =	vst v6;
	v7 =	vsel vm3, v7, v11  }
0x489: {  	v63 =	vadd.f32 v61, v12;
	v3 =	vsel vm1, v3, v8;
	[tilespmem:s31+$0x0] =	vst v7  }
0x48a: {  	v5 =	vsel vm2, v5, v62;
	[tilespmem:s31+$0xFFFFFF10] =	vst v3  }
0x48b: {  	s0 =	simm.s32 $0x8200;
	v3 =	vsel vm5, v4, v63;
	[tilespmem:s31+$0xFFFFFF30] =	vst v5  }
0x48c: {  	s1 =	simm.s32 $0x10;
	s2 =	simm.s32 $0x8300;
	[tilespmem:s31+$0xFFFFFF20] =	vst v3;
	s31 =	sadd.s32 $0x0, s18  }
.LBB2_44:
0x48d: {  	[hbm4b:s31+s3] =	stream.linear.scatter [tilespmem:s0], [sflag:$0x3], $0x80, $0x38;
	[tilespmem:$0x10200] =	vst v63  }
0x48e: {  	s31 =	smov.u32 s1;
	s0 =	smov.u32 s2;
	p0 =	sne.s32 s1, $0x7F0  }
.Ltmp21:
0x48f: {  	s1 =	sadd.s32 $0x10, s1;
	(pc) =	sbr.rel @p0 .LBB2_44-.Ltmp21, $2  }
0x490: {  	_ =	sdelay $0x2  }
0x491: {  	s2 =	sadd.s32 $0x100, s2;
	s31 =	sadd.s32 s31, s18  }
0x492: {  	[hbm4b:s31+s3] =	stream.linear.scatter [tilespmem:s0], [sflag:$0x3], $0x80, $0x38;
	[tilespmem:$0x10200] =	vst v63  }
0x493: {  	_ =	swait.ge [sflag:s26], $0x4000  }
0x494: {  	[sflag:s26] =	ssyncset.done $0x0  }
0x495: {  	[sflag:s26] =	ssyncadd.s32 $0xFFFFC000  }
0x496: {  	_ =	swait.ge [sflag:s29], $0x4000  }
0x497: {  	[sflag:s29] =	ssyncset.done $0x0  }
0x498: {  	s2 =	simm.s32 $0x380;
	[sflag:s29] =	ssyncadd.s32 $0xFFFFC000  }
0x499: {  	v3 =	vld [tilespmem:s2+$0xFFFFFF10]  }
0x49a: {  	v14 =	vld [tilespmem:s2+$0x20]  }
0x49b: {  	v16 =	vld [tilespmem:s2+$0xFFFFFF40]  }
0x49c: {  	v7 =	vld [tilespmem:s2+$0x0]  }
0x49d: {  	v6 =	vld [tilespmem:s2+$0xFFFFFF00]  }
0x49e: {  	v5 =	vld [tilespmem:s2+$0xFFFFFF30]  }
0x49f: {  	v4 =	vld [tilespmem:s2+$0xFFFFFF20]  }
0x4a0: {  	v12 =	vld [tilespmem:s2+$0x30]  }
0x4a1: {  	v11 =	vld [tilespmem:s2+$0xFFFFFF70]  }
0x4a2: {  	v18 =	vld [tilespmem:s2+$0x50]  }
0x4a3: {  	v27 =	vld [tilespmem:s2+$0xFFFFFF50];
	v8 =	vmul.f32 $1.125000000e+00, v3;
	vm2 =	vlt.f32 v14, $-3.000000000e+00  }
0x4a4: {  	v30 =	vld [tilespmem:s2+$0x60];
	vm3 =	vgt.f32 v14, $5.000000000e+00;
	v9 =	vmul.f32 $1.125000000e+00, v7;
	v10 =	vmul.f32 $1.125000000e+00, v6  }
0x4a5: {  	vm1 =	vlt.f32 v3, $-3.000000000e+00;
	v15 =	vmul.f32 $1.125000000e+00, v5;
	v17 =	vmul.f32 $1.125000000e+00, v14  }
0x4a6: {  	vm4 =	vlt.f32 v6, $-3.000000000e+00;
	v22 =	vmul.f32 $1.125000000e+00, v4;
	v19 =	vmul.f32 $1.125000000e+00, v12  }
0x4a7: {  	vm6 =	vgt.f32 v16, $5.000000000e+00;
	v24 =	vmul.f32 $1.125000000e+00, v18;
	vm7 =	vlt.f32 v18, $-3.000000000e+00  }
0x4a8: {  	vm8 =	vgt.f32 v18, $5.000000000e+00;
	v57 =	vmul.f32 $1.125000000e+00, v27;
	vm9 =	vgt.f32 v27, $5.000000000e+00  }
0x4a9: {  	v36 =	vmul.f32 $1.125000000e+00, v30;
	vm12 =	vlt.f32 v16, $-3.000000000e+00;
	vm10 =	vlt.f32 v11, $-3.000000000e+00  }
0x4aa: {  	vm11 =	vgt.f32 v6, $5.000000000e+00;
	vm15 =	vlt.f32 v5, $-3.000000000e+00;
	vm5 =	vmor vm2, vm3  }
0x4ab: {  	vm2 =	vlt.f32 v7, $-3.000000000e+00;
	vm3 =	vgt.f32 v7, $5.000000000e+00;
	vm8 =	vmor vm7, vm8  }
0x4ac: {  	vm7 =	vlt.f32 v27, $-3.000000000e+00;
	vm6 =	vmor vm12, vm6;
	v8 =	vadd.f32 $3.375000000e+00, v8  }
0x4ad: {  	v13 =	vld [tilespmem:s2+$0x10];
	vm4 =	vmor vm4, vm11;
	v21 =	vadd.f32 $3.375000000e+00, v9;
	v9 =	vadd.f32 $3.375000000e+00, v10  }
0x4ae: {  	v10 =	vmul.f32 $1.125000000e+00, v16;
	v17 =	vadd.f32 $3.375000000e+00, v17;
	v20 =	vadd.f32 $3.375000000e+00, v15  }
0x4af: {  	v15 =	vmul.f32 $1.125000000e+00, v11;
	v25 =	vadd.f32 $3.375000000e+00, v19;
	v24 =	vadd.f32 $3.375000000e+00, v24  }
0x4b0: {  	vm7 =	vmor vm7, vm9;
	v36 =	vadd.f32 $3.375000000e+00, v36;
	v22 =	vadd.f32 $3.375000000e+00, v22  }
0x4b1: {  	vm3 =	vmor vm2, vm3;
	v8 =	vmax.f32 v8, $0.0e+00;
	v23 =	vmax.f32 v9, $0.0e+00  }
0x4b2: {  	v9 =	vmul.f32 $1.125000000e+00, v13;
	v17 =	vmax.f32 v17, $0.0e+00;
	v10 =	vadd.f32 $3.375000000e+00, v10  }
0x4b3: {  	v26 =	vadd.f32 $3.375000000e+00, v15;
	v20 =	vmax.f32 v20, $0.0e+00;
	v24 =	vmax.f32 v24, $0.0e+00  }
0x4b4: {  	v36 =	vmax.f32 v36, $0.0e+00;
	v21 =	vmax.f32 v21, $0.0e+00;
	v25 =	vmax.f32 v25, $0.0e+00  }
0x4b5: {  	v8 =	vmin.f32 v8, $8.999999040e+00;
	v17 =	vmin.f32 v17, $8.999999040e+00;
	v24 =	vmin.f32 v24, $8.999999040e+00  }
0x4b6: {  	v36 =	vmin.f32 v36, $8.999999040e+00;
	v23 =	vmin.f32 v23, $8.999999040e+00;
	v19 =	vtrunc.f32 v17  }
0x4b7: {  	v15 =	vld [tilespmem:s2+$0x40];
	v9 =	vadd.f32 $3.375000000e+00, v9;
	v32 =	vtrunc.f32 v24;
	v40 =	vtrunc.f32 v36  }
0x4b8: {  	v10 =	vmax.f32 v10, $0.0e+00;
	v28 =	vcvt.f32.s32 v19;
	v19 =	vld [tilespmem:s2+$0xFFFFFF60];
	v32 =	vcvt.f32.s32 v32  }
0x4b9: {  	v45 =	vtrunc.f32 v23;
	v29 =	vmin.f32 v10, $8.999999040e+00;
	v9 =	vmax.f32 v9, $0.0e+00  }
0x4ba: {  	v31 =	vtrunc.f32 v29;
	v33 =	vmin.f32 v9, $8.999999040e+00;
	v9 =	vmin.f32 v20, $8.999999040e+00  }
0x4bb: {  	v10 =	vld [tilespmem:s2+$0x70];
	v20 =	vmax.f32 v26, $0.0e+00;
	v26 =	vcvt.f32.s32 v31;
	v31 =	vadd.f32 $3.375000000e+00, v57  }
0x4bc: {  	v46 =	vmin.f32 v21, $8.999999040e+00;
	v40 =	vcvt.f32.s32 v40;
	v35 =	vmul.f32 $1.125000000e+00, v15  }
0x4bd: {  	v21 =	vcvt.f32.s32 v45;
	v31 =	vmax.f32 v31, $0.0e+00;
	v34 =	vmul.f32 $1.125000000e+00, v19  }
0x4be: {  	v59 =	vtrunc.f32 v33;
	v35 =	vadd.f32 $3.375000000e+00, v35;
	v31 =	vmin.f32 v31, $8.999999040e+00;
	v41 =	vld.idx.msk [tilespmem:v32+s25+$0x0], $0xffff  }
0x4bf: {  	v45 =	vcvt.f32.s32 v59;
	v38 =	vld.idx.msk [tilespmem:v28+s25+$0x0], $0xffff;
	v39 =	vtrunc.f32 v31;
	v34 =	vadd.f32 $3.375000000e+00, v34  }
0x4c0: {  	v37 =	vmul.f32 $1.125000000e+00, v10;
	v35 =	vmax.f32 v35, $0.0e+00;
	v32 =	vld.idx.msk [tilespmem:v32+s24+$0x0], $0xffff;
	v39 =	vcvt.f32.s32 v39  }
0x4c1: {  	v25 =	vmin.f32 v25, $8.999999040e+00;
	v28 =	vld.idx.msk [tilespmem:v28+s24+$0x0], $0xffff;
	v35 =	vmin.f32 v35, $8.999999040e+00;
	v34 =	vmax.f32 v34, $0.0e+00  }
0x4c2: {  	v37 =	vadd.f32 $3.375000000e+00, v37;
	v43 =	vld.idx.msk [tilespmem:v26+s25+$0x0], $0xffff;
	v58 =	vtrunc.f32 v35;
	v34 =	vmin.f32 v34, $8.999999040e+00  }
0x4c3: {  	v20 =	vmin.f32 v20, $8.999999040e+00;
	v62 =	vld.idx.msk [tilespmem:v40+s24+$0x0], $0xffff;
	v42 =	vtrunc.f32 v34;
	v24 =	vmul.f32 v24, v41  }
0x4c4: {  	v26 =	vld.idx.msk [tilespmem:v26+s24+$0x0], $0xffff;
	v37 =	vmax.f32 v37, $0.0e+00;
	v17 =	vmul.f32 v17, v38;
	v38 =	vcvt.f32.s32 v58  }
0x4c5: {  	v37 =	vmin.f32 v37, $8.999999040e+00;
	v58 =	vld.idx.msk [tilespmem:v45+s25+$0x0], $0xffff;
	v42 =	vcvt.f32.s32 v42;
	v24 =	vadd.f32 v24, v32  }
0x4c6: {  	v61 =	vtrunc.f32 v20;
	v44 =	vtrunc.f32 v37;
	v60 =	vld.idx.msk [tilespmem:v39+s25+$0x0], $0xffff;
	v17 =	vadd.f32 v17, v28  }
0x4c7: {  	v44 =	vcvt.f32.s32 v44;
	v29 =	vmul.f32 v29, v43;
	v39 =	vld.idx.msk [tilespmem:v39+s24+$0x0], $0xffff;
	v24 =	vsel vm8, v18, v24  }
0x4c8: {  	v18 =	vld.idx.msk [tilespmem:v40+s25+$0x0], $0xffff;
	v52 =	vsel vm5, v14, v17;
	v14 =	vtrunc.f32 v25;
	v17 =	vmax.f32 v22, $0.0e+00  }
0x4c9: {  	v43 =	vcvt.f32.s32 v61;
	v54 =	vcvt.f32.s32 v14;
	v14 =	vmin.f32 v17, $8.999999040e+00;
	v17 =	vld.idx.msk [tilespmem:v21+s24+$0x0], $0xffff  }
0x4ca: {  	v63 =	vtrunc.f32 v46;
	v56 =	vtrunc.f32 v8;
	v26 =	vadd.f32 v29, v26;
	v49 =	vld.idx.msk [tilespmem:v38+s25+$0x0], $0xffff  }
0x4cb: {  	v57 =	vcvt.f32.s32 v56;
	vm13 =	vlt.f32 v15, $-3.000000000e+00;
	vm14 =	vgt.f32 v15, $5.000000000e+00;
	v48 =	vld.idx.msk [tilespmem:v42+s24+$0x0], $0xffff  }
0x4cc: {  	v47 =	vtrunc.f32 v9;
	v16 =	vsel vm6, v16, v26;
	v22 =	vmul.f32 v31, v60;
	v26 =	vld.idx.msk [tilespmem:v42+s25+$0x0], $0xffff  }
0x4cd: {  	s31 =	simm.s32 $0x8380;
	v32 =	vcvt.f32.s32 v47;
	v40 =	vcvt.f32.s32 v63;
	vm5 =	vlt.f32 v30, $-3.000000000e+00;
	v60 =	vld.idx.msk [tilespmem:v38+s24+$0x0], $0xffff  }
0x4ce: {  	vm8 =	vgt.f32 v13, $5.000000000e+00;
	[tilespmem:s31+$0x50] =	vst v24;
	vm6 =	vgt.f32 v30, $5.000000000e+00;
	v24 =	vld.idx.msk [tilespmem:v44+s25+$0x0], $0xffff;
	v22 =	vadd.f32 v22, v39  }
0x4cf: {  	v33 =	vmul.f32 v33, v58;
	vm5 =	vmor vm5, vm6;
	v63 =	vld.idx.msk [tilespmem:v43+s24+$0x0], $0xffff;
	v18 =	vmul.f32 v36, v18  }
0x4d0: {  	vm6 =	vlt.f32 v19, $-3.000000000e+00;
	v22 =	vsel vm7, v27, v22;
	v27 =	vld.idx.msk [tilespmem:v45+s24+$0x0], $0xffff;
	vm7 =	vgt.f32 v19, $5.000000000e+00  }
0x4d1: {  	v28 =	vadd.f32 v18, v62;
	v61 =	vld.idx.msk [tilespmem:v54+s25+$0x0], $0xffff;
	vm7 =	vmor vm6, vm7;
	vm6 =	vlt.f32 v13, $-3.000000000e+00  }
0x4d2: {  	v55 =	vtrunc.f32 v14;
	v62 =	vld.idx.msk [tilespmem:v43+s25+$0x0], $0xffff;
	v26 =	vmul.f32 v34, v26;
	vm8 =	vmor vm6, vm8  }
0x4d3: {  	[tilespmem:s31+$0xFFFFFF50] =	vst v22;
	v22 =	vld.idx.msk [tilespmem:v21+s25+$0x0], $0xffff;
	v28 =	vsel vm5, v30, v28;
	vm5 =	vlt.f32 v12, $-3.000000000e+00;
	vm6 =	vgt.f32 v12, $5.000000000e+00  }
0x4d4: {  	v59 =	vld.idx.msk [tilespmem:v54+s24+$0x0], $0xffff;
	vm5 =	vmor vm5, vm6;
	v26 =	vadd.f32 v26, v48;
	vm6 =	vgt.f32 v11, $5.000000000e+00  }
0x4d5: {  	v53 =	vld.idx.msk [tilespmem:v44+s24+$0x0], $0xffff;
	v29 =	vcvt.f32.s32 v55;
	[tilespmem:s31+$0xFFFFFF40] =	vst v16;
	v35 =	vmul.f32 v35, v49;
	vm6 =	vmor vm10, vm6  }
0x4d6: {  	v18 =	vld.idx.msk [tilespmem:v32+s24+$0x0], $0xffff;
	v27 =	vadd.f32 v33, v27;
	v16 =	vsel vm7, v19, v26;
	v25 =	vmul.f32 v25, v61  }
0x4d7: {  	vm7 =	vmor vm13, vm14;
	v26 =	vld.idx.msk [tilespmem:v40+s25+$0x0], $0xffff;
	v20 =	vmul.f32 v20, v62;
	[tilespmem:s31+$0xFFFFFF60] =	vst v16;
	v16 =	vmul.f32 v37, v24  }
0x4d8: {  	v22 =	vmul.f32 v23, v22;
	v21 =	vsel vm8, v13, v27;
	v27 =	vadd.f32 v35, v60;
	v13 =	vld.idx.msk [tilespmem:v32+s25+$0x0], $0xffff  }
0x4d9: {  	[tilespmem:s31+$0x20] =	vst v52;
	vm8 =	vgt.f32 v5, $5.000000000e+00;
	v25 =	vadd.f32 v25, v59;
	v23 =	vadd.f32 v20, v63;
	v20 =	vld.idx.msk [tilespmem:v40+s24+$0x0], $0xffff  }
0x4da: {  	[tilespmem:s31+$0x60] =	vst v28;
	vm2 =	vmor vm15, vm8;
	vm8 =	vgt.f32 v4, $5.000000000e+00;
	v24 =	vsel vm7, v15, v27;
	v15 =	vld.idx.msk [tilespmem:v57+s25+$0x0], $0xffff  }
0x4db: {  	[tilespmem:s31+$0x10] =	vst v21;
	v21 =	vadd.f32 v16, v53;
	v16 =	vld.idx.msk [tilespmem:v29+s25+$0x0], $0xffff;
	vm7 =	vlt.f32 v4, $-3.000000000e+00;
	v25 =	vsel vm5, v12, v25  }
0x4dc: {  	v19 =	vld.idx.msk [tilespmem:v57+s24+$0x0], $0xffff;
	[tilespmem:s31+$0x40] =	vst v24;
	vm5 =	vmor vm7, vm8;
	vm7 =	vlt.f32 v10, $-3.000000000e+00;
	vm8 =	vgt.f32 v10, $5.000000000e+00  }
0x4dd: {  	s0 =	simm.s32 $0x0;
	s1 =	simm.s32 $0x8380;
	s2 =	simm.s32 $0x580;
	v12 =	vld.idx.msk [tilespmem:v29+s24+$0x0], $0xffff;
	[tilespmem:s31+$0x30] =	vst v25;
	v24 =	vsel vm6, v11, v23;
	v11 =	vmul.f32 v46, v26;
	vm6 =	vmor vm7, vm8  }
.LBB2_46:
0x4de: {  	v23 =	vld [tilespmem:s2+$0xFFFFFF10];
	s0 =	sadd.s32 $0x100, s0;
	v22 =	vadd.f32 v22, v17;
	[tilespmem:s31+$0xFFFFFF70] =	vst v24;
	v10 =	vsel vm6, v10, v21;
	s1 =	sadd.s32 $0x200, s1  }
0x4df: {  	v8 =	vmul.f32 v8, v15;
	v9 =	vmul.f32 v9, v13;
	v17 =	vld [tilespmem:s2+$0x20];
	p0 =	slt.u32 s0, $0x3F00;
	[tilespmem:s31+$0x70] =	vst v10  }
0x4e0: {  	v10 =	vmul.f32 v14, v16;
	v11 =	vadd.f32 v11, v20;
	v15 =	vld [tilespmem:s2+$0xFFFFFF40];
	v6 =	vsel vm4, v6, v22  }
0x4e1: {  	v8 =	vadd.f32 v8, v19;
	vm4 =	vgt.f32 v3, $5.000000000e+00;
	v9 =	vadd.f32 v9, v18;
	v13 =	vld [tilespmem:s2+$0x0];
	[tilespmem:s31+$0xFFFFFF00] =	vst v6  }
0x4e2: {  	vm1 =	vmor vm1, vm4;
	v10 =	vadd.f32 v10, v12;
	v7 =	vsel vm3, v7, v11;
	v6 =	vld [tilespmem:s2+$0xFFFFFF00]  }
0x4e3: {  	v8 =	vsel vm1, v3, v8;
	v9 =	vsel vm2, v5, v9;
	v11 =	vmul.f32 $1.125000000e+00, v23;
	v5 =	vld [tilespmem:s2+$0xFFFFFF30];
	[tilespmem:s31+$0x0] =	vst v7;
	v3 =	vmovc v23  }
0x4e4: {  	v10 =	vsel vm5, v4, v10;
	vm2 =	vlt.f32 v17, $-3.000000000e+00;
	vm3 =	vgt.f32 v17, $5.000000000e+00;
	[tilespmem:s31+$0xFFFFFF10] =	vst v8;
	v4 =	vld [tilespmem:s2+$0xFFFFFF20]  }
0x4e5: {  	vm1 =	vlt.f32 v3, $-3.000000000e+00;
	v8 =	vadd.f32 $3.375000000e+00, v11;
	vm5 =	vmor vm2, vm3;
	v12 =	vld [tilespmem:s2+$0x30];
	[tilespmem:s31+$0xFFFFFF30] =	vst v9  }
0x4e6: {  	v11 =	vld [tilespmem:s2+$0xFFFFFF70];
	v9 =	vmul.f32 $1.125000000e+00, v13;
	vm2 =	vlt.f32 v13, $-3.000000000e+00;
	vm3 =	vgt.f32 v13, $5.000000000e+00;
	[tilespmem:s31+$0xFFFFFF20] =	vst v10;
	v7 =	vmovc v13;
	s31 =	smov.u32 s1  }
0x4e7: {  	v10 =	vmul.f32 $1.125000000e+00, v6;
	vm4 =	vlt.f32 v6, $-3.000000000e+00;
	v8 =	vmax.f32 v8, $0.0e+00;
	v13 =	vld [tilespmem:s2+$0x10]  }
0x4e8: {  	v16 =	vmul.f32 $1.125000000e+00, v5;
	v18 =	vadd.f32 $3.375000000e+00, v9;
	v9 =	vmul.f32 $1.125000000e+00, v17;
	v14 =	vld [tilespmem:s2+$0x50]  }
0x4e9: {  	v8 =	vmin.f32 v8, $8.999999040e+00;
	v10 =	vadd.f32 $3.375000000e+00, v10;
	v27 =	vmul.f32 $1.125000000e+00, v4  }
0x4ea: {  	v19 =	vmul.f32 $1.125000000e+00, v15;
	v9 =	vadd.f32 $3.375000000e+00, v9;
	v20 =	vmul.f32 $1.125000000e+00, v12  }
0x4eb: {  	vm6 =	vgt.f32 v15, $5.000000000e+00;
	v16 =	vadd.f32 $3.375000000e+00, v16;
	v21 =	vmul.f32 $1.125000000e+00, v11  }
0x4ec: {  	v22 =	vmax.f32 v10, $0.0e+00;
	v10 =	vmul.f32 $1.125000000e+00, v13;
	v9 =	vmax.f32 v9, $0.0e+00  }
0x4ed: {  	v19 =	vadd.f32 $3.375000000e+00, v19;
	v28 =	vadd.f32 $3.375000000e+00, v20;
	v20 =	vmul.f32 $1.125000000e+00, v14  }
0x4ee: {  	v23 =	vadd.f32 $3.375000000e+00, v21;
	v26 =	vmin.f32 v9, $8.999999040e+00;
	v10 =	vadd.f32 $3.375000000e+00, v10  }
0x4ef: {  	v9 =	vmax.f32 v16, $0.0e+00;
	v21 =	vtrunc.f32 v26;
	v16 =	vld [tilespmem:s2+$0x40];
	v20 =	vadd.f32 $3.375000000e+00, v20  }
0x4f0: {  	v24 =	vmax.f32 v19, $0.0e+00;
	vm7 =	vlt.f32 v14, $-3.000000000e+00;
	v29 =	vcvt.f32.s32 v21;
	v25 =	vld [tilespmem:s2+$0xFFFFFF50]  }
0x4f1: {  	vm8 =	vgt.f32 v14, $5.000000000e+00;
	v10 =	vmax.f32 v10, $0.0e+00;
	v19 =	vld [tilespmem:s2+$0xFFFFFF60];
	v20 =	vmax.f32 v20, $0.0e+00  }
0x4f2: {  	v30 =	vmin.f32 v24, $8.999999040e+00;
	vm8 =	vmor vm7, vm8;
	v31 =	vmin.f32 v20, $8.999999040e+00;
	v24 =	vld [tilespmem:s2+$0x60]  }
0x4f3: {  	v21 =	vmin.f32 v10, $8.999999040e+00;
	v20 =	vtrunc.f32 v30;
	v32 =	vtrunc.f32 v31;
	v10 =	vld [tilespmem:s2+$0x70]  }
0x4f4: {  	v9 =	vmin.f32 v9, $8.999999040e+00;
	v23 =	vmax.f32 v23, $0.0e+00;
	v32 =	vcvt.f32.s32 v32  }
0x4f5: {  	v33 =	vcvt.f32.s32 v20;
	v20 =	vmul.f32 $1.125000000e+00, v25;
	vm7 =	vlt.f32 v25, $-3.000000000e+00  }
0x4f6: {  	v35 =	vmul.f32 $1.125000000e+00, v16;
	vm9 =	vgt.f32 v25, $5.000000000e+00;
	v34 =	vmul.f32 $1.125000000e+00, v19  }
0x4f7: {  	vm7 =	vmor vm7, vm9;
	v36 =	vadd.f32 $3.375000000e+00, v20;
	v37 =	vmul.f32 $1.125000000e+00, v24  }
0x4f8: {  	v20 =	vmin.f32 v23, $8.999999040e+00;
	v34 =	vadd.f32 $3.375000000e+00, v34;
	v23 =	vmul.f32 $1.125000000e+00, v10  }
0x4f9: {  	v35 =	vadd.f32 $3.375000000e+00, v35;
	v36 =	vmax.f32 v36, $0.0e+00;
	v38 =	vld.idx.msk [tilespmem:v29+s25+$0x0], $0xffff;
	v37 =	vadd.f32 $3.375000000e+00, v37  }
0x4fa: {  	v36 =	vmin.f32 v36, $8.999999040e+00;
	v34 =	vmax.f32 v34, $0.0e+00;
	v39 =	vld.idx.msk [tilespmem:v32+s24+$0x0], $0xffff;
	v23 =	vadd.f32 $3.375000000e+00, v23  }
0x4fb: {  	v35 =	vmax.f32 v35, $0.0e+00;
	v40 =	vtrunc.f32 v36;
	v32 =	vld.idx.msk [tilespmem:v32+s25+$0x0], $0xffff;
	v37 =	vmax.f32 v37, $0.0e+00  }
0x4fc: {  	v35 =	vmin.f32 v35, $8.999999040e+00;
	v34 =	vmin.f32 v34, $8.999999040e+00;
	v37 =	vmin.f32 v37, $8.999999040e+00  }
0x4fd: {  	v40 =	vcvt.f32.s32 v40;
	v23 =	vmax.f32 v23, $0.0e+00;
	v41 =	vtrunc.f32 v37  }
0x4fe: {  	v22 =	vmin.f32 v22, $8.999999040e+00;
	v43 =	vtrunc.f32 v34;
	v42 =	vld.idx.msk [tilespmem:v33+s25+$0x0], $0xffff;
	v41 =	vcvt.f32.s32 v41  }
0x4ff: {  	v44 =	vtrunc.f32 v35;
	v38 =	vmul.f32 v26, v38;
	v26 =	vmin.f32 v23, $8.999999040e+00  }
0x500: {  	v18 =	vmax.f32 v18, $0.0e+00;
	v43 =	vcvt.f32.s32 v43;
	v45 =	vtrunc.f32 v26;
	v29 =	vld.idx.msk [tilespmem:v29+s24+$0x0], $0xffff  }
0x501: {  	v46 =	vtrunc.f32 v22;
	v44 =	vcvt.f32.s32 v44;
	v23 =	vmin.f32 v18, $8.999999040e+00  }
0x502: {  	v46 =	vcvt.f32.s32 v46;
	v18 =	vadd.f32 $3.375000000e+00, v27;
	v27 =	vld.idx.msk [tilespmem:v33+s24+$0x0], $0xffff;
	v33 =	vcvt.f32.s32 v45  }
0x503: {  	v28 =	vmax.f32 v28, $0.0e+00;
	v47 =	vtrunc.f32 v21;
	v31 =	vmul.f32 v31, v32;
	v45 =	vld.idx.msk [tilespmem:v40+s25+$0x0], $0xffff  }
0x504: {  	vm9 =	vlt.f32 v15, $-3.000000000e+00;
	v32 =	vtrunc.f32 v9;
	v30 =	vmul.f32 v30, v42;
	v40 =	vld.idx.msk [tilespmem:v40+s24+$0x0], $0xffff  }
0x505: {  	v47 =	vcvt.f32.s32 v47;
	v31 =	vadd.f32 v31, v39;
	v42 =	vtrunc.f32 v20;
	v39 =	vld.idx.msk [tilespmem:v41+s24+$0x0], $0xffff  }
0x506: {  	vm6 =	vmor vm9, vm6;
	v32 =	vcvt.f32.s32 v32;
	v29 =	vadd.f32 v38, v29;
	v48 =	vld.idx.msk [tilespmem:v43+s24+$0x0], $0xffff  }
0x507: {  	v28 =	vmin.f32 v28, $8.999999040e+00;
	v14 =	vsel vm8, v14, v31;
	v38 =	vcvt.f32.s32 v42;
	v31 =	vld.idx.msk [tilespmem:v41+s25+$0x0], $0xffff  }
0x508: {  	v41 =	vtrunc.f32 v23;
	v17 =	vsel vm5, v17, v29;
	v29 =	vtrunc.f32 v28;
	[tilespmem:s1+$0x50] =	vst v14;
	v42 =	vld.idx.msk [tilespmem:v33+s24+$0x0], $0xffff  }
0x509: {  	v14 =	vmax.f32 v18, $0.0e+00;
	v41 =	vcvt.f32.s32 v41;
	v29 =	vcvt.f32.s32 v29;
	[tilespmem:s1+$0x20] =	vst v17;
	v49 =	vld.idx.msk [tilespmem:v44+s25+$0x0], $0xffff  }
0x50a: {  	v18 =	vadd.f32 v30, v27;
	v27 =	vmul.f32 v36, v45;
	v14 =	vmin.f32 v14, $8.999999040e+00;
	v17 =	vld.idx.msk [tilespmem:v46+s24+$0x0], $0xffff  }
0x50b: {  	vm5 =	vlt.f32 v24, $-3.000000000e+00;
	v30 =	vtrunc.f32 v8;
	v36 =	vtrunc.f32 v14;
	v45 =	vld.idx.msk [tilespmem:v47+s24+$0x0], $0xffff  }
0x50c: {  	v15 =	vsel vm6, v15, v18;
	v27 =	vadd.f32 v27, v40;
	v36 =	vcvt.f32.s32 v36;
	v40 =	vld.idx.msk [tilespmem:v43+s25+$0x0], $0xffff  }
0x50d: {  	v30 =	vcvt.f32.s32 v30;
	vm6 =	vgt.f32 v24, $5.000000000e+00;
	v31 =	vmul.f32 v37, v31;
	[tilespmem:s1+$0xFFFFFF40] =	vst v15;
	v15 =	vld.idx.msk [tilespmem:v47+s25+$0x0], $0xffff  }
0x50e: {  	vm5 =	vmor vm5, vm6;
	v25 =	vsel vm7, v25, v27;
	vm7 =	vlt.f32 v16, $-3.000000000e+00;
	v18 =	vld.idx.msk [tilespmem:v32+s24+$0x0], $0xffff  }
0x50f: {  	vm8 =	vgt.f32 v19, $5.000000000e+00;
	vm6 =	vlt.f32 v19, $-3.000000000e+00;
	v27 =	vadd.f32 v31, v39;
	[tilespmem:s1+$0xFFFFFF50] =	vst v25;
	v25 =	vld.idx.msk [tilespmem:v29+s24+$0x0], $0xffff  }
0x510: {  	vm9 =	vmor vm6, vm8;
	vm6 =	vlt.f32 v13, $-3.000000000e+00;
	vm8 =	vgt.f32 v13, $5.000000000e+00;
	v31 =	vld.idx.msk [tilespmem:v44+s24+$0x0], $0xffff  }
0x511: {  	vm8 =	vmor vm6, vm8;
	vm6 =	vlt.f32 v12, $-3.000000000e+00;
	v24 =	vsel vm5, v24, v27;
	v27 =	vld.idx.msk [tilespmem:v33+s25+$0x0], $0xffff  }
0x512: {  	vm5 =	vgt.f32 v12, $5.000000000e+00;
	v33 =	vmul.f32 v34, v40;
	v34 =	vmul.f32 v35, v49;
	v29 =	vld.idx.msk [tilespmem:v29+s25+$0x0], $0xffff;
	[tilespmem:s1+$0x60] =	vst v24  }
0x513: {  	vm10 =	vlt.f32 v11, $-3.000000000e+00;
	vm5 =	vmor vm6, vm5;
	v15 =	vmul.f32 v21, v15;
	v24 =	vld.idx.msk [tilespmem:v38+s24+$0x0], $0xffff  }
0x514: {  	vm11 =	vgt.f32 v6, $5.000000000e+00;
	vm6 =	vgt.f32 v11, $5.000000000e+00;
	v21 =	vadd.f32 v33, v48;
	v33 =	vld.idx.msk [tilespmem:v38+s25+$0x0], $0xffff  }
0x515: {  	vm6 =	vmor vm10, vm6;
	vm10 =	vgt.f32 v16, $5.000000000e+00;
	v15 =	vadd.f32 v15, v45;
	v35 =	vld.idx.msk [tilespmem:v41+s25+$0x0], $0xffff  }
0x516: {  	vm4 =	vmor vm4, vm11;
	vm7 =	vmor vm7, vm10;
	v21 =	vsel vm9, v19, v21;
	v37 =	vld.idx.msk [tilespmem:v46+s25+$0x0], $0xffff  }
0x517: {  	vm9 =	vlt.f32 v5, $-3.000000000e+00;
	v15 =	vsel vm8, v13, v15;
	v19 =	vld.idx.msk [tilespmem:v30+s24+$0x0], $0xffff;
	[tilespmem:s1+$0xFFFFFF60] =	vst v21;
	v21 =	vadd.f32 v34, v31  }
0x518: {  	vm3 =	vmor vm2, vm3;
	vm8 =	vgt.f32 v5, $5.000000000e+00;
	v28 =	vmul.f32 v28, v29;
	v13 =	vld.idx.msk [tilespmem:v32+s25+$0x0], $0xffff;
	[tilespmem:s1+$0x10] =	vst v15  }
0x519: {  	v26 =	vmul.f32 v26, v27;
	vm2 =	vmor vm9, vm8;
	v15 =	vld.idx.msk [tilespmem:v30+s25+$0x0], $0xffff;
	v21 =	vsel vm7, v16, v21  }
.Ltmp22:
0x51a: {  	vm7 =	vlt.f32 v4, $-3.000000000e+00;
	v27 =	vmul.f32 v20, v33;
	v25 =	vadd.f32 v28, v25;
	v16 =	vld.idx.msk [tilespmem:v36+s25+$0x0], $0xffff;
	[tilespmem:s1+$0x40] =	vst v21;
	(pc) =	sbr.rel @p0 .LBB2_46-.Ltmp22, $4  }
0x51b: {  	vm8 =	vgt.f32 v4, $5.000000000e+00;
	v21 =	vadd.f32 v26, v42;
	v20 =	vld.idx.msk [tilespmem:v41+s24+$0x0], $0xffff  }
0x51c: {  	v22 =	vmul.f32 v22, v37;
	v24 =	vadd.f32 v27, v24;
	v25 =	vsel vm5, v12, v25  }
0x51d: {  	vm5 =	vmor vm7, vm8;
	vm7 =	vlt.f32 v10, $-3.000000000e+00;
	vm8 =	vgt.f32 v10, $5.000000000e+00;
	v12 =	vld.idx.msk [tilespmem:v36+s24+$0x0], $0xffff;
	[tilespmem:s1+$0x30] =	vst v25  }
0x51e: {  	s2 =	sadd.s32 $0x200, s2;
	v24 =	vsel vm6, v11, v24;
	v11 =	vmul.f32 v23, v35;
	vm6 =	vmor vm7, vm8  }
0x51f: {  	v17 =	vadd.f32 v22, v17;
	v10 =	vsel vm6, v10, v21;
	v8 =	vmul.f32 v8, v15  }
0x520: {  	[tilespmem:s31+$0xFFFFFF70] =	vst v24;
	v9 =	vmul.f32 v9, v13;
	v61 =	vmul.f32 v14, v16;
	v11 =	vadd.f32 v11, v20  }
0x521: {  	vm15 =	vgt.f32 v3, $5.000000000e+00;
	[tilespmem:s31+$0x70] =	vst v10;
	v6 =	vsel vm4, v6, v17;
	v8 =	vadd.f32 v8, v19  }
0x522: {  	vm1 =	vmor vm1, vm15;
	v62 =	vadd.f32 v9, v18;
	[tilespmem:s31+$0xFFFFFF00] =	vst v6;
	v7 =	vsel vm3, v7, v11  }
0x523: {  	v63 =	vadd.f32 v61, v12;
	v3 =	vsel vm1, v3, v8;
	[tilespmem:s31+$0x0] =	vst v7  }
0x524: {  	v5 =	vsel vm2, v5, v62;
	[tilespmem:s31+$0xFFFFFF10] =	vst v3  }
0x525: {  	s0 =	simm.s32 $0x8280;
	v3 =	vsel vm5, v4, v63;
	[tilespmem:s31+$0xFFFFFF30] =	vst v5  }
0x526: {  	s1 =	simm.s32 $0x10;
	s2 =	simm.s32 $0x8380;
	[tilespmem:s31+$0xFFFFFF20] =	vst v3;
	s31 =	sadd.s32 $0x0, s19  }
.LBB2_48:
0x527: {  	[hbm4b:s31+s3] =	stream.linear.scatter [tilespmem:s0], [sflag:$0x4], $0x80, $0x38;
	[tilespmem:$0x10200] =	vst v63  }
0x528: {  	s31 =	smov.u32 s1;
	s0 =	smov.u32 s2;
	p0 =	sne.s32 s1, $0x7F0  }
.Ltmp23:
0x529: {  	s1 =	sadd.s32 $0x10, s1;
	(pc) =	sbr.rel @p0 .LBB2_48-.Ltmp23, $2  }
0x52a: {  	_ =	sdelay $0x2  }
0x52b: {  	s2 =	sadd.s32 $0x100, s2;
	s31 =	sadd.s32 s31, s19  }
0x52c: {  	[hbm4b:s31+s3] =	stream.linear.scatter [tilespmem:s0], [sflag:$0x4], $0x80, $0x38;
	[tilespmem:$0x10200] =	vst v63  }
0x52d: {  	s30 =	sadd.s32 $0x1, s30  }
0x52e: {  	_ =	swait.ge [sflag:s28], $0x4000;
	p0 =	sne.s32 s30, s20  }
.Ltmp24:
0x52f: {  	[sflag:s28] =	ssyncset.done $0x0;
	(pc) =	sbr.rel @p0 .LBB2_1-.Ltmp24, $4  }
0x530: {  	[sflag:s28] =	ssyncadd.s32 $0xFFFFC000  }
0x531: {  	_ =	swait.ge [sflag:s29], $0x4000  }
0x532: {  	[sflag:s29] =	ssyncset.done $0x0  }
0x533: {  	[sflag:s29] =	ssyncadd.s32 $0xFFFFC000  }
0x534: {  	_ =	sfence.sel $0x180000  }
0x535: {  	[bflag:$0x0] =	sbarrier.arrive $0xFFFF  }
0x536: {  	_ =	strace $0x90000047  }
0x537: {  	s0 =	stileid.u32;
	[bflag:$0x2] =	sbarrier.arrive $0xFFFF  }
0x538: {  	p0 =	sne.s32 s0, $0x0;
	s0 =	rddreg [dreg:$0x3]  }
0x539: {  	s0 =	sadd.s32 @!p0 $0x100000, s0  }
0x53a: {  	[sflag:s0] =	ssyncadd.tile.s32 @!p0 $0x1;
	_ =	shalt  }
.Lfunc_end2:
_tile_overlayer_lowered:
.L_overlay_start_2:
0x53b: {  	(tag) =	ssettag $0x2  }
0x53c: {  	s0 =	rddreg [dreg:$0x0];
	s2 =	stileid.u32  }
0x53d: {  	s1 =	rddreg [dreg:$0x1];
	p0 =	sne.s32 s2, $0x0  }
0x53e: {  	s3 =	rddreg [dreg:$0x2];
	[bflag:$0x3] =	sbarrier.arrive $0xFFFF;
	s2 =	simm.s32 @!p0 $0x1C05  }
0x53f: {  	[timem:s3], [sflag:s2] =	dma.local @!p0 [hbm:s0], s1  }
0x540: {  	s0 =	simm.s32 @!p0 $0x5  }
0x541: {  	_ =	swait.ge @!p0 [sflag:s0], s1  }
0x542: {  	s1 =	ssub.s32 @!p0 $0x0, s1;
	[sflag:s0] =	ssyncset.done @!p0 $0x0  }
0x543: {  	[sflag:s0] =	ssyncadd.s32 @!p0 s1  }
0x544: {  	[bflag:$0x3] =	sbarrier.arrive $0xFFFF  }
0x545: {  	_ =	shalt  }

</sc_bundles>
